<compile_context>
chip_gen: v7x
topology: tpu7x:2x2x1
jax: 0.10.2.dev20260603
libtpu: 0.0.44.dev20260713+nightly
codegen_flags: <defaults>
</compile_context>

<pallas_src>
import functools

import jax
import jax.numpy as jnp
from jax import lax
from jax.experimental import pallas as pl
from jax.experimental.pallas import tpu as pltpu
from jax.experimental.pallas import tpu_sc as plsc

B = 4
N = 500000
D = 16
GX = GY = GZ = 64
GC = GX * GY * GZ
CHUNK = 65536
NCHUNK = GC // CHUNK
NROUND = B * (NCHUNK // 2)
P = 1024
NBLK = (N + P - 1) // P
STEPS = (NBLK + 15) // 16
G = 1024
SCAP = G + P + 16
DUMP = 4096
GROWS = CHUNK + DUMP
TSLICE = GROWS // 16


def _sc_body(locs_hbm, data_hbm, dens_hbm, out_hbm,
             locs_v0, locs_v1, dens_v0, dens_v1,
             st_cell, st_rid, st_wgt, cellbuf, ridbuf, wbuf, gbuf, zbuf,
             grid_sh, wp_ref, pend_ref, b_ref,
             insem0, insem1, gsem):
    c = lax.axis_index("c")
    s = lax.axis_index("s")
    lane = lax.iota(jnp.int32, 16)
    locs_v = (locs_v0, locs_v1)
    dens_v = (dens_v0, dens_v1)
    insem = (insem0, insem1)

    def _z(i, _):
        zbuf[i, :] = jnp.zeros((16,), jnp.float32)
        return 0
    lax.fori_loop(0, P, _z, 0, unroll=4)
    wp_ref[0] = 0
    pend_ref[0] = 0
    b_ref[0] = 0

    def block_start(it):
        return jnp.minimum((it * 16 + s) * P, N - P)

    def drain_pending():
        @pl.when(pend_ref[0] == 1)
        def _():
            pltpu.make_async_copy(data_hbm.at[b_ref[0]].at[ridbuf], gbuf, gsem).wait()

            def _scale(g, _):
                wvec = wbuf[pl.ds(g * 16, 16)]
                for j in range(16):
                    i = g * 16 + j
                    gbuf[i, :] = gbuf[i, :] * wvec[j]
                return 0
            lax.fori_loop(0, G // 16, _scale, 0)
            pltpu.sync_copy(gbuf, grid_sh.at[cellbuf], add=True)
            pend_ref[0] = 0

    def compact_block(it, sl, my_chunk):
        s0 = (it * 16 + s) * P
        cs = block_start(it)
        lv, dv = locs_v[sl], dens_v[sl]

        def _group(g, wp):
            i16 = g * 16
            ivec = i16 + lane
            x = plsc.load_gather(lv, [ivec, jnp.zeros((16,), jnp.int32)])
            y = plsc.load_gather(lv, [ivec, jnp.full((16,), 1, jnp.int32)])
            z = plsc.load_gather(lv, [ivec, jnp.full((16,), 2, jnp.int32)])
            w = plsc.load_gather(lv, [ivec, jnp.full((16,), 3, jnp.int32)])
            dens = dv[pl.ds(i16, 16)]
            cx = jnp.clip((x * 64.0).astype(jnp.int32), 0, 63)
            cy = jnp.clip((y * 64.0).astype(jnp.int32), 0, 63)
            cz = jnp.clip((z * 64.0).astype(jnp.int32), 0, 63)
            flat = cx * 4096 + cy * 64 + cz
            valid = (cs + ivec) >= s0
            match = valid & (lax.shift_right_logical(flat, 16) == my_chunk)
            plsc.store_compressed(st_cell.at[pl.ds(wp, 16)],
                                  jnp.bitwise_and(flat, CHUNK - 1), mask=match)
            plsc.store_compressed(st_rid.at[pl.ds(wp, 16)],
                                  cs + ivec, mask=match)
            plsc.store_compressed(st_wgt.at[pl.ds(wp, 16)],
                                  1.0 / (w * dens), mask=match)
            cnt = plsc.all_reduce_population_count(match)
            return wp + cnt[0]
        wp = lax.fori_loop(0, P // 16, _group, wp_ref[0], unroll=2)
        wp_ref[0] = wp

    def maybe_fire():
        drain_pending()

        @pl.when(wp_ref[0] >= G)
        def _():
            def _cp(k, _):
                sel = pl.ds(k * 16, 16)
                cellbuf[sel] = st_cell[sel]
                ridbuf[sel] = st_rid[sel]
                wbuf[sel] = st_wgt[sel]
                return 0
            lax.fori_loop(0, G // 16, _cp, 0)
            wp = wp_ref[0]

            def _sh(k, _):
                dst = pl.ds(k * 16, 16)
                srcs = pl.ds(G + k * 16, 16)
                st_cell[dst] = st_cell[srcs]
                st_rid[dst] = st_rid[srcs]
                st_wgt[dst] = st_wgt[srcs]
                return 0
            lax.fori_loop(0, (wp - G + 15) // 16, _sh, 0)
            wp_ref[0] = wp - G
            pltpu.async_copy(data_hbm.at[b_ref[0]].at[ridbuf], gbuf, gsem)
            pend_ref[0] = 1

    def final_drain(my_chunk):
        drain_pending()

        @pl.when(wp_ref[0] > 0)
        def _():
            wp = wp_ref[0]

            def _pad(k, _):
                sel = pl.ds(k * 16, 16)
                inb = (k * 16 + lane) < wp
                dump = CHUNK + jnp.bitwise_and(k * 16 + lane, DUMP - 1)
                cellbuf[sel] = jnp.where(inb, st_cell[sel], dump)
                ridbuf[sel] = jnp.where(inb, st_rid[sel], 0)
                wbuf[sel] = st_wgt[sel]
                return 0
            lax.fori_loop(0, G // 16, _pad, 0)
            pltpu.async_copy(data_hbm.at[b_ref[0]].at[ridbuf], gbuf, gsem)
            pend_ref[0] = 1
            wp_ref[0] = 0
        drain_pending()

    def round_body(r, _):
        b = r // 2
        b_ref[0] = b
        my_chunk = (r % 2) * 2 + c

        zb = s * TSLICE
        for k in range(TSLICE // P):
            pltpu.sync_copy(zbuf, grid_sh.at[pl.ds(zb + k * P, P), :])
        pltpu.sync_copy(zbuf.at[pl.ds(0, TSLICE - (TSLICE // P) * P), :],
                        grid_sh.at[pl.ds(zb + (TSLICE // P) * P,
                                         TSLICE - (TSLICE // P) * P), :])
        plsc.subcore_barrier()

        def active(it):
            return (it * 16 + s) < NBLK

        def start_in(it, sl):
            @pl.when(active(it))
            def _():
                cs = block_start(it)
                pltpu.async_copy(locs_hbm.at[b, pl.ds(cs, P), :],
                                 locs_v[sl], insem[sl])
                pltpu.async_copy(dens_hbm.at[b, pl.ds(cs, P)],
                                 dens_v[sl], insem[sl])

        def wait_in(it, sl):
            @pl.when(active(it))
            def _():
                pltpu.make_async_copy(locs_hbm.at[0, pl.ds(0, P), :],
                                      locs_v[sl], insem[sl]).wait()
                pltpu.make_async_copy(dens_hbm.at[0, pl.ds(0, P)],
                                      dens_v[sl], insem[sl]).wait()

        start_in(0, 0)

        def pipe(i, _):
            for u in range(2):
                it = i * 2 + u
                start_in(it + 1, u ^ 1)
                wait_in(it, u)

                @pl.when(active(it))
                def _(it=it, u=u):
                    compact_block(it, u, my_chunk)
                maybe_fire()
            return 0
        lax.fori_loop(0, (STEPS + 1) // 2, pipe, 0)
        final_drain(my_chunk)
        plsc.subcore_barrier()

        base = b * GC + my_chunk * CHUNK + s * (CHUNK // 16)
        pltpu.sync_copy(grid_sh.at[pl.ds(s * (CHUNK // 16), CHUNK // 16), :],
                        out_hbm.at[pl.ds(base, CHUNK // 16), :])
        plsc.subcore_barrier()
        return 0

    lax.fori_loop(0, NROUND, round_body, 0)


@jax.jit
def _p2g(locs_f, data_f, dens_f):
    mesh = plsc.VectorSubcoreMesh(core_axis_name="c", subcore_axis_name="s")
    return pl.kernel(
        _sc_body,
        out_type=jax.ShapeDtypeStruct((B * GC, D), jnp.float32),
        mesh=mesh,
        compiler_params=pltpu.CompilerParams(
            needs_layout_passes=False, use_tc_tiling_on_sc=False),
        scratch_types=[
            pltpu.VMEM((P, 4), jnp.float32),
            pltpu.VMEM((P, 4), jnp.float32),
            pltpu.VMEM((P,), jnp.float32),
            pltpu.VMEM((P,), jnp.float32),
            pltpu.VMEM((SCAP,), jnp.int32),
            pltpu.VMEM((SCAP,), jnp.int32),
            pltpu.VMEM((SCAP,), jnp.float32),
            pltpu.VMEM((G,), jnp.int32),
            pltpu.VMEM((G,), jnp.int32),
            pltpu.VMEM((G,), jnp.float32),
            pltpu.VMEM((G, D), jnp.float32),
            pltpu.VMEM((P, D), jnp.float32),
            pltpu.VMEM_SHARED((GROWS, D), jnp.float32),
            pltpu.SMEM((1,), jnp.int32),
            pltpu.SMEM((1,), jnp.int32),
            pltpu.SMEM((1,), jnp.int32),
            pltpu.SemaphoreType.DMA,
            pltpu.SemaphoreType.DMA,
            pltpu.SemaphoreType.DMA,
        ],
    )(locs_f, data_f, dens_f)


def kernel(locs, data, density):
    out = _p2g(locs, data, density)
    return out.reshape(B, GX, GY, GZ, D)

# --- scband reference (transcript-rebuilt; emitter-appended) ---
"""Pipeline reference for scband-particles2-grid-18915035972383 (READ-ONLY COPY).

The authoritative reference and input builder live on the scoring server;
editing this copy changes nothing except your own understanding.
"""

import jax, jax.numpy as jnp
import numpy as np

GRID_SHAPE = (64, 64, 64)
GRID_LOWER = (0.0, 0.0, 0.0)
GRID_STEPS = (0.015625, 0.015625, 0.015625)
RADIUS = 0.05


def setup_inputs(seed: int = 0) -> dict:
    key = jax.random.key(seed)
    k1, k2, k3 = jax.random.split(key, 3)
    B, N, D = 4, 500000, 16
    # xyzw: xyz positions in [0,1), w = INVERSE mass (kept away from 0 for stability)
    locs = jax.random.uniform(k1, (B, N, 4), dtype=jnp.float32, minval=0.0, maxval=1.0)
    locs = locs.at[..., 3].set(locs[..., 3] * 0.9 + 0.1)
    data = jax.random.normal(k2, (B, N, D), dtype=jnp.float32)
    density = jax.random.uniform(k3, (B, N), dtype=jnp.float32, minval=0.0, maxval=1.0) * 0.9 + 0.1
    return {"locs": locs, "data": data, "density": density}


def reference(locs, data, density):
    # Particle-to-grid SPH splat: each particle deposits data * (mass / density)
    # into the grid cell containing it. mass = 1 / w (w stored as inverse mass).
    B, N, _ = locs.shape
    GX, GY, GZ = GRID_SHAPE
    D = data.shape[-1]
    lower = jnp.asarray(GRID_LOWER, dtype=locs.dtype)
    steps = jnp.asarray(GRID_STEPS, dtype=locs.dtype)
    cell = jnp.floor((locs[..., :3] - lower) / steps).astype(jnp.int32)
    cell = jnp.clip(cell, 0, jnp.asarray([GX - 1, GY - 1, GZ - 1], dtype=jnp.int32))
    mass = 1.0 / locs[..., 3]
    weight = mass / density  # [B, N]
    contrib = data * weight[..., None]  # [B, N, D]
    batch_off = (jnp.arange(B, dtype=jnp.int32) * (GX * GY * GZ))[:, None]  # [B,1]
    flat_idx = batch_off + cell[..., 0] * (GY * GZ) + cell[..., 1] * GZ + cell[..., 2]  # [B, N]
    grid = jnp.zeros((B * GX * GY * GZ, D), dtype=data.dtype)
    grid = grid.at[flat_idx.reshape(-1)].add(contrib.reshape(-1, D))
    return grid.reshape(B, GX, GY, GZ, D)

if __name__ == "__main__":
    import jax
    _d = setup_inputs()
    print(jax.jit(kernel)(*tuple(_d.values())))

</pallas_src>

<mosaic_0001>
#map = affine_map<(d0, d1) -> (0, 0, 0)>
#map1 = affine_map<(d0, d1) -> (0, 0)>
module attributes {stable_mosaic.version = 14 : i64} {
  func.func @_sc_body(%arg0: i32, %arg1: i32, %arg2: memref<4x500000x4xf32, #tpu.memory_space<hbm>>, %arg3: memref<4x500000x16xf32, #tpu.memory_space<hbm>>, %arg4: memref<4x500000xf32, #tpu.memory_space<hbm>>, %arg5: memref<1048576x16xf32, #tpu.memory_space<hbm>>, %arg6: memref<1024x4xf32, #tpu.memory_space<vmem>>, %arg7: memref<1024x4xf32, #tpu.memory_space<vmem>>, %arg8: memref<1024xf32, #tpu.memory_space<vmem>>, %arg9: memref<1024xf32, #tpu.memory_space<vmem>>, %arg10: memref<2064xi32, #tpu.memory_space<vmem>>, %arg11: memref<2064xi32, #tpu.memory_space<vmem>>, %arg12: memref<2064xf32, #tpu.memory_space<vmem>>, %arg13: memref<1024xi32, #tpu.memory_space<vmem>>, %arg14: memref<1024xi32, #tpu.memory_space<vmem>>, %arg15: memref<1024xf32, #tpu.memory_space<vmem>>, %arg16: memref<1024x16xf32, #tpu.memory_space<vmem>>, %arg17: memref<1024x16xf32, #tpu.memory_space<vmem>>, %arg18: memref<69632x16xf32, #tpu.memory_space<vmem_shared>>, %arg19: memref<1xi32, #tpu.memory_space<smem>>, %arg20: memref<1xi32, #tpu.memory_space<smem>>, %arg21: memref<1xi32, #tpu.memory_space<smem>>, %arg22: memref<!tpu.dma_semaphore, #tpu.memory_space<semaphore_mem>>, %arg23: memref<!tpu.dma_semaphore, #tpu.memory_space<semaphore_mem>>, %arg24: memref<!tpu.dma_semaphore, #tpu.memory_space<semaphore_mem>>) attributes {dimension_semantics = [#tpu.dimension_semantics<core_parallel>, #tpu.dimension_semantics<subcore_parallel>], iteration_bounds = array<i64: 2, 16>, scalar_prefetch = 0 : i64, scratch_operands = 19 : i64, tpu.core_type = #tpu.core_type<sc_vector_subcore>, window_params = [{transform_indices = #map}, {transform_indices = #map}, {transform_indices = #map1}, {transform_indices = #map1}]} {
    %iota3A = tpu.iota {dimensions = array<i32: 0>} : vector<16xi32>
    %scan3A = arith.constant 0 : i32
    %scan3A_0 = arith.constant 0 : i32
    %scan3A_1 = arith.constant 1024 : i32
    %scan3A_2 = arith.addi %scan3A_0, %scan3A_1 : i32
    %scan3A_3 = arith.constant 4 : i32
    %scan3A_4 = scf.for %scan3A_24 = %scan3A_0 to %scan3A_2 step %scan3A_3 iter_args(%scan3A_25 = %scan3A) -> (i32)  : i32 {
      %broadcast_in_dim3A = arith.constant 0.000000e+00 : f32
      %broadcast_in_dim3A_26 = vector.broadcast %broadcast_in_dim3A : f32 to vector<16xf32>
      %swap3A_27 = arith.index_cast %scan3A_24 : i32 to index
      %swap3A_28 = arith.constant 0 : index
      %swap3A_29 = tpu.vector_load %arg17[%swap3A_27, %swap3A_28] {strides = array<i32>} : memref<1024x16xf32, #tpu.memory_space<vmem>>, vector<16xf32>,
      tpu.vector_store %arg17[%swap3A_27, %swap3A_28], %broadcast_in_dim3A_26 {strides = array<i32>} : memref<1024x16xf32, #tpu.memory_space<vmem>>, vector<16xf32>,
      %scan3A_30 = arith.constant 0 : i32
      %scan3A_31 = arith.constant 1 : i32
      %scan3A_32 = arith.addi %scan3A_24, %scan3A_31 : i32
      %broadcast_in_dim3A_33 = arith.constant 0.000000e+00 : f32
      %broadcast_in_dim3A_34 = vector.broadcast %broadcast_in_dim3A_33 : f32 to vector<16xf32>
      %swap3A_35 = arith.index_cast %scan3A_32 : i32 to index
      %swap3A_36 = arith.constant 0 : index
      %swap3A_37 = tpu.vector_load %arg17[%swap3A_35, %swap3A_36] {strides = array<i32>} : memref<1024x16xf32, #tpu.memory_space<vmem>>, vector<16xf32>,
      tpu.vector_store %arg17[%swap3A_35, %swap3A_36], %broadcast_in_dim3A_34 {strides = array<i32>} : memref<1024x16xf32, #tpu.memory_space<vmem>>, vector<16xf32>,
      %scan3A_38 = arith.constant 0 : i32
      %scan3A_39 = arith.constant 2 : i32
      %scan3A_40 = arith.addi %scan3A_24, %scan3A_39 : i32
      %broadcast_in_dim3A_41 = arith.constant 0.000000e+00 : f32
      %broadcast_in_dim3A_42 = vector.broadcast %broadcast_in_dim3A_41 : f32 to vector<16xf32>
      %swap3A_43 = arith.index_cast %scan3A_40 : i32 to index
      %swap3A_44 = arith.constant 0 : index
      %swap3A_45 = tpu.vector_load %arg17[%swap3A_43, %swap3A_44] {strides = array<i32>} : memref<1024x16xf32, #tpu.memory_space<vmem>>, vector<16xf32>,
      tpu.vector_store %arg17[%swap3A_43, %swap3A_44], %broadcast_in_dim3A_42 {strides = array<i32>} : memref<1024x16xf32, #tpu.memory_space<vmem>>, vector<16xf32>,
      %scan3A_46 = arith.constant 0 : i32
      %scan3A_47 = arith.constant 3 : i32
      %scan3A_48 = arith.addi %scan3A_24, %scan3A_47 : i32
      %broadcast_in_dim3A_49 = arith.constant 0.000000e+00 : f32
      %broadcast_in_dim3A_50 = vector.broadcast %broadcast_in_dim3A_49 : f32 to vector<16xf32>
      %swap3A_51 = arith.index_cast %scan3A_48 : i32 to index
      %swap3A_52 = arith.constant 0 : index
      %swap3A_53 = tpu.vector_load %arg17[%swap3A_51, %swap3A_52] {strides = array<i32>} : memref<1024x16xf32, #tpu.memory_space<vmem>>, vector<16xf32>,
      tpu.vector_store %arg17[%swap3A_51, %swap3A_52], %broadcast_in_dim3A_50 {strides = array<i32>} : memref<1024x16xf32, #tpu.memory_space<vmem>>, vector<16xf32>,
      %scan3A_54 = arith.constant 0 : i32
      scf.yield %scan3A_54 : i32
    }
    %scan3A_5 = arith.constant 1024 : i32
    %swap3A = arith.constant 0 : i32
    %swap3A_6 = arith.constant 0 : i32
    %swap3A_7 = arith.index_cast %swap3A_6 : i32 to index
    %swap3A_8 = memref.load %arg19[%swap3A_7] : memref<1xi32, #tpu.memory_space<smem>>
    memref.store %swap3A, %arg19[%swap3A_7] : memref<1xi32, #tpu.memory_space<smem>>
    %swap3A_9 = arith.constant 0 : i32
    %swap3A_10 = arith.constant 0 : i32
    %swap3A_11 = arith.index_cast %swap3A_10 : i32 to index
    %swap3A_12 = memref.load %arg20[%swap3A_11] : memref<1xi32, #tpu.memory_space<smem>>
    memref.store %swap3A_9, %arg20[%swap3A_11] : memref<1xi32, #tpu.memory_space<smem>>
    %swap3A_13 = arith.constant 0 : i32
    %swap3A_14 = arith.constant 0 : i32
    %swap3A_15 = arith.index_cast %swap3A_14 : i32 to index
    %swap3A_16 = memref.load %arg21[%swap3A_15] : memref<1xi32, #tpu.memory_space<smem>>
    memref.store %swap3A_13, %arg21[%swap3A_15] : memref<1xi32, #tpu.memory_space<smem>>
    %scan3A_17 = arith.constant 0 : i32
    %scan3A_18 = arith.constant 0 : i32
    %scan3A_19 = arith.constant 8 : i32
    %scan3A_20 = arith.addi %scan3A_18, %scan3A_19 : i32
    %scan3A_21 = arith.constant 1 : i32
    %scan3A_22 = scf.for %scan3A_24 = %scan3A_18 to %scan3A_20 step %scan3A_21 iter_args(%scan3A_25 = %scan3A_17) -> (i32)  : i32 {
      %jit3A = arith.constant 2 : i32
      %div3A = arith.divsi %scan3A_24, %jit3A : i32
      %sign3A = arith.constant 0 : i32
      %sign3A_26 = arith.cmpi sgt, %scan3A_24, %sign3A : i32
      %sign3A_27 = arith.extui %sign3A_26 : i1 to i32
      %sign3A_28 = arith.constant 0 : i32
      %sign3A_29 = arith.cmpi slt, %scan3A_24, %sign3A_28 : i32
      %sign3A_30 = arith.extui %sign3A_29 : i1 to i32
      %sign3A_31 = arith.subi %sign3A_27, %sign3A_30 : i32
      %sign3A_32 = arith.constant 0 : i32
      %sign3A_33 = arith.cmpi sgt, %jit3A, %sign3A_32 : i32
      %sign3A_34 = arith.extui %sign3A_33 : i1 to i32
      %sign3A_35 = arith.constant 0 : i32
      %sign3A_36 = arith.cmpi slt, %jit3A, %sign3A_35 : i32
      %sign3A_37 = arith.extui %sign3A_36 : i1 to i32
      %sign3A_38 = arith.subi %sign3A_34, %sign3A_37 : i32
      %ne3A = arith.cmpi ne, %sign3A_31, %sign3A_38 : i32
      %rem3A = arith.remsi %scan3A_24, %jit3A : i32
      %ne3A_39 = arith.constant 0 : i32
      %ne3A_40 = arith.cmpi ne, %rem3A, %ne3A_39 : i32
      %and3A = arith.andi %ne3A, %ne3A_40 : i1
      %sub3A = arith.constant 1 : i32
      %sub3A_41 = arith.subi %div3A, %sub3A : i32
      %select_n3A = arith.select %and3A, %sub3A_41, %div3A : i32
      %swap3A_42 = arith.constant 0 : i32
      %swap3A_43 = arith.index_cast %swap3A_42 : i32 to index
      %swap3A_44 = memref.load %arg21[%swap3A_43] : memref<1xi32, #tpu.memory_space<smem>>
      memref.store %select_n3A, %arg21[%swap3A_43] : memref<1xi32, #tpu.memory_space<smem>>
      %jit3A_45 = arith.constant 2 : i32
      %eq3A = arith.constant 0 : i32
      %eq3A_46 = arith.cmpi eq, %jit3A_45, %eq3A : i32
      %jit3A_47 = arith.constant 1 : i32
      %select_n3A_48 = arith.select %eq3A_46, %jit3A_47, %jit3A_45 : i32
      %rem3A_49 = arith.remsi %scan3A_24, %select_n3A_48 : i32
      %ne3A_50 = arith.constant 0 : i32
      %ne3A_51 = arith.cmpi ne, %rem3A_49, %ne3A_50 : i32
      %lt3A = arith.constant 0 : i32
      %lt3A_52 = arith.cmpi slt, %rem3A_49, %lt3A : i32
      %lt3A_53 = arith.constant 0 : i32
      %lt3A_54 = arith.cmpi slt, %select_n3A_48, %lt3A_53 : i32
      %ne3A_55 = arith.xori %lt3A_52, %lt3A_54 : i1
      %and3A_56 = arith.andi %ne3A_55, %ne3A_51 : i1
      %add3A = arith.addi %rem3A_49, %select_n3A_48 : i32
      %select_n3A_57 = arith.select %and3A_56, %add3A, %rem3A_49 : i32
      %mul3A = arith.constant 2 : i32
      %mul3A_58 = arith.muli %select_n3A_57, %mul3A : i32
      %add3A_59 = arith.addi %mul3A_58, %arg0 : i32
      %mul3A_60 = arith.constant 4352 : i32
      %mul3A_61 = arith.muli %arg1, %mul3A_60 : i32
      %add3A_62 = arith.constant 0 : i32
      %add3A_63 = arith.addi %mul3A_61, %add3A_62 : i32
      "tpu.region"() ({
        %run_scoped3A = tpu.sem_alloc : memref<!tpu.dma_semaphore, #tpu.memory_space<semaphore_mem>>
        %dma_start3A = arith.constant 0 : i32
        %dma_start3A_119 = tpu.memref_slice %arg18[%add3A_63, %dma_start3A] : memref<69632x16xf32, #tpu.memory_space<vmem_shared>> -> memref<1024x16xf32, #tpu.memory_space<vmem_shared>>
        %dma_start3A_120 = arith.constant 0 : i32
        %dma_start3A_121 = tpu.memref_slice %arg18[%add3A_63, %dma_start3A_120] : memref<69632x16xf32, #tpu.memory_space<vmem_shared>> -> memref<1024x16xf32, #tpu.memory_space<vmem_shared>>
        tpu.enqueue_dma source(%arg17 : memref<1024x16xf32, #tpu.memory_space<vmem>>) target(%dma_start3A_121 : memref<1024x16xf32, #tpu.memory_space<vmem_shared>>) target_semaphore(%run_scoped3A : memref<!tpu.dma_semaphore, #tpu.memory_space<semaphore_mem>>)
        %dma_wait3A = arith.constant 0 : i32
        %dma_wait3A_122 = tpu.memref_slice %arg18[%add3A_63, %dma_wait3A] : memref<69632x16xf32, #tpu.memory_space<vmem_shared>> -> memref<1024x16xf32, #tpu.memory_space<vmem_shared>>
        %dma_wait3A_123 = arith.constant 0 : i32
        %dma_wait3A_124 = tpu.memref_slice %arg18[%add3A_63, %dma_wait3A_123] : memref<69632x16xf32, #tpu.memory_space<vmem_shared>> -> memref<1024x16xf32, #tpu.memory_space<vmem_shared>>
        tpu.wait_dma2 semaphore(%run_scoped3A : memref<!tpu.dma_semaphore, #tpu.memory_space<semaphore_mem>>) src(%arg17 : memref<1024x16xf32, #tpu.memory_space<vmem>>) dst(%dma_wait3A_124 : memref<1024x16xf32, #tpu.memory_space<vmem_shared>>)
        tpu.yield
      }) : () -> ()
      %add3A_64 = arith.constant 1024 : i32
      %add3A_65 = arith.addi %mul3A_61, %add3A_64 : i32
      "tpu.region"() ({
        %run_scoped3A = tpu.sem_alloc : memref<!tpu.dma_semaphore, #tpu.memory_space<semaphore_mem>>
        %dma_start3A = arith.constant 0 : i32
        %dma_start3A_119 = tpu.memref_slice %arg18[%add3A_65, %dma_start3A] : memref<69632x16xf32, #tpu.memory_space<vmem_shared>> -> memref<1024x16xf32, #tpu.memory_space<vmem_shared>>
        %dma_start3A_120 = arith.constant 0 : i32
        %dma_start3A_121 = tpu.memref_slice %arg18[%add3A_65, %dma_start3A_120] : memref<69632x16xf32, #tpu.memory_space<vmem_shared>> -> memref<1024x16xf32, #tpu.memory_space<vmem_shared>>
        tpu.enqueue_dma source(%arg17 : memref<1024x16xf32, #tpu.memory_space<vmem>>) target(%dma_start3A_121 : memref<1024x16xf32, #tpu.memory_space<vmem_shared>>) target_semaphore(%run_scoped3A : memref<!tpu.dma_semaphore, #tpu.memory_space<semaphore_mem>>)
        %dma_wait3A = arith.constant 0 : i32
        %dma_wait3A_122 = tpu.memref_slice %arg18[%add3A_65, %dma_wait3A] : memref<69632x16xf32, #tpu.memory_space<vmem_shared>> -> memref<1024x16xf32, #tpu.memory_space<vmem_shared>>
        %dma_wait3A_123 = arith.constant 0 : i32
        %dma_wait3A_124 = tpu.memref_slice %arg18[%add3A_65, %dma_wait3A_123] : memref<69632x16xf32, #tpu.memory_space<vmem_shared>> -> memref<1024x16xf32, #tpu.memory_space<vmem_shared>>
        tpu.wait_dma2 semaphore(%run_scoped3A : memref<!tpu.dma_semaphore, #tpu.memory_space<semaphore_mem>>) src(%arg17 : memref<1024x16xf32, #tpu.memory_space<vmem>>) dst(%dma_wait3A_124 : memref<1024x16xf32, #tpu.memory_space<vmem_shared>>)
        tpu.yield
      }) : () -> ()
      %add3A_66 = arith.constant 2048 : i32
      %add3A_67 = arith.addi %mul3A_61, %add3A_66 : i32
      "tpu.region"() ({
        %run_scoped3A = tpu.sem_alloc : memref<!tpu.dma_semaphore, #tpu.memory_space<semaphore_mem>>
        %dma_start3A = arith.constant 0 : i32
        %dma_start3A_119 = tpu.memref_slice %arg18[%add3A_67, %dma_start3A] : memref<69632x16xf32, #tpu.memory_space<vmem_shared>> -> memref<1024x16xf32, #tpu.memory_space<vmem_shared>>
        %dma_start3A_120 = arith.constant 0 : i32
        %dma_start3A_121 = tpu.memref_slice %arg18[%add3A_67, %dma_start3A_120] : memref<69632x16xf32, #tpu.memory_space<vmem_shared>> -> memref<1024x16xf32, #tpu.memory_space<vmem_shared>>
        tpu.enqueue_dma source(%arg17 : memref<1024x16xf32, #tpu.memory_space<vmem>>) target(%dma_start3A_121 : memref<1024x16xf32, #tpu.memory_space<vmem_shared>>) target_semaphore(%run_scoped3A : memref<!tpu.dma_semaphore, #tpu.memory_space<semaphore_mem>>)
        %dma_wait3A = arith.constant 0 : i32
        %dma_wait3A_122 = tpu.memref_slice %arg18[%add3A_67, %dma_wait3A] : memref<69632x16xf32, #tpu.memory_space<vmem_shared>> -> memref<1024x16xf32, #tpu.memory_space<vmem_shared>>
        %dma_wait3A_123 = arith.constant 0 : i32
        %dma_wait3A_124 = tpu.memref_slice %arg18[%add3A_67, %dma_wait3A_123] : memref<69632x16xf32, #tpu.memory_space<vmem_shared>> -> memref<1024x16xf32, #tpu.memory_space<vmem_shared>>
        tpu.wait_dma2 semaphore(%run_scoped3A : memref<!tpu.dma_semaphore, #tpu.memory_space<semaphore_mem>>) src(%arg17 : memref<1024x16xf32, #tpu.memory_space<vmem>>) dst(%dma_wait3A_124 : memref<1024x16xf32, #tpu.memory_space<vmem_shared>>)
        tpu.yield
      }) : () -> ()
      %add3A_68 = arith.constant 3072 : i32
      %add3A_69 = arith.addi %mul3A_61, %add3A_68 : i32
      "tpu.region"() ({
        %run_scoped3A = tpu.sem_alloc : memref<!tpu.dma_semaphore, #tpu.memory_space<semaphore_mem>>
        %dma_start3A = arith.constant 0 : i32
        %dma_start3A_119 = tpu.memref_slice %arg18[%add3A_69, %dma_start3A] : memref<69632x16xf32, #tpu.memory_space<vmem_shared>> -> memref<1024x16xf32, #tpu.memory_space<vmem_shared>>
        %dma_start3A_120 = arith.constant 0 : i32
        %dma_start3A_121 = tpu.memref_slice %arg18[%add3A_69, %dma_start3A_120] : memref<69632x16xf32, #tpu.memory_space<vmem_shared>> -> memref<1024x16xf32, #tpu.memory_space<vmem_shared>>
        tpu.enqueue_dma source(%arg17 : memref<1024x16xf32, #tpu.memory_space<vmem>>) target(%dma_start3A_121 : memref<1024x16xf32, #tpu.memory_space<vmem_shared>>) target_semaphore(%run_scoped3A : memref<!tpu.dma_semaphore, #tpu.memory_space<semaphore_mem>>)
        %dma_wait3A = arith.constant 0 : i32
        %dma_wait3A_122 = tpu.memref_slice %arg18[%add3A_69, %dma_wait3A] : memref<69632x16xf32, #tpu.memory_space<vmem_shared>> -> memref<1024x16xf32, #tpu.memory_space<vmem_shared>>
        %dma_wait3A_123 = arith.constant 0 : i32
        %dma_wait3A_124 = tpu.memref_slice %arg18[%add3A_69, %dma_wait3A_123] : memref<69632x16xf32, #tpu.memory_space<vmem_shared>> -> memref<1024x16xf32, #tpu.memory_space<vmem_shared>>
        tpu.wait_dma2 semaphore(%run_scoped3A : memref<!tpu.dma_semaphore, #tpu.memory_space<semaphore_mem>>) src(%arg17 : memref<1024x16xf32, #tpu.memory_space<vmem>>) dst(%dma_wait3A_124 : memref<1024x16xf32, #tpu.memory_space<vmem_shared>>)
        tpu.yield
      }) : () -> ()
      %add3A_70 = arith.constant 4096 : i32
      %add3A_71 = arith.addi %mul3A_61, %add3A_70 : i32
      "tpu.region"() ({
        %run_scoped3A = tpu.sem_alloc : memref<!tpu.dma_semaphore, #tpu.memory_space<semaphore_mem>>
        %dma_start3A = arith.constant 0 : i32
        %dma_start3A_119 = arith.constant 0 : i32
        %dma_start3A_120 = tpu.memref_slice %arg17[%dma_start3A, %dma_start3A_119] : memref<1024x16xf32, #tpu.memory_space<vmem>> -> memref<256x16xf32, #tpu.memory_space<vmem>>
        %dma_start3A_121 = arith.constant 0 : i32
        %dma_start3A_122 = tpu.memref_slice %arg18[%add3A_71, %dma_start3A_121] : memref<69632x16xf32, #tpu.memory_space<vmem_shared>> -> memref<256x16xf32, #tpu.memory_space<vmem_shared>>
        %dma_start3A_123 = arith.constant 0 : i32
        %dma_start3A_124 = tpu.memref_slice %arg18[%add3A_71, %dma_start3A_123] : memref<69632x16xf32, #tpu.memory_space<vmem_shared>> -> memref<256x16xf32, #tpu.memory_space<vmem_shared>>
        %dma_start3A_125 = arith.constant 0 : i32
        %dma_start3A_126 = arith.constant 0 : i32
        %dma_start3A_127 = tpu.memref_slice %arg17[%dma_start3A_125, %dma_start3A_126] : memref<1024x16xf32, #tpu.memory_space<vmem>> -> memref<256x16xf32, #tpu.memory_space<vmem>>
        tpu.enqueue_dma source(%dma_start3A_127 : memref<256x16xf32, #tpu.memory_space<vmem>>) target(%dma_start3A_124 : memref<256x16xf32, #tpu.memory_space<vmem_shared>>) target_semaphore(%run_scoped3A : memref<!tpu.dma_semaphore, #tpu.memory_space<semaphore_mem>>)
        %dma_wait3A = arith.constant 0 : i32
        %dma_wait3A_128 = arith.constant 0 : i32
        %dma_wait3A_129 = tpu.memref_slice %arg17[%dma_wait3A, %dma_wait3A_128] : memref<1024x16xf32, #tpu.memory_space<vmem>> -> memref<256x16xf32, #tpu.memory_space<vmem>>
        %dma_wait3A_130 = arith.constant 0 : i32
        %dma_wait3A_131 = tpu.memref_slice %arg18[%add3A_71, %dma_wait3A_130] : memref<69632x16xf32, #tpu.memory_space<vmem_shared>> -> memref<256x16xf32, #tpu.memory_space<vmem_shared>>
        %dma_wait3A_132 = arith.constant 0 : i32
        %dma_wait3A_133 = tpu.memref_slice %arg18[%add3A_71, %dma_wait3A_132] : memref<69632x16xf32, #tpu.memory_space<vmem_shared>> -> memref<256x16xf32, #tpu.memory_space<vmem_shared>>
        %dma_wait3A_134 = arith.constant 0 : i32
        %dma_wait3A_135 = arith.constant 0 : i32
        %dma_wait3A_136 = tpu.memref_slice %arg17[%dma_wait3A_134, %dma_wait3A_135] : memref<1024x16xf32, #tpu.memory_space<vmem>> -> memref<256x16xf32, #tpu.memory_space<vmem>>
        tpu.wait_dma2 semaphore(%run_scoped3A : memref<!tpu.dma_semaphore, #tpu.memory_space<semaphore_mem>>) src(%dma_wait3A_136 : memref<256x16xf32, #tpu.memory_space<vmem>>) dst(%dma_wait3A_133 : memref<256x16xf32, #tpu.memory_space<vmem_shared>>)
        tpu.yield
      }) : () -> ()
      %barrier3A = arith.constant 0 : index
      tpu.barrier barrier_id(%barrier3A)
      %add3A_72 = arith.constant 0 : i32
      %add3A_73 = arith.addi %add3A_72, %arg1 : i32
      %lt3A_74 = arith.constant 489 : i32
      %lt3A_75 = arith.cmpi slt, %add3A_73, %lt3A_74 : i32
      %convert_element_type3A = arith.extui %lt3A_75 : i1 to i32
      %cond3A = arith.constant 0 : i32
      %cond3A_76 = arith.cmpi ne, %convert_element_type3A, %cond3A : i32
      scf.if %cond3A_76 {
        %add3A_119 = arith.constant 0 : i32
        %add3A_120 = arith.addi %add3A_119, %arg1 : i32
        %mul3A_121 = arith.constant 1024 : i32
        %mul3A_122 = arith.muli %add3A_120, %mul3A_121 : i32
        %min3A = arith.constant 498976 : i32
        %min3A_123 = arith.minsi %mul3A_122, %min3A : i32
        %dma_start3A = arith.constant 0 : i32
        %dma_start3A_124 = tpu.memref_slice %arg2[%select_n3A, %min3A_123, %dma_start3A] : memref<4x500000x4xf32, #tpu.memory_space<hbm>> -> memref<1x1024x4xf32, #tpu.memory_space<hbm>>
        %dma_start3A_125 = tpu.memref_squeeze %dma_start3A_124 : memref<1x1024x4xf32, #tpu.memory_space<hbm>> -> memref<1024x4xf32, #tpu.memory_space<hbm>>
        %dma_start3A_126 = arith.constant 0 : i32
        %dma_start3A_127 = tpu.memref_slice %arg2[%select_n3A, %min3A_123, %dma_start3A_126] : memref<4x500000x4xf32, #tpu.memory_space<hbm>> -> memref<1x1024x4xf32, #tpu.memory_space<hbm>>
        %dma_start3A_128 = tpu.memref_squeeze %dma_start3A_127 : memref<1x1024x4xf32, #tpu.memory_space<hbm>> -> memref<1024x4xf32, #tpu.memory_space<hbm>>
        tpu.enqueue_dma source(%dma_start3A_128 : memref<1024x4xf32, #tpu.memory_space<hbm>>) target(%arg6 : memref<1024x4xf32, #tpu.memory_space<vmem>>) target_semaphore(%arg22 : memref<!tpu.dma_semaphore, #tpu.memory_space<semaphore_mem>>)
        %dma_start3A_129 = tpu.memref_slice %arg4[%select_n3A, %min3A_123] : memref<4x500000xf32, #tpu.memory_space<hbm>> -> memref<1x1024xf32, #tpu.memory_space<hbm>>
        %dma_start3A_130 = tpu.memref_squeeze %dma_start3A_129 : memref<1x1024xf32, #tpu.memory_space<hbm>> -> memref<1024xf32, #tpu.memory_space<hbm>>
        %dma_start3A_131 = tpu.memref_slice %arg4[%select_n3A, %min3A_123] : memref<4x500000xf32, #tpu.memory_space<hbm>> -> memref<1x1024xf32, #tpu.memory_space<hbm>>
        %dma_start3A_132 = tpu.memref_squeeze %dma_start3A_131 : memref<1x1024xf32, #tpu.memory_space<hbm>> -> memref<1024xf32, #tpu.memory_space<hbm>>
        tpu.enqueue_dma source(%dma_start3A_132 : memref<1024xf32, #tpu.memory_space<hbm>>) target(%arg8 : memref<1024xf32, #tpu.memory_space<vmem>>) target_semaphore(%arg22 : memref<!tpu.dma_semaphore, #tpu.memory_space<semaphore_mem>>)
      } else {
      }
      %scan3A_77 = arith.constant 0 : i32
      %scan3A_78 = arith.constant 0 : i32
      %scan3A_79 = arith.constant 16 : i32
      %scan3A_80 = arith.addi %scan3A_78, %scan3A_79 : i32
      %scan3A_81 = arith.constant 1 : i32
      %scan3A_82 = scf.for %scan3A_119 = %scan3A_78 to %scan3A_80 step %scan3A_81 iter_args(%scan3A_120 = %scan3A_77) -> (i32)  : i32 {
        %mul3A_121 = arith.constant 2 : i32
        %mul3A_122 = arith.muli %scan3A_119, %mul3A_121 : i32
        %add3A_123 = arith.constant 0 : i32
        %add3A_124 = arith.addi %mul3A_122, %add3A_123 : i32
        %add3A_125 = arith.constant 1 : i32
        %add3A_126 = arith.addi %add3A_124, %add3A_125 : i32
        %mul3A_127 = arith.constant 16 : i32
        %mul3A_128 = arith.muli %add3A_126, %mul3A_127 : i32
        %add3A_129 = arith.addi %mul3A_128, %arg1 : i32
        %lt3A_130 = arith.constant 489 : i32
        %lt3A_131 = arith.cmpi slt, %add3A_129, %lt3A_130 : i32
        %convert_element_type3A_132 = arith.extui %lt3A_131 : i1 to i32
        %cond3A_133 = arith.constant 0 : i32
        %cond3A_134 = arith.cmpi ne, %convert_element_type3A_132, %cond3A_133 : i32
        scf.if %cond3A_134 {
          %mul3A_213 = arith.constant 16 : i32
          %mul3A_214 = arith.muli %add3A_126, %mul3A_213 : i32
          %add3A_215 = arith.addi %mul3A_214, %arg1 : i32
          %mul3A_216 = arith.constant 1024 : i32
          %mul3A_217 = arith.muli %add3A_215, %mul3A_216 : i32
          %min3A = arith.constant 498976 : i32
          %min3A_218 = arith.minsi %mul3A_217, %min3A : i32
          %dma_start3A = arith.constant 0 : i32
          %dma_start3A_219 = tpu.memref_slice %arg2[%select_n3A, %min3A_218, %dma_start3A] : memref<4x500000x4xf32, #tpu.memory_space<hbm>> -> memref<1x1024x4xf32, #tpu.memory_space<hbm>>
          %dma_start3A_220 = tpu.memref_squeeze %dma_start3A_219 : memref<1x1024x4xf32, #tpu.memory_space<hbm>> -> memref<1024x4xf32, #tpu.memory_space<hbm>>
          %dma_start3A_221 = arith.constant 0 : i32
          %dma_start3A_222 = tpu.memref_slice %arg2[%select_n3A, %min3A_218, %dma_start3A_221] : memref<4x500000x4xf32, #tpu.memory_space<hbm>> -> memref<1x1024x4xf32, #tpu.memory_space<hbm>>
          %dma_start3A_223 = tpu.memref_squeeze %dma_start3A_222 : memref<1x1024x4xf32, #tpu.memory_space<hbm>> -> memref<1024x4xf32, #tpu.memory_space<hbm>>
          tpu.enqueue_dma source(%dma_start3A_223 : memref<1024x4xf32, #tpu.memory_space<hbm>>) target(%arg7 : memref<1024x4xf32, #tpu.memory_space<vmem>>) target_semaphore(%arg23 : memref<!tpu.dma_semaphore, #tpu.memory_space<semaphore_mem>>)
          %dma_start3A_224 = tpu.memref_slice %arg4[%select_n3A, %min3A_218] : memref<4x500000xf32, #tpu.memory_space<hbm>> -> memref<1x1024xf32, #tpu.memory_space<hbm>>
          %dma_start3A_225 = tpu.memref_squeeze %dma_start3A_224 : memref<1x1024xf32, #tpu.memory_space<hbm>> -> memref<1024xf32, #tpu.memory_space<hbm>>
          %dma_start3A_226 = tpu.memref_slice %arg4[%select_n3A, %min3A_218] : memref<4x500000xf32, #tpu.memory_space<hbm>> -> memref<1x1024xf32, #tpu.memory_space<hbm>>
          %dma_start3A_227 = tpu.memref_squeeze %dma_start3A_226 : memref<1x1024xf32, #tpu.memory_space<hbm>> -> memref<1024xf32, #tpu.memory_space<hbm>>
          tpu.enqueue_dma source(%dma_start3A_227 : memref<1024xf32, #tpu.memory_space<hbm>>) target(%arg9 : memref<1024xf32, #tpu.memory_space<vmem>>) target_semaphore(%arg23 : memref<!tpu.dma_semaphore, #tpu.memory_space<semaphore_mem>>)
        } else {
        }
        %mul3A_135 = arith.constant 16 : i32
        %mul3A_136 = arith.muli %add3A_124, %mul3A_135 : i32
        %add3A_137 = arith.addi %mul3A_136, %arg1 : i32
        %lt3A_138 = arith.constant 489 : i32
        %lt3A_139 = arith.cmpi slt, %add3A_137, %lt3A_138 : i32
        %convert_element_type3A_140 = arith.extui %lt3A_139 : i1 to i32
        %cond3A_141 = arith.constant 0 : i32
        %cond3A_142 = arith.cmpi ne, %convert_element_type3A_140, %cond3A_141 : i32
        scf.if %cond3A_142 {
          %dma_wait3A = arith.constant 0 : i32
          %dma_wait3A_213 = arith.constant 0 : i32
          %dma_wait3A_214 = arith.constant 0 : i32
          %dma_wait3A_215 = tpu.memref_slice %arg2[%dma_wait3A, %dma_wait3A_213, %dma_wait3A_214] : memref<4x500000x4xf32, #tpu.memory_space<hbm>> -> memref<1x1024x4xf32, #tpu.memory_space<hbm>>
          %dma_wait3A_216 = tpu.memref_squeeze %dma_wait3A_215 : memref<1x1024x4xf32, #tpu.memory_space<hbm>> -> memref<1024x4xf32, #tpu.memory_space<hbm>>
          %dma_wait3A_217 = arith.constant 0 : i32
          %dma_wait3A_218 = arith.constant 0 : i32
          %dma_wait3A_219 = tpu.memref_slice %arg2[%dma_wait3A, %dma_wait3A_217, %dma_wait3A_218] : memref<4x500000x4xf32, #tpu.memory_space<hbm>> -> memref<1x1024x4xf32, #tpu.memory_space<hbm>>
          %dma_wait3A_220 = tpu.memref_squeeze %dma_wait3A_219 : memref<1x1024x4xf32, #tpu.memory_space<hbm>> -> memref<1024x4xf32, #tpu.memory_space<hbm>>
          tpu.wait_dma2 semaphore(%arg22 : memref<!tpu.dma_semaphore, #tpu.memory_space<semaphore_mem>>) src(%dma_wait3A_220 : memref<1024x4xf32, #tpu.memory_space<hbm>>) dst(%arg6 : memref<1024x4xf32, #tpu.memory_space<vmem>>)
          %dma_wait3A_221 = arith.constant 0 : i32
          %dma_wait3A_222 = arith.constant 0 : i32
          %dma_wait3A_223 = tpu.memref_slice %arg4[%dma_wait3A_221, %dma_wait3A_222] : memref<4x500000xf32, #tpu.memory_space<hbm>> -> memref<1x1024xf32, #tpu.memory_space<hbm>>
          %dma_wait3A_224 = tpu.memref_squeeze %dma_wait3A_223 : memref<1x1024xf32, #tpu.memory_space<hbm>> -> memref<1024xf32, #tpu.memory_space<hbm>>
          %dma_wait3A_225 = arith.constant 0 : i32
          %dma_wait3A_226 = tpu.memref_slice %arg4[%dma_wait3A_221, %dma_wait3A_225] : memref<4x500000xf32, #tpu.memory_space<hbm>> -> memref<1x1024xf32, #tpu.memory_space<hbm>>
          %dma_wait3A_227 = tpu.memref_squeeze %dma_wait3A_226 : memref<1x1024xf32, #tpu.memory_space<hbm>> -> memref<1024xf32, #tpu.memory_space<hbm>>
          tpu.wait_dma2 semaphore(%arg22 : memref<!tpu.dma_semaphore, #tpu.memory_space<semaphore_mem>>) src(%dma_wait3A_227 : memref<1024xf32, #tpu.memory_space<hbm>>) dst(%arg8 : memref<1024xf32, #tpu.memory_space<vmem>>)
        } else {
        }
        %mul3A_143 = arith.constant 16 : i32
        %mul3A_144 = arith.muli %add3A_124, %mul3A_143 : i32
        %add3A_145 = arith.addi %mul3A_144, %arg1 : i32
        %lt3A_146 = arith.constant 489 : i32
        %lt3A_147 = arith.cmpi slt, %add3A_145, %lt3A_146 : i32
        %convert_element_type3A_148 = arith.extui %lt3A_147 : i1 to i32
        %cond3A_149 = arith.constant 0 : i32
        %cond3A_150 = arith.cmpi ne, %convert_element_type3A_148, %cond3A_149 : i32
        scf.if %cond3A_150 {
          %mul3A_213 = arith.constant 16 : i32
          %mul3A_214 = arith.muli %add3A_124, %mul3A_213 : i32
          %add3A_215 = arith.addi %mul3A_214, %arg1 : i32
          %mul3A_216 = arith.constant 1024 : i32
          %mul3A_217 = arith.muli %add3A_215, %mul3A_216 : i32
          %mul3A_218 = arith.constant 16 : i32
          %mul3A_219 = arith.muli %add3A_124, %mul3A_218 : i32
          %add3A_220 = arith.addi %mul3A_219, %arg1 : i32
          %mul3A_221 = arith.constant 1024 : i32
          %mul3A_222 = arith.muli %add3A_220, %mul3A_221 : i32
          %min3A = arith.constant 498976 : i32
          %min3A_223 = arith.minsi %mul3A_222, %min3A : i32
          %get3A_224 = arith.constant 0 : i32
          %get3A_225 = arith.index_cast %get3A_224 : i32 to index
          %get3A_226 = memref.load %arg19[%get3A_225] : memref<1xi32, #tpu.memory_space<smem>>
          %scan3A_227 = arith.constant 0 : i32
          %scan3A_228 = arith.constant 64 : i32
          %scan3A_229 = arith.addi %scan3A_227, %scan3A_228 : i32
          %scan3A_230 = arith.constant 2 : i32
          %scan3A_231 = scf.for %scan3A_236 = %scan3A_227 to %scan3A_229 step %scan3A_230 iter_args(%scan3A_237 = %get3A_226) -> (i32)  : i32 {
            %mul3A_238 = arith.constant 16 : i32
            %mul3A_239 = arith.muli %scan3A_236, %mul3A_238 : i32
            %add3A_240 = vector.broadcast %mul3A_239 : i32 to vector<16xi32>
            %add3A_241 = arith.addi %add3A_240, %iota3A : vector<16xi32>
            %broadcast_in_dim3A = arith.constant 0 : i32
            %broadcast_in_dim3A_242 = vector.broadcast %broadcast_in_dim3A : i32 to vector<16xi32>
            %gather3A = tpu.vector_load_idx %arg6[%add3A_241, %broadcast_in_dim3A_242] : memref<1024x4xf32, #tpu.memory_space<vmem>>[vector<16xi32>, vector<16xi32>], vector<16xf32>,
            %broadcast_in_dim3A_243 = arith.constant 1 : i32
            %broadcast_in_dim3A_244 = vector.broadcast %broadcast_in_dim3A_243 : i32 to vector<16xi32>
            %gather3A_245 = tpu.vector_load_idx %arg6[%add3A_241, %broadcast_in_dim3A_244] : memref<1024x4xf32, #tpu.memory_space<vmem>>[vector<16xi32>, vector<16xi32>], vector<16xf32>,
            %broadcast_in_dim3A_246 = arith.constant 2 : i32
            %broadcast_in_dim3A_247 = vector.broadcast %broadcast_in_dim3A_246 : i32 to vector<16xi32>
            %gather3A_248 = tpu.vector_load_idx %arg6[%add3A_241, %broadcast_in_dim3A_247] : memref<1024x4xf32, #tpu.memory_space<vmem>>[vector<16xi32>, vector<16xi32>], vector<16xf32>,
            %broadcast_in_dim3A_249 = arith.constant 3 : i32
            %broadcast_in_dim3A_250 = vector.broadcast %broadcast_in_dim3A_249 : i32 to vector<16xi32>
            %gather3A_251 = tpu.vector_load_idx %arg6[%add3A_241, %broadcast_in_dim3A_250] : memref<1024x4xf32, #tpu.memory_space<vmem>>[vector<16xi32>, vector<16xi32>], vector<16xf32>,
            %get3A_252 = arith.index_cast %mul3A_239 : i32 to index
            %get3A_253 = tpu.vector_load %arg8[%get3A_252] {strides = array<i32>} : memref<1024xf32, #tpu.memory_space<vmem>>, vector<16xf32>,
            %mul3A_254 = arith.constant 6.400000e+01 : f32
            %mul3A_255 = vector.broadcast %mul3A_254 : f32 to vector<16xf32>
            %mul3A_256 = arith.mulf %gather3A, %mul3A_255 : vector<16xf32>
            %convert_element_type3A_257 = arith.fptosi %mul3A_256 : vector<16xf32> to vector<16xi32>
            %jit3A_258 = arith.constant 0 : i32
            %jit3A_259 = arith.constant 63 : i32
            %max3A = vector.broadcast %jit3A_258 : i32 to vector<16xi32>
            %max3A_260 = arith.maxsi %max3A, %convert_element_type3A_257 : vector<16xi32>
            %min3A_261 = vector.broadcast %jit3A_259 : i32 to vector<16xi32>
            %min3A_262 = arith.minsi %min3A_261, %max3A_260 : vector<16xi32>
            %mul3A_263 = arith.constant 6.400000e+01 : f32
            %mul3A_264 = vector.broadcast %mul3A_263 : f32 to vector<16xf32>
            %mul3A_265 = arith.mulf %gather3A_245, %mul3A_264 : vector<16xf32>
            %convert_element_type3A_266 = arith.fptosi %mul3A_265 : vector<16xf32> to vector<16xi32>
            %jit3A_267 = arith.constant 0 : i32
            %jit3A_268 = arith.constant 63 : i32
            %max3A_269 = vector.broadcast %jit3A_267 : i32 to vector<16xi32>
            %max3A_270 = arith.maxsi %max3A_269, %convert_element_type3A_266 : vector<16xi32>
            %min3A_271 = vector.broadcast %jit3A_268 : i32 to vector<16xi32>
            %min3A_272 = arith.minsi %min3A_271, %max3A_270 : vector<16xi32>
            %mul3A_273 = arith.constant 6.400000e+01 : f32
            %mul3A_274 = vector.broadcast %mul3A_273 : f32 to vector<16xf32>
            %mul3A_275 = arith.mulf %gather3A_248, %mul3A_274 : vector<16xf32>
            %convert_element_type3A_276 = arith.fptosi %mul3A_275 : vector<16xf32> to vector<16xi32>
            %jit3A_277 = arith.constant 0 : i32
            %jit3A_278 = arith.constant 63 : i32
            %max3A_279 = vector.broadcast %jit3A_277 : i32 to vector<16xi32>
            %max3A_280 = arith.maxsi %max3A_279, %convert_element_type3A_276 : vector<16xi32>
            %min3A_281 = vector.broadcast %jit3A_278 : i32 to vector<16xi32>
            %min3A_282 = arith.minsi %min3A_281, %max3A_280 : vector<16xi32>
            %mul3A_283 = arith.constant 4096 : i32
            %mul3A_284 = vector.broadcast %mul3A_283 : i32 to vector<16xi32>
            %mul3A_285 = arith.muli %min3A_262, %mul3A_284 : vector<16xi32>
            %mul3A_286 = arith.constant 64 : i32
            %mul3A_287 = vector.broadcast %mul3A_286 : i32 to vector<16xi32>
            %mul3A_288 = arith.muli %min3A_272, %mul3A_287 : vector<16xi32>
            %add3A_289 = arith.addi %mul3A_285, %mul3A_288 : vector<16xi32>
            %add3A_290 = arith.addi %add3A_289, %min3A_282 : vector<16xi32>
            %add3A_291 = vector.broadcast %min3A_223 : i32 to vector<16xi32>
            %add3A_292 = arith.addi %add3A_291, %add3A_241 : vector<16xi32>
            %ge3A_293 = vector.broadcast %mul3A_217 : i32 to vector<16xi32>
            %ge3A_294 = arith.cmpi sge, %add3A_292, %ge3A_293 : vector<16xi32>
            %shift_right_logical3A = arith.constant 16 : i32
            %shift_right_logical3A_295 = vector.broadcast %shift_right_logical3A : i32 to vector<16xi32>
            %shift_right_logical3A_296 = arith.shrui %add3A_290, %shift_right_logical3A_295 : vector<16xi32>
            %eq3A_297 = vector.broadcast %add3A_59 : i32 to vector<16xi32>
            %eq3A_298 = arith.cmpi eq, %shift_right_logical3A_296, %eq3A_297 : vector<16xi32>
            %and3A_299 = arith.andi %ge3A_294, %eq3A_298 : vector<16xi1>
            %and3A_300 = arith.constant 65535 : i32
            %and3A_301 = vector.broadcast %and3A_300 : i32 to vector<16xi32>
            %and3A_302 = arith.andi %add3A_290, %and3A_301 : vector<16xi32>
            %swap3A_303 = arith.index_cast %scan3A_237 : i32 to index
            %swap3A_304 = tpu.vector_load %arg10[%swap3A_303] masked %and3A_299 {strides = array<i32>} : memref<2064xi32, #tpu.memory_space<vmem>>, vector<16xi32>, vector<16xi1>
            tpu.vector_store %arg10[%swap3A_303], %and3A_302 masked %and3A_299 {strides = array<i32>} : memref<2064xi32, #tpu.memory_space<vmem>>, vector<16xi32>, vector<16xi1>
            %add3A_305 = vector.broadcast %min3A_223 : i32 to vector<16xi32>
            %add3A_306 = arith.addi %add3A_305, %add3A_241 : vector<16xi32>
            %swap3A_307 = arith.index_cast %scan3A_237 : i32 to index
            %swap3A_308 = tpu.vector_load %arg11[%swap3A_307] masked %and3A_299 {strides = array<i32>} : memref<2064xi32, #tpu.memory_space<vmem>>, vector<16xi32>, vector<16xi1>
            tpu.vector_store %arg11[%swap3A_307], %add3A_306 masked %and3A_299 {strides = array<i32>} : memref<2064xi32, #tpu.memory_space<vmem>>, vector<16xi32>, vector<16xi1>
            %mul3A_309 = arith.mulf %gather3A_251, %get3A_253 : vector<16xf32>
            %div3A_310 = arith.constant 1.000000e+00 : f32
            %div3A_311 = vector.broadcast %div3A_310 : f32 to vector<16xf32>
            %div3A_312 = arith.divf %div3A_311, %mul3A_309 : vector<16xf32>
            %swap3A_313 = arith.index_cast %scan3A_237 : i32 to index
            %swap3A_314 = tpu.vector_load %arg12[%swap3A_313] masked %and3A_299 {strides = array<i32>} : memref<2064xf32, #tpu.memory_space<vmem>>, vector<16xf32>, vector<16xi1>
            tpu.vector_store %arg12[%swap3A_313], %div3A_312 masked %and3A_299 {strides = array<i32>} : memref<2064xf32, #tpu.memory_space<vmem>>, vector<16xf32>, vector<16xi1>
            %all_reduce_population_count3A = tpu.all_reduce %and3A_299 {dim = 0 : i64, kind = #tpu.reduction_kind<sum>} : vector<16xi1> -> vector<16xi32>
            %slice3A = vector.extract_strided_slice %all_reduce_population_count3A {offsets = [0], sizes = [1], strides = [1]} : vector<16xi32> to vector<1xi32>
            %squeeze3A = vector.extract %slice3A[0] : i32 from vector<1xi32>
            %add3A_315 = arith.addi %scan3A_237, %squeeze3A : i32
            %scan3A_316 = arith.constant 1 : i32
            %scan3A_317 = arith.addi %scan3A_236, %scan3A_316 : i32
            %mul3A_318 = arith.constant 16 : i32
            %mul3A_319 = arith.muli %scan3A_317, %mul3A_318 : i32
            %add3A_320 = vector.broadcast %mul3A_319 : i32 to vector<16xi32>
            %add3A_321 = arith.addi %add3A_320, %iota3A : vector<16xi32>
            %broadcast_in_dim3A_322 = arith.constant 0 : i32
            %broadcast_in_dim3A_323 = vector.broadcast %broadcast_in_dim3A_322 : i32 to vector<16xi32>
            %gather3A_324 = tpu.vector_load_idx %arg6[%add3A_321, %broadcast_in_dim3A_323] : memref<1024x4xf32, #tpu.memory_space<vmem>>[vector<16xi32>, vector<16xi32>], vector<16xf32>,
            %broadcast_in_dim3A_325 = arith.constant 1 : i32
            %broadcast_in_dim3A_326 = vector.broadcast %broadcast_in_dim3A_325 : i32 to vector<16xi32>
            %gather3A_327 = tpu.vector_load_idx %arg6[%add3A_321, %broadcast_in_dim3A_326] : memref<1024x4xf32, #tpu.memory_space<vmem>>[vector<16xi32>, vector<16xi32>], vector<16xf32>,
            %broadcast_in_dim3A_328 = arith.constant 2 : i32
            %broadcast_in_dim3A_329 = vector.broadcast %broadcast_in_dim3A_328 : i32 to vector<16xi32>
            %gather3A_330 = tpu.vector_load_idx %arg6[%add3A_321, %broadcast_in_dim3A_329] : memref<1024x4xf32, #tpu.memory_space<vmem>>[vector<16xi32>, vector<16xi32>], vector<16xf32>,
            %broadcast_in_dim3A_331 = arith.constant 3 : i32
            %broadcast_in_dim3A_332 = vector.broadcast %broadcast_in_dim3A_331 : i32 to vector<16xi32>
            %gather3A_333 = tpu.vector_load_idx %arg6[%add3A_321, %broadcast_in_dim3A_332] : memref<1024x4xf32, #tpu.memory_space<vmem>>[vector<16xi32>, vector<16xi32>], vector<16xf32>,
            %get3A_334 = arith.index_cast %mul3A_319 : i32 to index
            %get3A_335 = tpu.vector_load %arg8[%get3A_334] {strides = array<i32>} : memref<1024xf32, #tpu.memory_space<vmem>>, vector<16xf32>,
            %mul3A_336 = arith.constant 6.400000e+01 : f32
            %mul3A_337 = vector.broadcast %mul3A_336 : f32 to vector<16xf32>
            %mul3A_338 = arith.mulf %gather3A_324, %mul3A_337 : vector<16xf32>
            %convert_element_type3A_339 = arith.fptosi %mul3A_338 : vector<16xf32> to vector<16xi32>
            %jit3A_340 = arith.constant 0 : i32
            %jit3A_341 = arith.constant 63 : i32
            %max3A_342 = vector.broadcast %jit3A_340 : i32 to vector<16xi32>
            %max3A_343 = arith.maxsi %max3A_342, %convert_element_type3A_339 : vector<16xi32>
            %min3A_344 = vector.broadcast %jit3A_341 : i32 to vector<16xi32>
            %min3A_345 = arith.minsi %min3A_344, %max3A_343 : vector<16xi32>
            %mul3A_346 = arith.constant 6.400000e+01 : f32
            %mul3A_347 = vector.broadcast %mul3A_346 : f32 to vector<16xf32>
            %mul3A_348 = arith.mulf %gather3A_327, %mul3A_347 : vector<16xf32>
            %convert_element_type3A_349 = arith.fptosi %mul3A_348 : vector<16xf32> to vector<16xi32>
            %jit3A_350 = arith.constant 0 : i32
            %jit3A_351 = arith.constant 63 : i32
            %max3A_352 = vector.broadcast %jit3A_350 : i32 to vector<16xi32>
            %max3A_353 = arith.maxsi %max3A_352, %convert_element_type3A_349 : vector<16xi32>
            %min3A_354 = vector.broadcast %jit3A_351 : i32 to vector<16xi32>
            %min3A_355 = arith.minsi %min3A_354, %max3A_353 : vector<16xi32>
            %mul3A_356 = arith.constant 6.400000e+01 : f32
            %mul3A_357 = vector.broadcast %mul3A_356 : f32 to vector<16xf32>
            %mul3A_358 = arith.mulf %gather3A_330, %mul3A_357 : vector<16xf32>
            %convert_element_type3A_359 = arith.fptosi %mul3A_358 : vector<16xf32> to vector<16xi32>
            %jit3A_360 = arith.constant 0 : i32
            %jit3A_361 = arith.constant 63 : i32
            %max3A_362 = vector.broadcast %jit3A_360 : i32 to vector<16xi32>
            %max3A_363 = arith.maxsi %max3A_362, %convert_element_type3A_359 : vector<16xi32>
            %min3A_364 = vector.broadcast %jit3A_361 : i32 to vector<16xi32>
            %min3A_365 = arith.minsi %min3A_364, %max3A_363 : vector<16xi32>
            %mul3A_366 = arith.constant 4096 : i32
            %mul3A_367 = vector.broadcast %mul3A_366 : i32 to vector<16xi32>
            %mul3A_368 = arith.muli %min3A_345, %mul3A_367 : vector<16xi32>
            %mul3A_369 = arith.constant 64 : i32
            %mul3A_370 = vector.broadcast %mul3A_369 : i32 to vector<16xi32>
            %mul3A_371 = arith.muli %min3A_355, %mul3A_370 : vector<16xi32>
            %add3A_372 = arith.addi %mul3A_368, %mul3A_371 : vector<16xi32>
            %add3A_373 = arith.addi %add3A_372, %min3A_365 : vector<16xi32>
            %add3A_374 = vector.broadcast %min3A_223 : i32 to vector<16xi32>
            %add3A_375 = arith.addi %add3A_374, %add3A_321 : vector<16xi32>
            %ge3A_376 = vector.broadcast %mul3A_217 : i32 to vector<16xi32>
            %ge3A_377 = arith.cmpi sge, %add3A_375, %ge3A_376 : vector<16xi32>
            %shift_right_logical3A_378 = arith.constant 16 : i32
            %shift_right_logical3A_379 = vector.broadcast %shift_right_logical3A_378 : i32 to vector<16xi32>
            %shift_right_logical3A_380 = arith.shrui %add3A_373, %shift_right_logical3A_379 : vector<16xi32>
            %eq3A_381 = vector.broadcast %add3A_59 : i32 to vector<16xi32>
            %eq3A_382 = arith.cmpi eq, %shift_right_logical3A_380, %eq3A_381 : vector<16xi32>
            %and3A_383 = arith.andi %ge3A_377, %eq3A_382 : vector<16xi1>
            %and3A_384 = arith.constant 65535 : i32
            %and3A_385 = vector.broadcast %and3A_384 : i32 to vector<16xi32>
            %and3A_386 = arith.andi %add3A_373, %and3A_385 : vector<16xi32>
            %swap3A_387 = arith.index_cast %add3A_315 : i32 to index
            %swap3A_388 = tpu.vector_load %arg10[%swap3A_387] masked %and3A_383 {strides = array<i32>} : memref<2064xi32, #tpu.memory_space<vmem>>, vector<16xi32>, vector<16xi1>
            tpu.vector_store %arg10[%swap3A_387], %and3A_386 masked %and3A_383 {strides = array<i32>} : memref<2064xi32, #tpu.memory_space<vmem>>, vector<16xi32>, vector<16xi1>
            %add3A_389 = vector.broadcast %min3A_223 : i32 to vector<16xi32>
            %add3A_390 = arith.addi %add3A_389, %add3A_321 : vector<16xi32>
            %swap3A_391 = arith.index_cast %add3A_315 : i32 to index
            %swap3A_392 = tpu.vector_load %arg11[%swap3A_391] masked %and3A_383 {strides = array<i32>} : memref<2064xi32, #tpu.memory_space<vmem>>, vector<16xi32>, vector<16xi1>
            tpu.vector_store %arg11[%swap3A_391], %add3A_390 masked %and3A_383 {strides = array<i32>} : memref<2064xi32, #tpu.memory_space<vmem>>, vector<16xi32>, vector<16xi1>
            %mul3A_393 = arith.mulf %gather3A_333, %get3A_335 : vector<16xf32>
            %div3A_394 = arith.constant 1.000000e+00 : f32
            %div3A_395 = vector.broadcast %div3A_394 : f32 to vector<16xf32>
            %div3A_396 = arith.divf %div3A_395, %mul3A_393 : vector<16xf32>
            %swap3A_397 = arith.index_cast %add3A_315 : i32 to index
            %swap3A_398 = tpu.vector_load %arg12[%swap3A_397] masked %and3A_383 {strides = array<i32>} : memref<2064xf32, #tpu.memory_space<vmem>>, vector<16xf32>, vector<16xi1>
            tpu.vector_store %arg12[%swap3A_397], %div3A_396 masked %and3A_383 {strides = array<i32>} : memref<2064xf32, #tpu.memory_space<vmem>>, vector<16xf32>, vector<16xi1>
            %all_reduce_population_count3A_399 = tpu.all_reduce %and3A_383 {dim = 0 : i64, kind = #tpu.reduction_kind<sum>} : vector<16xi1> -> vector<16xi32>
            %slice3A_400 = vector.extract_strided_slice %all_reduce_population_count3A_399 {offsets = [0], sizes = [1], strides = [1]} : vector<16xi32> to vector<1xi32>
            %squeeze3A_401 = vector.extract %slice3A_400[0] : i32 from vector<1xi32>
            %add3A_402 = arith.addi %add3A_315, %squeeze3A_401 : i32
            scf.yield %add3A_402 : i32
          }
          %scan3A_232 = arith.constant 64 : i32
          %swap3A_233 = arith.constant 0 : i32
          %swap3A_234 = arith.index_cast %swap3A_233 : i32 to index
          %swap3A_235 = memref.load %arg19[%swap3A_234] : memref<1xi32, #tpu.memory_space<smem>>
          memref.store %scan3A_231, %arg19[%swap3A_234] : memref<1xi32, #tpu.memory_space<smem>>
        } else {
        }
        %get3A_151 = arith.constant 0 : i32
        %get3A_152 = arith.index_cast %get3A_151 : i32 to index
        %get3A_153 = memref.load %arg20[%get3A_152] : memref<1xi32, #tpu.memory_space<smem>>
        %eq3A_154 = arith.constant 1 : i32
        %eq3A_155 = arith.cmpi eq, %get3A_153, %eq3A_154 : i32
        %convert_element_type3A_156 = arith.extui %eq3A_155 : i1 to i32
        %cond3A_157 = arith.constant 0 : i32
        %cond3A_158 = arith.cmpi ne, %convert_element_type3A_156, %cond3A_157 : i32
        scf.if %cond3A_158 {
          %get3A_213 = arith.constant 0 : i32
          %get3A_214 = arith.index_cast %get3A_213 : i32 to index
          %get3A_215 = memref.load %arg21[%get3A_214] : memref<1xi32, #tpu.memory_space<smem>>
          %dma_wait3A = arith.constant 0 : i32
          %dma_wait3A_216 = arith.constant 0 : i32
          %dma_wait3A_217 = tpu.memref_slice %arg3[%get3A_215, %dma_wait3A, %dma_wait3A_216] : memref<4x500000x16xf32, #tpu.memory_space<hbm>> -> memref<1x500000x16xf32, #tpu.memory_space<hbm>>
          %dma_wait3A_218 = tpu.memref_squeeze %dma_wait3A_217 : memref<1x500000x16xf32, #tpu.memory_space<hbm>> -> memref<500000x16xf32, #tpu.memory_space<hbm>>
          %dma_wait3A_219 = arith.constant 0 : i32
          %dma_wait3A_220 = arith.constant 0 : i32
          %dma_wait3A_221 = tpu.memref_slice %dma_wait3A_218[%dma_wait3A_219, %dma_wait3A_220] : memref<500000x16xf32, #tpu.memory_space<hbm>> -> memref<500000x16xf32, #tpu.memory_space<hbm>>
          tpu.wait_indirect_dma semaphore(%arg24 : memref<!tpu.dma_semaphore, #tpu.memory_space<semaphore_mem>>) src(%dma_wait3A_221 : memref<500000x16xf32, #tpu.memory_space<hbm>>) dst(%arg16 : memref<1024x16xf32, #tpu.memory_space<vmem>>)
          %scan3A_222 = arith.constant 0 : i32
          %scan3A_223 = arith.constant 0 : i32
          %scan3A_224 = arith.constant 64 : i32
          %scan3A_225 = arith.addi %scan3A_223, %scan3A_224 : i32
          %scan3A_226 = arith.constant 1 : i32
          %scan3A_227 = scf.for %scan3A_233 = %scan3A_223 to %scan3A_225 step %scan3A_226 iter_args(%scan3A_234 = %scan3A_222) -> (i32)  : i32 {
            %mul3A_235 = arith.constant 16 : i32
            %mul3A_236 = arith.muli %scan3A_233, %mul3A_235 : i32
            %get3A_237 = arith.index_cast %mul3A_236 : i32 to index
            %get3A_238 = tpu.vector_load %arg15[%get3A_237] {strides = array<i32>} : memref<1024xf32, #tpu.memory_space<vmem>>, vector<16xf32>,
            %mul3A_239 = arith.constant 16 : i32
            %mul3A_240 = arith.muli %scan3A_233, %mul3A_239 : i32
            %add3A_241 = arith.constant 0 : i32
            %add3A_242 = arith.addi %mul3A_240, %add3A_241 : i32
            %get3A_243 = arith.index_cast %add3A_242 : i32 to index
            %get3A_244 = arith.constant 0 : index
            %get3A_245 = tpu.vector_load %arg16[%get3A_243, %get3A_244] {strides = array<i32>} : memref<1024x16xf32, #tpu.memory_space<vmem>>, vector<16xf32>,
            %slice3A = vector.extract_strided_slice %get3A_238 {offsets = [0], sizes = [1], strides = [1]} : vector<16xf32> to vector<1xf32>
            %squeeze3A = vector.extract %slice3A[0] : f32 from vector<1xf32>
            %mul3A_246 = vector.broadcast %squeeze3A : f32 to vector<16xf32>
            %mul3A_247 = arith.mulf %get3A_245, %mul3A_246 : vector<16xf32>
            %swap3A_248 = arith.index_cast %add3A_242 : i32 to index
            %swap3A_249 = arith.constant 0 : index
            %swap3A_250 = tpu.vector_load %arg16[%swap3A_248, %swap3A_249] {strides = array<i32>} : memref<1024x16xf32, #tpu.memory_space<vmem>>, vector<16xf32>,
            tpu.vector_store %arg16[%swap3A_248, %swap3A_249], %mul3A_247 {strides = array<i32>} : memref<1024x16xf32, #tpu.memory_space<vmem>>, vector<16xf32>,
            %mul3A_251 = arith.constant 16 : i32
            %mul3A_252 = arith.muli %scan3A_233, %mul3A_251 : i32
            %add3A_253 = arith.constant 1 : i32
            %add3A_254 = arith.addi %mul3A_252, %add3A_253 : i32
            %get3A_255 = arith.index_cast %add3A_254 : i32 to index
            %get3A_256 = arith.constant 0 : index
            %get3A_257 = tpu.vector_load %arg16[%get3A_255, %get3A_256] {strides = array<i32>} : memref<1024x16xf32, #tpu.memory_space<vmem>>, vector<16xf32>,
            %slice3A_258 = vector.extract_strided_slice %get3A_238 {offsets = [1], sizes = [1], strides = [1]} : vector<16xf32> to vector<1xf32>
            %squeeze3A_259 = vector.extract %slice3A_258[0] : f32 from vector<1xf32>
            %mul3A_260 = vector.broadcast %squeeze3A_259 : f32 to vector<16xf32>
            %mul3A_261 = arith.mulf %get3A_257, %mul3A_260 : vector<16xf32>
            %swap3A_262 = arith.index_cast %add3A_254 : i32 to index
            %swap3A_263 = arith.constant 0 : index
            %swap3A_264 = tpu.vector_load %arg16[%swap3A_262, %swap3A_263] {strides = array<i32>} : memref<1024x16xf32, #tpu.memory_space<vmem>>, vector<16xf32>,
            tpu.vector_store %arg16[%swap3A_262, %swap3A_263], %mul3A_261 {strides = array<i32>} : memref<1024x16xf32, #tpu.memory_space<vmem>>, vector<16xf32>,
            %mul3A_265 = arith.constant 16 : i32
            %mul3A_266 = arith.muli %scan3A_233, %mul3A_265 : i32
            %add3A_267 = arith.constant 2 : i32
            %add3A_268 = arith.addi %mul3A_266, %add3A_267 : i32
            %get3A_269 = arith.index_cast %add3A_268 : i32 to index
            %get3A_270 = arith.constant 0 : index
            %get3A_271 = tpu.vector_load %arg16[%get3A_269, %get3A_270] {strides = array<i32>} : memref<1024x16xf32, #tpu.memory_space<vmem>>, vector<16xf32>,
            %slice3A_272 = vector.extract_strided_slice %get3A_238 {offsets = [2], sizes = [1], strides = [1]} : vector<16xf32> to vector<1xf32>
            %squeeze3A_273 = vector.extract %slice3A_272[0] : f32 from vector<1xf32>
            %mul3A_274 = vector.broadcast %squeeze3A_273 : f32 to vector<16xf32>
            %mul3A_275 = arith.mulf %get3A_271, %mul3A_274 : vector<16xf32>
            %swap3A_276 = arith.index_cast %add3A_268 : i32 to index
            %swap3A_277 = arith.constant 0 : index
            %swap3A_278 = tpu.vector_load %arg16[%swap3A_276, %swap3A_277] {strides = array<i32>} : memref<1024x16xf32, #tpu.memory_space<vmem>>, vector<16xf32>,
            tpu.vector_store %arg16[%swap3A_276, %swap3A_277], %mul3A_275 {strides = array<i32>} : memref<1024x16xf32, #tpu.memory_space<vmem>>, vector<16xf32>,
            %mul3A_279 = arith.constant 16 : i32
            %mul3A_280 = arith.muli %scan3A_233, %mul3A_279 : i32
            %add3A_281 = arith.constant 3 : i32
            %add3A_282 = arith.addi %mul3A_280, %add3A_281 : i32
            %get3A_283 = arith.index_cast %add3A_282 : i32 to index
            %get3A_284 = arith.constant 0 : index
            %get3A_285 = tpu.vector_load %arg16[%get3A_283, %get3A_284] {strides = array<i32>} : memref<1024x16xf32, #tpu.memory_space<vmem>>, vector<16xf32>,
            %slice3A_286 = vector.extract_strided_slice %get3A_238 {offsets = [3], sizes = [1], strides = [1]} : vector<16xf32> to vector<1xf32>
            %squeeze3A_287 = vector.extract %slice3A_286[0] : f32 from vector<1xf32>
            %mul3A_288 = vector.broadcast %squeeze3A_287 : f32 to vector<16xf32>
            %mul3A_289 = arith.mulf %get3A_285, %mul3A_288 : vector<16xf32>
            %swap3A_290 = arith.index_cast %add3A_282 : i32 to index
            %swap3A_291 = arith.constant 0 : index
            %swap3A_292 = tpu.vector_load %arg16[%swap3A_290, %swap3A_291] {strides = array<i32>} : memref<1024x16xf32, #tpu.memory_space<vmem>>, vector<16xf32>,
            tpu.vector_store %arg16[%swap3A_290, %swap3A_291], %mul3A_289 {strides = array<i32>} : memref<1024x16xf32, #tpu.memory_space<vmem>>, vector<16xf32>,
            %mul3A_293 = arith.constant 16 : i32
            %mul3A_294 = arith.muli %scan3A_233, %mul3A_293 : i32
            %add3A_295 = arith.constant 4 : i32
            %add3A_296 = arith.addi %mul3A_294, %add3A_295 : i32
            %get3A_297 = arith.index_cast %add3A_296 : i32 to index
            %get3A_298 = arith.constant 0 : index
            %get3A_299 = tpu.vector_load %arg16[%get3A_297, %get3A_298] {strides = array<i32>} : memref<1024x16xf32, #tpu.memory_space<vmem>>, vector<16xf32>,
            %slice3A_300 = vector.extract_strided_slice %get3A_238 {offsets = [4], sizes = [1], strides = [1]} : vector<16xf32> to vector<1xf32>
            %squeeze3A_301 = vector.extract %slice3A_300[0] : f32 from vector<1xf32>
            %mul3A_302 = vector.broadcast %squeeze3A_301 : f32 to vector<16xf32>
            %mul3A_303 = arith.mulf %get3A_299, %mul3A_302 : vector<16xf32>
            %swap3A_304 = arith.index_cast %add3A_296 : i32 to index
            %swap3A_305 = arith.constant 0 : index
            %swap3A_306 = tpu.vector_load %arg16[%swap3A_304, %swap3A_305] {strides = array<i32>} : memref<1024x16xf32, #tpu.memory_space<vmem>>, vector<16xf32>,
            tpu.vector_store %arg16[%swap3A_304, %swap3A_305], %mul3A_303 {strides = array<i32>} : memref<1024x16xf32, #tpu.memory_space<vmem>>, vector<16xf32>,
            %mul3A_307 = arith.constant 16 : i32
            %mul3A_308 = arith.muli %scan3A_233, %mul3A_307 : i32
            %add3A_309 = arith.constant 5 : i32
            %add3A_310 = arith.addi %mul3A_308, %add3A_309 : i32
            %get3A_311 = arith.index_cast %add3A_310 : i32 to index
            %get3A_312 = arith.constant 0 : index
            %get3A_313 = tpu.vector_load %arg16[%get3A_311, %get3A_312] {strides = array<i32>} : memref<1024x16xf32, #tpu.memory_space<vmem>>, vector<16xf32>,
            %slice3A_314 = vector.extract_strided_slice %get3A_238 {offsets = [5], sizes = [1], strides = [1]} : vector<16xf32> to vector<1xf32>
            %squeeze3A_315 = vector.extract %slice3A_314[0] : f32 from vector<1xf32>
            %mul3A_316 = vector.broadcast %squeeze3A_315 : f32 to vector<16xf32>
            %mul3A_317 = arith.mulf %get3A_313, %mul3A_316 : vector<16xf32>
            %swap3A_318 = arith.index_cast %add3A_310 : i32 to index
            %swap3A_319 = arith.constant 0 : index
            %swap3A_320 = tpu.vector_load %arg16[%swap3A_318, %swap3A_319] {strides = array<i32>} : memref<1024x16xf32, #tpu.memory_space<vmem>>, vector<16xf32>,
            tpu.vector_store %arg16[%swap3A_318, %swap3A_319], %mul3A_317 {strides = array<i32>} : memref<1024x16xf32, #tpu.memory_space<vmem>>, vector<16xf32>,
            %mul3A_321 = arith.constant 16 : i32
            %mul3A_322 = arith.muli %scan3A_233, %mul3A_321 : i32
            %add3A_323 = arith.constant 6 : i32
            %add3A_324 = arith.addi %mul3A_322, %add3A_323 : i32
            %get3A_325 = arith.index_cast %add3A_324 : i32 to index
            %get3A_326 = arith.constant 0 : index
            %get3A_327 = tpu.vector_load %arg16[%get3A_325, %get3A_326] {strides = array<i32>} : memref<1024x16xf32, #tpu.memory_space<vmem>>, vector<16xf32>,
            %slice3A_328 = vector.extract_strided_slice %get3A_238 {offsets = [6], sizes = [1], strides = [1]} : vector<16xf32> to vector<1xf32>
            %squeeze3A_329 = vector.extract %slice3A_328[0] : f32 from vector<1xf32>
            %mul3A_330 = vector.broadcast %squeeze3A_329 : f32 to vector<16xf32>
            %mul3A_331 = arith.mulf %get3A_327, %mul3A_330 : vector<16xf32>
            %swap3A_332 = arith.index_cast %add3A_324 : i32 to index
            %swap3A_333 = arith.constant 0 : index
            %swap3A_334 = tpu.vector_load %arg16[%swap3A_332, %swap3A_333] {strides = array<i32>} : memref<1024x16xf32, #tpu.memory_space<vmem>>, vector<16xf32>,
            tpu.vector_store %arg16[%swap3A_332, %swap3A_333], %mul3A_331 {strides = array<i32>} : memref<1024x16xf32, #tpu.memory_space<vmem>>, vector<16xf32>,
            %mul3A_335 = arith.constant 16 : i32
            %mul3A_336 = arith.muli %scan3A_233, %mul3A_335 : i32
            %add3A_337 = arith.constant 7 : i32
            %add3A_338 = arith.addi %mul3A_336, %add3A_337 : i32
            %get3A_339 = arith.index_cast %add3A_338 : i32 to index
            %get3A_340 = arith.constant 0 : index
            %get3A_341 = tpu.vector_load %arg16[%get3A_339, %get3A_340] {strides = array<i32>} : memref<1024x16xf32, #tpu.memory_space<vmem>>, vector<16xf32>,
            %slice3A_342 = vector.extract_strided_slice %get3A_238 {offsets = [7], sizes = [1], strides = [1]} : vector<16xf32> to vector<1xf32>
            %squeeze3A_343 = vector.extract %slice3A_342[0] : f32 from vector<1xf32>
            %mul3A_344 = vector.broadcast %squeeze3A_343 : f32 to vector<16xf32>
            %mul3A_345 = arith.mulf %get3A_341, %mul3A_344 : vector<16xf32>
            %swap3A_346 = arith.index_cast %add3A_338 : i32 to index
            %swap3A_347 = arith.constant 0 : index
            %swap3A_348 = tpu.vector_load %arg16[%swap3A_346, %swap3A_347] {strides = array<i32>} : memref<1024x16xf32, #tpu.memory_space<vmem>>, vector<16xf32>,
            tpu.vector_store %arg16[%swap3A_346, %swap3A_347], %mul3A_345 {strides = array<i32>} : memref<1024x16xf32, #tpu.memory_space<vmem>>, vector<16xf32>,
            %mul3A_349 = arith.constant 16 : i32
            %mul3A_350 = arith.muli %scan3A_233, %mul3A_349 : i32
            %add3A_351 = arith.constant 8 : i32
            %add3A_352 = arith.addi %mul3A_350, %add3A_351 : i32
            %get3A_353 = arith.index_cast %add3A_352 : i32 to index
            %get3A_354 = arith.constant 0 : index
            %get3A_355 = tpu.vector_load %arg16[%get3A_353, %get3A_354] {strides = array<i32>} : memref<1024x16xf32, #tpu.memory_space<vmem>>, vector<16xf32>,
            %slice3A_356 = vector.extract_strided_slice %get3A_238 {offsets = [8], sizes = [1], strides = [1]} : vector<16xf32> to vector<1xf32>
            %squeeze3A_357 = vector.extract %slice3A_356[0] : f32 from vector<1xf32>
            %mul3A_358 = vector.broadcast %squeeze3A_357 : f32 to vector<16xf32>
            %mul3A_359 = arith.mulf %get3A_355, %mul3A_358 : vector<16xf32>
            %swap3A_360 = arith.index_cast %add3A_352 : i32 to index
            %swap3A_361 = arith.constant 0 : index
            %swap3A_362 = tpu.vector_load %arg16[%swap3A_360, %swap3A_361] {strides = array<i32>} : memref<1024x16xf32, #tpu.memory_space<vmem>>, vector<16xf32>,
            tpu.vector_store %arg16[%swap3A_360, %swap3A_361], %mul3A_359 {strides = array<i32>} : memref<1024x16xf32, #tpu.memory_space<vmem>>, vector<16xf32>,
            %mul3A_363 = arith.constant 16 : i32
            %mul3A_364 = arith.muli %scan3A_233, %mul3A_363 : i32
            %add3A_365 = arith.constant 9 : i32
            %add3A_366 = arith.addi %mul3A_364, %add3A_365 : i32
            %get3A_367 = arith.index_cast %add3A_366 : i32 to index
            %get3A_368 = arith.constant 0 : index
            %get3A_369 = tpu.vector_load %arg16[%get3A_367, %get3A_368] {strides = array<i32>} : memref<1024x16xf32, #tpu.memory_space<vmem>>, vector<16xf32>,
            %slice3A_370 = vector.extract_strided_slice %get3A_238 {offsets = [9], sizes = [1], strides = [1]} : vector<16xf32> to vector<1xf32>
            %squeeze3A_371 = vector.extract %slice3A_370[0] : f32 from vector<1xf32>
            %mul3A_372 = vector.broadcast %squeeze3A_371 : f32 to vector<16xf32>
            %mul3A_373 = arith.mulf %get3A_369, %mul3A_372 : vector<16xf32>
            %swap3A_374 = arith.index_cast %add3A_366 : i32 to index
            %swap3A_375 = arith.constant 0 : index
            %swap3A_376 = tpu.vector_load %arg16[%swap3A_374, %swap3A_375] {strides = array<i32>} : memref<1024x16xf32, #tpu.memory_space<vmem>>, vector<16xf32>,
            tpu.vector_store %arg16[%swap3A_374, %swap3A_375], %mul3A_373 {strides = array<i32>} : memref<1024x16xf32, #tpu.memory_space<vmem>>, vector<16xf32>,
            %mul3A_377 = arith.constant 16 : i32
            %mul3A_378 = arith.muli %scan3A_233, %mul3A_377 : i32
            %add3A_379 = arith.constant 10 : i32
            %add3A_380 = arith.addi %mul3A_378, %add3A_379 : i32
            %get3A_381 = arith.index_cast %add3A_380 : i32 to index
            %get3A_382 = arith.constant 0 : index
            %get3A_383 = tpu.vector_load %arg16[%get3A_381, %get3A_382] {strides = array<i32>} : memref<1024x16xf32, #tpu.memory_space<vmem>>, vector<16xf32>,
            %slice3A_384 = vector.extract_strided_slice %get3A_238 {offsets = [10], sizes = [1], strides = [1]} : vector<16xf32> to vector<1xf32>
            %squeeze3A_385 = vector.extract %slice3A_384[0] : f32 from vector<1xf32>
            %mul3A_386 = vector.broadcast %squeeze3A_385 : f32 to vector<16xf32>
            %mul3A_387 = arith.mulf %get3A_383, %mul3A_386 : vector<16xf32>
            %swap3A_388 = arith.index_cast %add3A_380 : i32 to index
            %swap3A_389 = arith.constant 0 : index
            %swap3A_390 = tpu.vector_load %arg16[%swap3A_388, %swap3A_389] {strides = array<i32>} : memref<1024x16xf32, #tpu.memory_space<vmem>>, vector<16xf32>,
            tpu.vector_store %arg16[%swap3A_388, %swap3A_389], %mul3A_387 {strides = array<i32>} : memref<1024x16xf32, #tpu.memory_space<vmem>>, vector<16xf32>,
            %mul3A_391 = arith.constant 16 : i32
            %mul3A_392 = arith.muli %scan3A_233, %mul3A_391 : i32
            %add3A_393 = arith.constant 11 : i32
            %add3A_394 = arith.addi %mul3A_392, %add3A_393 : i32
            %get3A_395 = arith.index_cast %add3A_394 : i32 to index
            %get3A_396 = arith.constant 0 : index
            %get3A_397 = tpu.vector_load %arg16[%get3A_395, %get3A_396] {strides = array<i32>} : memref<1024x16xf32, #tpu.memory_space<vmem>>, vector<16xf32>,
            %slice3A_398 = vector.extract_strided_slice %get3A_238 {offsets = [11], sizes = [1], strides = [1]} : vector<16xf32> to vector<1xf32>
            %squeeze3A_399 = vector.extract %slice3A_398[0] : f32 from vector<1xf32>
            %mul3A_400 = vector.broadcast %squeeze3A_399 : f32 to vector<16xf32>
            %mul3A_401 = arith.mulf %get3A_397, %mul3A_400 : vector<16xf32>
            %swap3A_402 = arith.index_cast %add3A_394 : i32 to index
            %swap3A_403 = arith.constant 0 : index
            %swap3A_404 = tpu.vector_load %arg16[%swap3A_402, %swap3A_403] {strides = array<i32>} : memref<1024x16xf32, #tpu.memory_space<vmem>>, vector<16xf32>,
            tpu.vector_store %arg16[%swap3A_402, %swap3A_403], %mul3A_401 {strides = array<i32>} : memref<1024x16xf32, #tpu.memory_space<vmem>>, vector<16xf32>,
            %mul3A_405 = arith.constant 16 : i32
            %mul3A_406 = arith.muli %scan3A_233, %mul3A_405 : i32
            %add3A_407 = arith.constant 12 : i32
            %add3A_408 = arith.addi %mul3A_406, %add3A_407 : i32
            %get3A_409 = arith.index_cast %add3A_408 : i32 to index
            %get3A_410 = arith.constant 0 : index
            %get3A_411 = tpu.vector_load %arg16[%get3A_409, %get3A_410] {strides = array<i32>} : memref<1024x16xf32, #tpu.memory_space<vmem>>, vector<16xf32>,
            %slice3A_412 = vector.extract_strided_slice %get3A_238 {offsets = [12], sizes = [1], strides = [1]} : vector<16xf32> to vector<1xf32>
            %squeeze3A_413 = vector.extract %slice3A_412[0] : f32 from vector<1xf32>
            %mul3A_414 = vector.broadcast %squeeze3A_413 : f32 to vector<16xf32>
            %mul3A_415 = arith.mulf %get3A_411, %mul3A_414 : vector<16xf32>
            %swap3A_416 = arith.index_cast %add3A_408 : i32 to index
            %swap3A_417 = arith.constant 0 : index
            %swap3A_418 = tpu.vector_load %arg16[%swap3A_416, %swap3A_417] {strides = array<i32>} : memref<1024x16xf32, #tpu.memory_space<vmem>>, vector<16xf32>,
            tpu.vector_store %arg16[%swap3A_416, %swap3A_417], %mul3A_415 {strides = array<i32>} : memref<1024x16xf32, #tpu.memory_space<vmem>>, vector<16xf32>,
            %mul3A_419 = arith.constant 16 : i32
            %mul3A_420 = arith.muli %scan3A_233, %mul3A_419 : i32
            %add3A_421 = arith.constant 13 : i32
            %add3A_422 = arith.addi %mul3A_420, %add3A_421 : i32
            %get3A_423 = arith.index_cast %add3A_422 : i32 to index
            %get3A_424 = arith.constant 0 : index
            %get3A_425 = tpu.vector_load %arg16[%get3A_423, %get3A_424] {strides = array<i32>} : memref<1024x16xf32, #tpu.memory_space<vmem>>, vector<16xf32>,
            %slice3A_426 = vector.extract_strided_slice %get3A_238 {offsets = [13], sizes = [1], strides = [1]} : vector<16xf32> to vector<1xf32>
            %squeeze3A_427 = vector.extract %slice3A_426[0] : f32 from vector<1xf32>
            %mul3A_428 = vector.broadcast %squeeze3A_427 : f32 to vector<16xf32>
            %mul3A_429 = arith.mulf %get3A_425, %mul3A_428 : vector<16xf32>
            %swap3A_430 = arith.index_cast %add3A_422 : i32 to index
            %swap3A_431 = arith.constant 0 : index
            %swap3A_432 = tpu.vector_load %arg16[%swap3A_430, %swap3A_431] {strides = array<i32>} : memref<1024x16xf32, #tpu.memory_space<vmem>>, vector<16xf32>,
            tpu.vector_store %arg16[%swap3A_430, %swap3A_431], %mul3A_429 {strides = array<i32>} : memref<1024x16xf32, #tpu.memory_space<vmem>>, vector<16xf32>,
            %mul3A_433 = arith.constant 16 : i32
            %mul3A_434 = arith.muli %scan3A_233, %mul3A_433 : i32
            %add3A_435 = arith.constant 14 : i32
            %add3A_436 = arith.addi %mul3A_434, %add3A_435 : i32
            %get3A_437 = arith.index_cast %add3A_436 : i32 to index
            %get3A_438 = arith.constant 0 : index
            %get3A_439 = tpu.vector_load %arg16[%get3A_437, %get3A_438] {strides = array<i32>} : memref<1024x16xf32, #tpu.memory_space<vmem>>, vector<16xf32>,
            %slice3A_440 = vector.extract_strided_slice %get3A_238 {offsets = [14], sizes = [1], strides = [1]} : vector<16xf32> to vector<1xf32>
            %squeeze3A_441 = vector.extract %slice3A_440[0] : f32 from vector<1xf32>
            %mul3A_442 = vector.broadcast %squeeze3A_441 : f32 to vector<16xf32>
            %mul3A_443 = arith.mulf %get3A_439, %mul3A_442 : vector<16xf32>
            %swap3A_444 = arith.index_cast %add3A_436 : i32 to index
            %swap3A_445 = arith.constant 0 : index
            %swap3A_446 = tpu.vector_load %arg16[%swap3A_444, %swap3A_445] {strides = array<i32>} : memref<1024x16xf32, #tpu.memory_space<vmem>>, vector<16xf32>,
            tpu.vector_store %arg16[%swap3A_444, %swap3A_445], %mul3A_443 {strides = array<i32>} : memref<1024x16xf32, #tpu.memory_space<vmem>>, vector<16xf32>,
            %mul3A_447 = arith.constant 16 : i32
            %mul3A_448 = arith.muli %scan3A_233, %mul3A_447 : i32
            %add3A_449 = arith.constant 15 : i32
            %add3A_450 = arith.addi %mul3A_448, %add3A_449 : i32
            %get3A_451 = arith.index_cast %add3A_450 : i32 to index
            %get3A_452 = arith.constant 0 : index
            %get3A_453 = tpu.vector_load %arg16[%get3A_451, %get3A_452] {strides = array<i32>} : memref<1024x16xf32, #tpu.memory_space<vmem>>, vector<16xf32>,
            %slice3A_454 = vector.extract_strided_slice %get3A_238 {offsets = [15], sizes = [1], strides = [1]} : vector<16xf32> to vector<1xf32>
            %squeeze3A_455 = vector.extract %slice3A_454[0] : f32 from vector<1xf32>
            %mul3A_456 = vector.broadcast %squeeze3A_455 : f32 to vector<16xf32>
            %mul3A_457 = arith.mulf %get3A_453, %mul3A_456 : vector<16xf32>
            %swap3A_458 = arith.index_cast %add3A_450 : i32 to index
            %swap3A_459 = arith.constant 0 : index
            %swap3A_460 = tpu.vector_load %arg16[%swap3A_458, %swap3A_459] {strides = array<i32>} : memref<1024x16xf32, #tpu.memory_space<vmem>>, vector<16xf32>,
            tpu.vector_store %arg16[%swap3A_458, %swap3A_459], %mul3A_457 {strides = array<i32>} : memref<1024x16xf32, #tpu.memory_space<vmem>>, vector<16xf32>,
            %scan3A_461 = arith.constant 0 : i32
            scf.yield %scan3A_461 : i32
          }
          %scan3A_228 = arith.constant 64 : i32
          "tpu.region"() ({
            %run_scoped3A = tpu.sem_alloc : memref<!tpu.dma_semaphore, #tpu.memory_space<semaphore_mem>>
            %dma_start3A = arith.constant 0 : i32
            %dma_start3A_233 = arith.constant 0 : i32
            %dma_start3A_234 = tpu.memref_slice %arg18[%dma_start3A, %dma_start3A_233] : memref<69632x16xf32, #tpu.memory_space<vmem_shared>> -> memref<69632x16xf32, #tpu.memory_space<vmem_shared>>
            tpu.enqueue_indirect_dma source(%arg16 : memref<1024x16xf32, #tpu.memory_space<vmem>>) target(%dma_start3A_234 : memref<69632x16xf32, #tpu.memory_space<vmem_shared>>) offsets(%arg13 : memref<1024xi32, #tpu.memory_space<vmem>>) semaphore(%run_scoped3A : memref<!tpu.dma_semaphore, #tpu.memory_space<semaphore_mem>>) {add = true}
            %dma_wait3A_235 = arith.constant 0 : i32
            %dma_wait3A_236 = arith.constant 0 : i32
            %dma_wait3A_237 = tpu.memref_slice %arg18[%dma_wait3A_235, %dma_wait3A_236] : memref<69632x16xf32, #tpu.memory_space<vmem_shared>> -> memref<69632x16xf32, #tpu.memory_space<vmem_shared>>
            tpu.wait_indirect_dma semaphore(%run_scoped3A : memref<!tpu.dma_semaphore, #tpu.memory_space<semaphore_mem>>) src(%arg16 : memref<1024x16xf32, #tpu.memory_space<vmem>>) dst(%dma_wait3A_237 : memref<69632x16xf32, #tpu.memory_space<vmem_shared>>)
            tpu.yield
          }) : () -> ()
          %swap3A_229 = arith.constant 0 : i32
          %swap3A_230 = arith.constant 0 : i32
          %swap3A_231 = arith.index_cast %swap3A_230 : i32 to index
          %swap3A_232 = memref.load %arg20[%swap3A_231] : memref<1xi32, #tpu.memory_space<smem>>
          memref.store %swap3A_229, %arg20[%swap3A_231] : memref<1xi32, #tpu.memory_space<smem>>
        } else {
        }
        %get3A_159 = arith.constant 0 : i32
        %get3A_160 = arith.index_cast %get3A_159 : i32 to index
        %get3A_161 = memref.load %arg19[%get3A_160] : memref<1xi32, #tpu.memory_space<smem>>
        %ge3A = arith.constant 1024 : i32
        %ge3A_162 = arith.cmpi sge, %get3A_161, %ge3A : i32
        %convert_element_type3A_163 = arith.extui %ge3A_162 : i1 to i32
        %cond3A_164 = arith.constant 0 : i32
        %cond3A_165 = arith.cmpi ne, %convert_element_type3A_163, %cond3A_164 : i32
        scf.if %cond3A_165 {
          %scan3A_213 = arith.constant 0 : i32
          %scan3A_214 = arith.constant 0 : i32
          %scan3A_215 = arith.constant 64 : i32
          %scan3A_216 = arith.addi %scan3A_214, %scan3A_215 : i32
          %scan3A_217 = arith.constant 1 : i32
          %scan3A_218 = scf.for %scan3A_280 = %scan3A_214 to %scan3A_216 step %scan3A_217 iter_args(%scan3A_281 = %scan3A_213) -> (i32)  : i32 {
            %mul3A_282 = arith.constant 16 : i32
            %mul3A_283 = arith.muli %scan3A_280, %mul3A_282 : i32
            %get3A_284 = arith.index_cast %mul3A_283 : i32 to index
            %get3A_285 = tpu.vector_load %arg10[%get3A_284] {strides = array<i32>} : memref<2064xi32, #tpu.memory_space<vmem>>, vector<16xi32>,
            %swap3A_286 = arith.index_cast %mul3A_283 : i32 to index
            %swap3A_287 = tpu.vector_load %arg13[%swap3A_286] {strides = array<i32>} : memref<1024xi32, #tpu.memory_space<vmem>>, vector<16xi32>,
            tpu.vector_store %arg13[%swap3A_286], %get3A_285 {strides = array<i32>} : memref<1024xi32, #tpu.memory_space<vmem>>, vector<16xi32>,
            %get3A_288 = arith.index_cast %mul3A_283 : i32 to index
            %get3A_289 = tpu.vector_load %arg11[%get3A_288] {strides = array<i32>} : memref<2064xi32, #tpu.memory_space<vmem>>, vector<16xi32>,
            %swap3A_290 = arith.index_cast %mul3A_283 : i32 to index
            %swap3A_291 = tpu.vector_load %arg14[%swap3A_290] {strides = array<i32>} : memref<1024xi32, #tpu.memory_space<vmem>>, vector<16xi32>,
            tpu.vector_store %arg14[%swap3A_290], %get3A_289 {strides = array<i32>} : memref<1024xi32, #tpu.memory_space<vmem>>, vector<16xi32>,
            %get3A_292 = arith.index_cast %mul3A_283 : i32 to index
            %get3A_293 = tpu.vector_load %arg12[%get3A_292] {strides = array<i32>} : memref<2064xf32, #tpu.memory_space<vmem>>, vector<16xf32>,
            %swap3A_294 = arith.index_cast %mul3A_283 : i32 to index
            %swap3A_295 = tpu.vector_load %arg15[%swap3A_294] {strides = array<i32>} : memref<1024xf32, #tpu.memory_space<vmem>>, vector<16xf32>,
            tpu.vector_store %arg15[%swap3A_294], %get3A_293 {strides = array<i32>} : memref<1024xf32, #tpu.memory_space<vmem>>, vector<16xf32>,
            %scan3A_296 = arith.constant 0 : i32
            scf.yield %scan3A_296 : i32
          }
          %scan3A_219 = arith.constant 64 : i32
          %get3A_220 = arith.constant 0 : i32
          %get3A_221 = arith.index_cast %get3A_220 : i32 to index
          %get3A_222 = memref.load %arg19[%get3A_221] : memref<1xi32, #tpu.memory_space<smem>>
          %sub3A_223 = arith.constant 1024 : i32
          %sub3A_224 = arith.subi %get3A_222, %sub3A_223 : i32
          %add3A_225 = arith.constant 15 : i32
          %add3A_226 = arith.addi %sub3A_224, %add3A_225 : i32
          %jit3A_227 = arith.constant 16 : i32
          %div3A_228 = arith.divsi %add3A_226, %jit3A_227 : i32
          %sign3A_229 = arith.constant 0 : i32
          %sign3A_230 = arith.cmpi sgt, %add3A_226, %sign3A_229 : i32
          %sign3A_231 = arith.extui %sign3A_230 : i1 to i32
          %sign3A_232 = arith.constant 0 : i32
          %sign3A_233 = arith.cmpi slt, %add3A_226, %sign3A_232 : i32
          %sign3A_234 = arith.extui %sign3A_233 : i1 to i32
          %sign3A_235 = arith.subi %sign3A_231, %sign3A_234 : i32
          %sign3A_236 = arith.constant 0 : i32
          %sign3A_237 = arith.cmpi sgt, %jit3A_227, %sign3A_236 : i32
          %sign3A_238 = arith.extui %sign3A_237 : i1 to i32
          %sign3A_239 = arith.constant 0 : i32
          %sign3A_240 = arith.cmpi slt, %jit3A_227, %sign3A_239 : i32
          %sign3A_241 = arith.extui %sign3A_240 : i1 to i32
          %sign3A_242 = arith.subi %sign3A_238, %sign3A_241 : i32
          %ne3A_243 = arith.cmpi ne, %sign3A_235, %sign3A_242 : i32
          %rem3A_244 = arith.remsi %add3A_226, %jit3A_227 : i32
          %ne3A_245 = arith.constant 0 : i32
          %ne3A_246 = arith.cmpi ne, %rem3A_244, %ne3A_245 : i32
          %and3A_247 = arith.andi %ne3A_243, %ne3A_246 : i1
          %sub3A_248 = arith.constant 1 : i32
          %sub3A_249 = arith.subi %div3A_228, %sub3A_248 : i32
          %select_n3A_250 = arith.select %and3A_247, %sub3A_249, %div3A_228 : i32
          %while3A = arith.constant 0 : i32
          %while3A_251 = arith.constant 0 : i32
          %while3A_252 = arith.subi %select_n3A_250, %while3A : i32
          %while3A_253 = arith.addi %while3A, %while3A_252 : i32
          %while3A_254 = arith.constant 1 : i32
          %while3A_255 = arith.divsi %while3A_252, %while3A_254 : i32
          %while3A_256 = arith.muli %while3A_255, %while3A_254 : i32
          %while3A_257 = arith.addi %while3A, %while3A_256 : i32
          %while3A_258 = arith.constant 1 : i32
          %while3A_259 = scf.for %while3A_280 = %while3A to %while3A_257 step %while3A_258 iter_args(%while3A_281 = %while3A_251) -> (i32)  : i32 {
            %mul3A_282 = arith.constant 16 : i32
            %mul3A_283 = arith.muli %while3A_280, %mul3A_282 : i32
            %mul3A_284 = arith.constant 16 : i32
            %mul3A_285 = arith.muli %while3A_280, %mul3A_284 : i32
            %add3A_286 = arith.constant 1024 : i32
            %add3A_287 = arith.addi %add3A_286, %mul3A_285 : i32
            %get3A_288 = arith.index_cast %add3A_287 : i32 to index
            %get3A_289 = tpu.vector_load %arg10[%get3A_288] {strides = array<i32>} : memref<2064xi32, #tpu.memory_space<vmem>>, vector<16xi32>,
            %swap3A_290 = arith.index_cast %mul3A_283 : i32 to index
            %swap3A_291 = tpu.vector_load %arg10[%swap3A_290] {strides = array<i32>} : memref<2064xi32, #tpu.memory_space<vmem>>, vector<16xi32>,
            tpu.vector_store %arg10[%swap3A_290], %get3A_289 {strides = array<i32>} : memref<2064xi32, #tpu.memory_space<vmem>>, vector<16xi32>,
            %get3A_292 = arith.index_cast %add3A_287 : i32 to index
            %get3A_293 = tpu.vector_load %arg11[%get3A_292] {strides = array<i32>} : memref<2064xi32, #tpu.memory_space<vmem>>, vector<16xi32>,
            %swap3A_294 = arith.index_cast %mul3A_283 : i32 to index
            %swap3A_295 = tpu.vector_load %arg11[%swap3A_294] {strides = array<i32>} : memref<2064xi32, #tpu.memory_space<vmem>>, vector<16xi32>,
            tpu.vector_store %arg11[%swap3A_294], %get3A_293 {strides = array<i32>} : memref<2064xi32, #tpu.memory_space<vmem>>, vector<16xi32>,
            %get3A_296 = arith.index_cast %add3A_287 : i32 to index
            %get3A_297 = tpu.vector_load %arg12[%get3A_296] {strides = array<i32>} : memref<2064xf32, #tpu.memory_space<vmem>>, vector<16xf32>,
            %swap3A_298 = arith.index_cast %mul3A_283 : i32 to index
            %swap3A_299 = tpu.vector_load %arg12[%swap3A_298] {strides = array<i32>} : memref<2064xf32, #tpu.memory_space<vmem>>, vector<16xf32>,
            tpu.vector_store %arg12[%swap3A_298], %get3A_297 {strides = array<i32>} : memref<2064xf32, #tpu.memory_space<vmem>>, vector<16xf32>,
            %while3A_300 = arith.constant 0 : i32
            scf.yield %while3A_300 : i32
          }
          %while3A_260 = arith.constant 1 : i32
          %while3A_261 = scf.for %while3A_280 = %while3A_257 to %while3A_253 step %while3A_260 iter_args(%while3A_281 = %while3A_259) -> (i32)  : i32 {
            %mul3A_282 = arith.constant 16 : i32
            %mul3A_283 = arith.muli %while3A_280, %mul3A_282 : i32
            %mul3A_284 = arith.constant 16 : i32
            %mul3A_285 = arith.muli %while3A_280, %mul3A_284 : i32
            %add3A_286 = arith.constant 1024 : i32
            %add3A_287 = arith.addi %add3A_286, %mul3A_285 : i32
            %get3A_288 = arith.index_cast %add3A_287 : i32 to index
            %get3A_289 = tpu.vector_load %arg10[%get3A_288] {strides = array<i32>} : memref<2064xi32, #tpu.memory_space<vmem>>, vector<16xi32>,
            %swap3A_290 = arith.index_cast %mul3A_283 : i32 to index
            %swap3A_291 = tpu.vector_load %arg10[%swap3A_290] {strides = array<i32>} : memref<2064xi32, #tpu.memory_space<vmem>>, vector<16xi32>,
            tpu.vector_store %arg10[%swap3A_290], %get3A_289 {strides = array<i32>} : memref<2064xi32, #tpu.memory_space<vmem>>, vector<16xi32>,
            %get3A_292 = arith.index_cast %add3A_287 : i32 to index
            %get3A_293 = tpu.vector_load %arg11[%get3A_292] {strides = array<i32>} : memref<2064xi32, #tpu.memory_space<vmem>>, vector<16xi32>,
            %swap3A_294 = arith.index_cast %mul3A_283 : i32 to index
            %swap3A_295 = tpu.vector_load %arg11[%swap3A_294] {strides = array<i32>} : memref<2064xi32, #tpu.memory_space<vmem>>, vector<16xi32>,
            tpu.vector_store %arg11[%swap3A_294], %get3A_293 {strides = array<i32>} : memref<2064xi32, #tpu.memory_space<vmem>>, vector<16xi32>,
            %get3A_296 = arith.index_cast %add3A_287 : i32 to index
            %get3A_297 = tpu.vector_load %arg12[%get3A_296] {strides = array<i32>} : memref<2064xf32, #tpu.memory_space<vmem>>, vector<16xf32>,
            %swap3A_298 = arith.index_cast %mul3A_283 : i32 to index
            %swap3A_299 = tpu.vector_load %arg12[%swap3A_298] {strides = array<i32>} : memref<2064xf32, #tpu.memory_space<vmem>>, vector<16xf32>,
            tpu.vector_store %arg12[%swap3A_298], %get3A_297 {strides = array<i32>} : memref<2064xf32, #tpu.memory_space<vmem>>, vector<16xf32>,
            %while3A_300 = arith.constant 0 : i32
            scf.yield %while3A_300 : i32
          }
          %sub3A_262 = arith.constant 1024 : i32
          %sub3A_263 = arith.subi %get3A_222, %sub3A_262 : i32
          %swap3A_264 = arith.constant 0 : i32
          %swap3A_265 = arith.index_cast %swap3A_264 : i32 to index
          %swap3A_266 = memref.load %arg19[%swap3A_265] : memref<1xi32, #tpu.memory_space<smem>>
          memref.store %sub3A_263, %arg19[%swap3A_265] : memref<1xi32, #tpu.memory_space<smem>>
          %get3A_267 = arith.constant 0 : i32
          %get3A_268 = arith.index_cast %get3A_267 : i32 to index
          %get3A_269 = memref.load %arg21[%get3A_268] : memref<1xi32, #tpu.memory_space<smem>>
          %dma_start3A = arith.constant 0 : i32
          %dma_start3A_270 = arith.constant 0 : i32
          %dma_start3A_271 = tpu.memref_slice %arg3[%get3A_269, %dma_start3A, %dma_start3A_270] : memref<4x500000x16xf32, #tpu.memory_space<hbm>> -> memref<1x500000x16xf32, #tpu.memory_space<hbm>>
          %dma_start3A_272 = tpu.memref_squeeze %dma_start3A_271 : memref<1x500000x16xf32, #tpu.memory_space<hbm>> -> memref<500000x16xf32, #tpu.memory_space<hbm>>
          %dma_start3A_273 = arith.constant 0 : i32
          %dma_start3A_274 = arith.constant 0 : i32
          %dma_start3A_275 = tpu.memref_slice %dma_start3A_272[%dma_start3A_273, %dma_start3A_274] : memref<500000x16xf32, #tpu.memory_space<hbm>> -> memref<500000x16xf32, #tpu.memory_space<hbm>>
          tpu.enqueue_indirect_dma source(%dma_start3A_275 : memref<500000x16xf32, #tpu.memory_space<hbm>>) target(%arg16 : memref<1024x16xf32, #tpu.memory_space<vmem>>) offsets(%arg14 : memref<1024xi32, #tpu.memory_space<vmem>>) semaphore(%arg24 : memref<!tpu.dma_semaphore, #tpu.memory_space<semaphore_mem>>)
          %swap3A_276 = arith.constant 1 : i32
          %swap3A_277 = arith.constant 0 : i32
          %swap3A_278 = arith.index_cast %swap3A_277 : i32 to index
          %swap3A_279 = memref.load %arg20[%swap3A_278] : memref<1xi32, #tpu.memory_space<smem>>
          memref.store %swap3A_276, %arg20[%swap3A_278] : memref<1xi32, #tpu.memory_space<smem>>
        } else {
        }
        %mul3A_166 = arith.constant 2 : i32
        %mul3A_167 = arith.muli %scan3A_119, %mul3A_166 : i32
        %add3A_168 = arith.constant 1 : i32
        %add3A_169 = arith.addi %mul3A_167, %add3A_168 : i32
        %add3A_170 = arith.constant 1 : i32
        %add3A_171 = arith.addi %add3A_169, %add3A_170 : i32
        %mul3A_172 = arith.constant 16 : i32
        %mul3A_173 = arith.muli %add3A_171, %mul3A_172 : i32
        %add3A_174 = arith.addi %mul3A_173, %arg1 : i32
        %lt3A_175 = arith.constant 489 : i32
        %lt3A_176 = arith.cmpi slt, %add3A_174, %lt3A_175 : i32
        %convert_element_type3A_177 = arith.extui %lt3A_176 : i1 to i32
        %cond3A_178 = arith.constant 0 : i32
        %cond3A_179 = arith.cmpi ne, %convert_element_type3A_177, %cond3A_178 : i32
        scf.if %cond3A_179 {
          %mul3A_213 = arith.constant 16 : i32
          %mul3A_214 = arith.muli %add3A_171, %mul3A_213 : i32
          %add3A_215 = arith.addi %mul3A_214, %arg1 : i32
          %mul3A_216 = arith.constant 1024 : i32
          %mul3A_217 = arith.muli %add3A_215, %mul3A_216 : i32
          %min3A = arith.constant 498976 : i32
          %min3A_218 = arith.minsi %mul3A_217, %min3A : i32
          %dma_start3A = arith.constant 0 : i32
          %dma_start3A_219 = tpu.memref_slice %arg2[%select_n3A, %min3A_218, %dma_start3A] : memref<4x500000x4xf32, #tpu.memory_space<hbm>> -> memref<1x1024x4xf32, #tpu.memory_space<hbm>>
          %dma_start3A_220 = tpu.memref_squeeze %dma_start3A_219 : memref<1x1024x4xf32, #tpu.memory_space<hbm>> -> memref<1024x4xf32, #tpu.memory_space<hbm>>
          %dma_start3A_221 = arith.constant 0 : i32
          %dma_start3A_222 = tpu.memref_slice %arg2[%select_n3A, %min3A_218, %dma_start3A_221] : memref<4x500000x4xf32, #tpu.memory_space<hbm>> -> memref<1x1024x4xf32, #tpu.memory_space<hbm>>
          %dma_start3A_223 = tpu.memref_squeeze %dma_start3A_222 : memref<1x1024x4xf32, #tpu.memory_space<hbm>> -> memref<1024x4xf32, #tpu.memory_space<hbm>>
          tpu.enqueue_dma source(%dma_start3A_223 : memref<1024x4xf32, #tpu.memory_space<hbm>>) target(%arg6 : memref<1024x4xf32, #tpu.memory_space<vmem>>) target_semaphore(%arg22 : memref<!tpu.dma_semaphore, #tpu.memory_space<semaphore_mem>>)
          %dma_start3A_224 = tpu.memref_slice %arg4[%select_n3A, %min3A_218] : memref<4x500000xf32, #tpu.memory_space<hbm>> -> memref<1x1024xf32, #tpu.memory_space<hbm>>
          %dma_start3A_225 = tpu.memref_squeeze %dma_start3A_224 : memref<1x1024xf32, #tpu.memory_space<hbm>> -> memref<1024xf32, #tpu.memory_space<hbm>>
          %dma_start3A_226 = tpu.memref_slice %arg4[%select_n3A, %min3A_218] : memref<4x500000xf32, #tpu.memory_space<hbm>> -> memref<1x1024xf32, #tpu.memory_space<hbm>>
          %dma_start3A_227 = tpu.memref_squeeze %dma_start3A_226 : memref<1x1024xf32, #tpu.memory_space<hbm>> -> memref<1024xf32, #tpu.memory_space<hbm>>
          tpu.enqueue_dma source(%dma_start3A_227 : memref<1024xf32, #tpu.memory_space<hbm>>) target(%arg8 : memref<1024xf32, #tpu.memory_space<vmem>>) target_semaphore(%arg22 : memref<!tpu.dma_semaphore, #tpu.memory_space<semaphore_mem>>)
        } else {
        }
        %mul3A_180 = arith.constant 16 : i32
        %mul3A_181 = arith.muli %add3A_169, %mul3A_180 : i32
        %add3A_182 = arith.addi %mul3A_181, %arg1 : i32
        %lt3A_183 = arith.constant 489 : i32
        %lt3A_184 = arith.cmpi slt, %add3A_182, %lt3A_183 : i32
        %convert_element_type3A_185 = arith.extui %lt3A_184 : i1 to i32
        %cond3A_186 = arith.constant 0 : i32
        %cond3A_187 = arith.cmpi ne, %convert_element_type3A_185, %cond3A_186 : i32
        scf.if %cond3A_187 {
          %dma_wait3A = arith.constant 0 : i32
          %dma_wait3A_213 = arith.constant 0 : i32
          %dma_wait3A_214 = arith.constant 0 : i32
          %dma_wait3A_215 = tpu.memref_slice %arg2[%dma_wait3A, %dma_wait3A_213, %dma_wait3A_214] : memref<4x500000x4xf32, #tpu.memory_space<hbm>> -> memref<1x1024x4xf32, #tpu.memory_space<hbm>>
          %dma_wait3A_216 = tpu.memref_squeeze %dma_wait3A_215 : memref<1x1024x4xf32, #tpu.memory_space<hbm>> -> memref<1024x4xf32, #tpu.memory_space<hbm>>
          %dma_wait3A_217 = arith.constant 0 : i32
          %dma_wait3A_218 = arith.constant 0 : i32
          %dma_wait3A_219 = tpu.memref_slice %arg2[%dma_wait3A, %dma_wait3A_217, %dma_wait3A_218] : memref<4x500000x4xf32, #tpu.memory_space<hbm>> -> memref<1x1024x4xf32, #tpu.memory_space<hbm>>
          %dma_wait3A_220 = tpu.memref_squeeze %dma_wait3A_219 : memref<1x1024x4xf32, #tpu.memory_space<hbm>> -> memref<1024x4xf32, #tpu.memory_space<hbm>>
          tpu.wait_dma2 semaphore(%arg23 : memref<!tpu.dma_semaphore, #tpu.memory_space<semaphore_mem>>) src(%dma_wait3A_220 : memref<1024x4xf32, #tpu.memory_space<hbm>>) dst(%arg7 : memref<1024x4xf32, #tpu.memory_space<vmem>>)
          %dma_wait3A_221 = arith.constant 0 : i32
          %dma_wait3A_222 = arith.constant 0 : i32
          %dma_wait3A_223 = tpu.memref_slice %arg4[%dma_wait3A_221, %dma_wait3A_222] : memref<4x500000xf32, #tpu.memory_space<hbm>> -> memref<1x1024xf32, #tpu.memory_space<hbm>>
          %dma_wait3A_224 = tpu.memref_squeeze %dma_wait3A_223 : memref<1x1024xf32, #tpu.memory_space<hbm>> -> memref<1024xf32, #tpu.memory_space<hbm>>
          %dma_wait3A_225 = arith.constant 0 : i32
          %dma_wait3A_226 = tpu.memref_slice %arg4[%dma_wait3A_221, %dma_wait3A_225] : memref<4x500000xf32, #tpu.memory_space<hbm>> -> memref<1x1024xf32, #tpu.memory_space<hbm>>
          %dma_wait3A_227 = tpu.memref_squeeze %dma_wait3A_226 : memref<1x1024xf32, #tpu.memory_space<hbm>> -> memref<1024xf32, #tpu.memory_space<hbm>>
          tpu.wait_dma2 semaphore(%arg23 : memref<!tpu.dma_semaphore, #tpu.memory_space<semaphore_mem>>) src(%dma_wait3A_227 : memref<1024xf32, #tpu.memory_space<hbm>>) dst(%arg9 : memref<1024xf32, #tpu.memory_space<vmem>>)
        } else {
        }
        %mul3A_188 = arith.constant 16 : i32
        %mul3A_189 = arith.muli %add3A_169, %mul3A_188 : i32
        %add3A_190 = arith.addi %mul3A_189, %arg1 : i32
        %lt3A_191 = arith.constant 489 : i32
        %lt3A_192 = arith.cmpi slt, %add3A_190, %lt3A_191 : i32
        %convert_element_type3A_193 = arith.extui %lt3A_192 : i1 to i32
        %cond3A_194 = arith.constant 0 : i32
        %cond3A_195 = arith.cmpi ne, %convert_element_type3A_193, %cond3A_194 : i32
        scf.if %cond3A_195 {
          %mul3A_213 = arith.constant 16 : i32
          %mul3A_214 = arith.muli %add3A_169, %mul3A_213 : i32
          %add3A_215 = arith.addi %mul3A_214, %arg1 : i32
          %mul3A_216 = arith.constant 1024 : i32
          %mul3A_217 = arith.muli %add3A_215, %mul3A_216 : i32
          %mul3A_218 = arith.constant 16 : i32
          %mul3A_219 = arith.muli %add3A_169, %mul3A_218 : i32
          %add3A_220 = arith.addi %mul3A_219, %arg1 : i32
          %mul3A_221 = arith.constant 1024 : i32
          %mul3A_222 = arith.muli %add3A_220, %mul3A_221 : i32
          %min3A = arith.constant 498976 : i32
          %min3A_223 = arith.minsi %mul3A_222, %min3A : i32
          %get3A_224 = arith.constant 0 : i32
          %get3A_225 = arith.index_cast %get3A_224 : i32 to index
          %get3A_226 = memref.load %arg19[%get3A_225] : memref<1xi32, #tpu.memory_space<smem>>
          %scan3A_227 = arith.constant 0 : i32
          %scan3A_228 = arith.constant 64 : i32
          %scan3A_229 = arith.addi %scan3A_227, %scan3A_228 : i32
          %scan3A_230 = arith.constant 2 : i32
          %scan3A_231 = scf.for %scan3A_236 = %scan3A_227 to %scan3A_229 step %scan3A_230 iter_args(%scan3A_237 = %get3A_226) -> (i32)  : i32 {
            %mul3A_238 = arith.constant 16 : i32
            %mul3A_239 = arith.muli %scan3A_236, %mul3A_238 : i32
            %add3A_240 = vector.broadcast %mul3A_239 : i32 to vector<16xi32>
            %add3A_241 = arith.addi %add3A_240, %iota3A : vector<16xi32>
            %broadcast_in_dim3A = arith.constant 0 : i32
            %broadcast_in_dim3A_242 = vector.broadcast %broadcast_in_dim3A : i32 to vector<16xi32>
            %gather3A = tpu.vector_load_idx %arg7[%add3A_241, %broadcast_in_dim3A_242] : memref<1024x4xf32, #tpu.memory_space<vmem>>[vector<16xi32>, vector<16xi32>], vector<16xf32>,
            %broadcast_in_dim3A_243 = arith.constant 1 : i32
            %broadcast_in_dim3A_244 = vector.broadcast %broadcast_in_dim3A_243 : i32 to vector<16xi32>
            %gather3A_245 = tpu.vector_load_idx %arg7[%add3A_241, %broadcast_in_dim3A_244] : memref<1024x4xf32, #tpu.memory_space<vmem>>[vector<16xi32>, vector<16xi32>], vector<16xf32>,
            %broadcast_in_dim3A_246 = arith.constant 2 : i32
            %broadcast_in_dim3A_247 = vector.broadcast %broadcast_in_dim3A_246 : i32 to vector<16xi32>
            %gather3A_248 = tpu.vector_load_idx %arg7[%add3A_241, %broadcast_in_dim3A_247] : memref<1024x4xf32, #tpu.memory_space<vmem>>[vector<16xi32>, vector<16xi32>], vector<16xf32>,
            %broadcast_in_dim3A_249 = arith.constant 3 : i32
            %broadcast_in_dim3A_250 = vector.broadcast %broadcast_in_dim3A_249 : i32 to vector<16xi32>
            %gather3A_251 = tpu.vector_load_idx %arg7[%add3A_241, %broadcast_in_dim3A_250] : memref<1024x4xf32, #tpu.memory_space<vmem>>[vector<16xi32>, vector<16xi32>], vector<16xf32>,
            %get3A_252 = arith.index_cast %mul3A_239 : i32 to index
            %get3A_253 = tpu.vector_load %arg9[%get3A_252] {strides = array<i32>} : memref<1024xf32, #tpu.memory_space<vmem>>, vector<16xf32>,
            %mul3A_254 = arith.constant 6.400000e+01 : f32
            %mul3A_255 = vector.broadcast %mul3A_254 : f32 to vector<16xf32>
            %mul3A_256 = arith.mulf %gather3A, %mul3A_255 : vector<16xf32>
            %convert_element_type3A_257 = arith.fptosi %mul3A_256 : vector<16xf32> to vector<16xi32>
            %jit3A_258 = arith.constant 0 : i32
            %jit3A_259 = arith.constant 63 : i32
            %max3A = vector.broadcast %jit3A_258 : i32 to vector<16xi32>
            %max3A_260 = arith.maxsi %max3A, %convert_element_type3A_257 : vector<16xi32>
            %min3A_261 = vector.broadcast %jit3A_259 : i32 to vector<16xi32>
            %min3A_262 = arith.minsi %min3A_261, %max3A_260 : vector<16xi32>
            %mul3A_263 = arith.constant 6.400000e+01 : f32
            %mul3A_264 = vector.broadcast %mul3A_263 : f32 to vector<16xf32>
            %mul3A_265 = arith.mulf %gather3A_245, %mul3A_264 : vector<16xf32>
            %convert_element_type3A_266 = arith.fptosi %mul3A_265 : vector<16xf32> to vector<16xi32>
            %jit3A_267 = arith.constant 0 : i32
            %jit3A_268 = arith.constant 63 : i32
            %max3A_269 = vector.broadcast %jit3A_267 : i32 to vector<16xi32>
            %max3A_270 = arith.maxsi %max3A_269, %convert_element_type3A_266 : vector<16xi32>
            %min3A_271 = vector.broadcast %jit3A_268 : i32 to vector<16xi32>
            %min3A_272 = arith.minsi %min3A_271, %max3A_270 : vector<16xi32>
            %mul3A_273 = arith.constant 6.400000e+01 : f32
            %mul3A_274 = vector.broadcast %mul3A_273 : f32 to vector<16xf32>
            %mul3A_275 = arith.mulf %gather3A_248, %mul3A_274 : vector<16xf32>
            %convert_element_type3A_276 = arith.fptosi %mul3A_275 : vector<16xf32> to vector<16xi32>
            %jit3A_277 = arith.constant 0 : i32
            %jit3A_278 = arith.constant 63 : i32
            %max3A_279 = vector.broadcast %jit3A_277 : i32 to vector<16xi32>
            %max3A_280 = arith.maxsi %max3A_279, %convert_element_type3A_276 : vector<16xi32>
            %min3A_281 = vector.broadcast %jit3A_278 : i32 to vector<16xi32>
            %min3A_282 = arith.minsi %min3A_281, %max3A_280 : vector<16xi32>
            %mul3A_283 = arith.constant 4096 : i32
            %mul3A_284 = vector.broadcast %mul3A_283 : i32 to vector<16xi32>
            %mul3A_285 = arith.muli %min3A_262, %mul3A_284 : vector<16xi32>
            %mul3A_286 = arith.constant 64 : i32
            %mul3A_287 = vector.broadcast %mul3A_286 : i32 to vector<16xi32>
            %mul3A_288 = arith.muli %min3A_272, %mul3A_287 : vector<16xi32>
            %add3A_289 = arith.addi %mul3A_285, %mul3A_288 : vector<16xi32>
            %add3A_290 = arith.addi %add3A_289, %min3A_282 : vector<16xi32>
            %add3A_291 = vector.broadcast %min3A_223 : i32 to vector<16xi32>
            %add3A_292 = arith.addi %add3A_291, %add3A_241 : vector<16xi32>
            %ge3A_293 = vector.broadcast %mul3A_217 : i32 to vector<16xi32>
            %ge3A_294 = arith.cmpi sge, %add3A_292, %ge3A_293 : vector<16xi32>
            %shift_right_logical3A = arith.constant 16 : i32
            %shift_right_logical3A_295 = vector.broadcast %shift_right_logical3A : i32 to vector<16xi32>
            %shift_right_logical3A_296 = arith.shrui %add3A_290, %shift_right_logical3A_295 : vector<16xi32>
            %eq3A_297 = vector.broadcast %add3A_59 : i32 to vector<16xi32>
            %eq3A_298 = arith.cmpi eq, %shift_right_logical3A_296, %eq3A_297 : vector<16xi32>
            %and3A_299 = arith.andi %ge3A_294, %eq3A_298 : vector<16xi1>
            %and3A_300 = arith.constant 65535 : i32
            %and3A_301 = vector.broadcast %and3A_300 : i32 to vector<16xi32>
            %and3A_302 = arith.andi %add3A_290, %and3A_301 : vector<16xi32>
            %swap3A_303 = arith.index_cast %scan3A_237 : i32 to index
            %swap3A_304 = tpu.vector_load %arg10[%swap3A_303] masked %and3A_299 {strides = array<i32>} : memref<2064xi32, #tpu.memory_space<vmem>>, vector<16xi32>, vector<16xi1>
            tpu.vector_store %arg10[%swap3A_303], %and3A_302 masked %and3A_299 {strides = array<i32>} : memref<2064xi32, #tpu.memory_space<vmem>>, vector<16xi32>, vector<16xi1>
            %add3A_305 = vector.broadcast %min3A_223 : i32 to vector<16xi32>
            %add3A_306 = arith.addi %add3A_305, %add3A_241 : vector<16xi32>
            %swap3A_307 = arith.index_cast %scan3A_237 : i32 to index
            %swap3A_308 = tpu.vector_load %arg11[%swap3A_307] masked %and3A_299 {strides = array<i32>} : memref<2064xi32, #tpu.memory_space<vmem>>, vector<16xi32>, vector<16xi1>
            tpu.vector_store %arg11[%swap3A_307], %add3A_306 masked %and3A_299 {strides = array<i32>} : memref<2064xi32, #tpu.memory_space<vmem>>, vector<16xi32>, vector<16xi1>
            %mul3A_309 = arith.mulf %gather3A_251, %get3A_253 : vector<16xf32>
            %div3A_310 = arith.constant 1.000000e+00 : f32
            %div3A_311 = vector.broadcast %div3A_310 : f32 to vector<16xf32>
            %div3A_312 = arith.divf %div3A_311, %mul3A_309 : vector<16xf32>
            %swap3A_313 = arith.index_cast %scan3A_237 : i32 to index
            %swap3A_314 = tpu.vector_load %arg12[%swap3A_313] masked %and3A_299 {strides = array<i32>} : memref<2064xf32, #tpu.memory_space<vmem>>, vector<16xf32>, vector<16xi1>
            tpu.vector_store %arg12[%swap3A_313], %div3A_312 masked %and3A_299 {strides = array<i32>} : memref<2064xf32, #tpu.memory_space<vmem>>, vector<16xf32>, vector<16xi1>
            %all_reduce_population_count3A = tpu.all_reduce %and3A_299 {dim = 0 : i64, kind = #tpu.reduction_kind<sum>} : vector<16xi1> -> vector<16xi32>
            %slice3A = vector.extract_strided_slice %all_reduce_population_count3A {offsets = [0], sizes = [1], strides = [1]} : vector<16xi32> to vector<1xi32>
            %squeeze3A = vector.extract %slice3A[0] : i32 from vector<1xi32>
            %add3A_315 = arith.addi %scan3A_237, %squeeze3A : i32
            %scan3A_316 = arith.constant 1 : i32
            %scan3A_317 = arith.addi %scan3A_236, %scan3A_316 : i32
            %mul3A_318 = arith.constant 16 : i32
            %mul3A_319 = arith.muli %scan3A_317, %mul3A_318 : i32
            %add3A_320 = vector.broadcast %mul3A_319 : i32 to vector<16xi32>
            %add3A_321 = arith.addi %add3A_320, %iota3A : vector<16xi32>
            %broadcast_in_dim3A_322 = arith.constant 0 : i32
            %broadcast_in_dim3A_323 = vector.broadcast %broadcast_in_dim3A_322 : i32 to vector<16xi32>
            %gather3A_324 = tpu.vector_load_idx %arg7[%add3A_321, %broadcast_in_dim3A_323] : memref<1024x4xf32, #tpu.memory_space<vmem>>[vector<16xi32>, vector<16xi32>], vector<16xf32>,
            %broadcast_in_dim3A_325 = arith.constant 1 : i32
            %broadcast_in_dim3A_326 = vector.broadcast %broadcast_in_dim3A_325 : i32 to vector<16xi32>
            %gather3A_327 = tpu.vector_load_idx %arg7[%add3A_321, %broadcast_in_dim3A_326] : memref<1024x4xf32, #tpu.memory_space<vmem>>[vector<16xi32>, vector<16xi32>], vector<16xf32>,
            %broadcast_in_dim3A_328 = arith.constant 2 : i32
            %broadcast_in_dim3A_329 = vector.broadcast %broadcast_in_dim3A_328 : i32 to vector<16xi32>
            %gather3A_330 = tpu.vector_load_idx %arg7[%add3A_321, %broadcast_in_dim3A_329] : memref<1024x4xf32, #tpu.memory_space<vmem>>[vector<16xi32>, vector<16xi32>], vector<16xf32>,
            %broadcast_in_dim3A_331 = arith.constant 3 : i32
            %broadcast_in_dim3A_332 = vector.broadcast %broadcast_in_dim3A_331 : i32 to vector<16xi32>
            %gather3A_333 = tpu.vector_load_idx %arg7[%add3A_321, %broadcast_in_dim3A_332] : memref<1024x4xf32, #tpu.memory_space<vmem>>[vector<16xi32>, vector<16xi32>], vector<16xf32>,
            %get3A_334 = arith.index_cast %mul3A_319 : i32 to index
            %get3A_335 = tpu.vector_load %arg9[%get3A_334] {strides = array<i32>} : memref<1024xf32, #tpu.memory_space<vmem>>, vector<16xf32>,
            %mul3A_336 = arith.constant 6.400000e+01 : f32
            %mul3A_337 = vector.broadcast %mul3A_336 : f32 to vector<16xf32>
            %mul3A_338 = arith.mulf %gather3A_324, %mul3A_337 : vector<16xf32>
            %convert_element_type3A_339 = arith.fptosi %mul3A_338 : vector<16xf32> to vector<16xi32>
            %jit3A_340 = arith.constant 0 : i32
            %jit3A_341 = arith.constant 63 : i32
            %max3A_342 = vector.broadcast %jit3A_340 : i32 to vector<16xi32>
            %max3A_343 = arith.maxsi %max3A_342, %convert_element_type3A_339 : vector<16xi32>
            %min3A_344 = vector.broadcast %jit3A_341 : i32 to vector<16xi32>
            %min3A_345 = arith.minsi %min3A_344, %max3A_343 : vector<16xi32>
            %mul3A_346 = arith.constant 6.400000e+01 : f32
            %mul3A_347 = vector.broadcast %mul3A_346 : f32 to vector<16xf32>
            %mul3A_348 = arith.mulf %gather3A_327, %mul3A_347 : vector<16xf32>
            %convert_element_type3A_349 = arith.fptosi %mul3A_348 : vector<16xf32> to vector<16xi32>
            %jit3A_350 = arith.constant 0 : i32
            %jit3A_351 = arith.constant 63 : i32
            %max3A_352 = vector.broadcast %jit3A_350 : i32 to vector<16xi32>
            %max3A_353 = arith.maxsi %max3A_352, %convert_element_type3A_349 : vector<16xi32>
            %min3A_354 = vector.broadcast %jit3A_351 : i32 to vector<16xi32>
            %min3A_355 = arith.minsi %min3A_354, %max3A_353 : vector<16xi32>
            %mul3A_356 = arith.constant 6.400000e+01 : f32
            %mul3A_357 = vector.broadcast %mul3A_356 : f32 to vector<16xf32>
            %mul3A_358 = arith.mulf %gather3A_330, %mul3A_357 : vector<16xf32>
            %convert_element_type3A_359 = arith.fptosi %mul3A_358 : vector<16xf32> to vector<16xi32>
            %jit3A_360 = arith.constant 0 : i32
            %jit3A_361 = arith.constant 63 : i32
            %max3A_362 = vector.broadcast %jit3A_360 : i32 to vector<16xi32>
            %max3A_363 = arith.maxsi %max3A_362, %convert_element_type3A_359 : vector<16xi32>
            %min3A_364 = vector.broadcast %jit3A_361 : i32 to vector<16xi32>
            %min3A_365 = arith.minsi %min3A_364, %max3A_363 : vector<16xi32>
            %mul3A_366 = arith.constant 4096 : i32
            %mul3A_367 = vector.broadcast %mul3A_366 : i32 to vector<16xi32>
            %mul3A_368 = arith.muli %min3A_345, %mul3A_367 : vector<16xi32>
            %mul3A_369 = arith.constant 64 : i32
            %mul3A_370 = vector.broadcast %mul3A_369 : i32 to vector<16xi32>
            %mul3A_371 = arith.muli %min3A_355, %mul3A_370 : vector<16xi32>
            %add3A_372 = arith.addi %mul3A_368, %mul3A_371 : vector<16xi32>
            %add3A_373 = arith.addi %add3A_372, %min3A_365 : vector<16xi32>
            %add3A_374 = vector.broadcast %min3A_223 : i32 to vector<16xi32>
            %add3A_375 = arith.addi %add3A_374, %add3A_321 : vector<16xi32>
            %ge3A_376 = vector.broadcast %mul3A_217 : i32 to vector<16xi32>
            %ge3A_377 = arith.cmpi sge, %add3A_375, %ge3A_376 : vector<16xi32>
            %shift_right_logical3A_378 = arith.constant 16 : i32
            %shift_right_logical3A_379 = vector.broadcast %shift_right_logical3A_378 : i32 to vector<16xi32>
            %shift_right_logical3A_380 = arith.shrui %add3A_373, %shift_right_logical3A_379 : vector<16xi32>
            %eq3A_381 = vector.broadcast %add3A_59 : i32 to vector<16xi32>
            %eq3A_382 = arith.cmpi eq, %shift_right_logical3A_380, %eq3A_381 : vector<16xi32>
            %and3A_383 = arith.andi %ge3A_377, %eq3A_382 : vector<16xi1>
            %and3A_384 = arith.constant 65535 : i32
            %and3A_385 = vector.broadcast %and3A_384 : i32 to vector<16xi32>
            %and3A_386 = arith.andi %add3A_373, %and3A_385 : vector<16xi32>
            %swap3A_387 = arith.index_cast %add3A_315 : i32 to index
            %swap3A_388 = tpu.vector_load %arg10[%swap3A_387] masked %and3A_383 {strides = array<i32>} : memref<2064xi32, #tpu.memory_space<vmem>>, vector<16xi32>, vector<16xi1>
            tpu.vector_store %arg10[%swap3A_387], %and3A_386 masked %and3A_383 {strides = array<i32>} : memref<2064xi32, #tpu.memory_space<vmem>>, vector<16xi32>, vector<16xi1>
            %add3A_389 = vector.broadcast %min3A_223 : i32 to vector<16xi32>
            %add3A_390 = arith.addi %add3A_389, %add3A_321 : vector<16xi32>
            %swap3A_391 = arith.index_cast %add3A_315 : i32 to index
            %swap3A_392 = tpu.vector_load %arg11[%swap3A_391] masked %and3A_383 {strides = array<i32>} : memref<2064xi32, #tpu.memory_space<vmem>>, vector<16xi32>, vector<16xi1>
            tpu.vector_store %arg11[%swap3A_391], %add3A_390 masked %and3A_383 {strides = array<i32>} : memref<2064xi32, #tpu.memory_space<vmem>>, vector<16xi32>, vector<16xi1>
            %mul3A_393 = arith.mulf %gather3A_333, %get3A_335 : vector<16xf32>
            %div3A_394 = arith.constant 1.000000e+00 : f32
            %div3A_395 = vector.broadcast %div3A_394 : f32 to vector<16xf32>
            %div3A_396 = arith.divf %div3A_395, %mul3A_393 : vector<16xf32>
            %swap3A_397 = arith.index_cast %add3A_315 : i32 to index
            %swap3A_398 = tpu.vector_load %arg12[%swap3A_397] masked %and3A_383 {strides = array<i32>} : memref<2064xf32, #tpu.memory_space<vmem>>, vector<16xf32>, vector<16xi1>
            tpu.vector_store %arg12[%swap3A_397], %div3A_396 masked %and3A_383 {strides = array<i32>} : memref<2064xf32, #tpu.memory_space<vmem>>, vector<16xf32>, vector<16xi1>
            %all_reduce_population_count3A_399 = tpu.all_reduce %and3A_383 {dim = 0 : i64, kind = #tpu.reduction_kind<sum>} : vector<16xi1> -> vector<16xi32>
            %slice3A_400 = vector.extract_strided_slice %all_reduce_population_count3A_399 {offsets = [0], sizes = [1], strides = [1]} : vector<16xi32> to vector<1xi32>
            %squeeze3A_401 = vector.extract %slice3A_400[0] : i32 from vector<1xi32>
            %add3A_402 = arith.addi %add3A_315, %squeeze3A_401 : i32
            scf.yield %add3A_402 : i32
          }
          %scan3A_232 = arith.constant 64 : i32
          %swap3A_233 = arith.constant 0 : i32
          %swap3A_234 = arith.index_cast %swap3A_233 : i32 to index
          %swap3A_235 = memref.load %arg19[%swap3A_234] : memref<1xi32, #tpu.memory_space<smem>>
          memref.store %scan3A_231, %arg19[%swap3A_234] : memref<1xi32, #tpu.memory_space<smem>>
        } else {
        }
        %get3A_196 = arith.constant 0 : i32
        %get3A_197 = arith.index_cast %get3A_196 : i32 to index
        %get3A_198 = memref.load %arg20[%get3A_197] : memref<1xi32, #tpu.memory_space<smem>>
        %eq3A_199 = arith.constant 1 : i32
        %eq3A_200 = arith.cmpi eq, %get3A_198, %eq3A_199 : i32
        %convert_element_type3A_201 = arith.extui %eq3A_200 : i1 to i32
        %cond3A_202 = arith.constant 0 : i32
        %cond3A_203 = arith.cmpi ne, %convert_element_type3A_201, %cond3A_202 : i32
        scf.if %cond3A_203 {
          %get3A_213 = arith.constant 0 : i32
          %get3A_214 = arith.index_cast %get3A_213 : i32 to index
          %get3A_215 = memref.load %arg21[%get3A_214] : memref<1xi32, #tpu.memory_space<smem>>
          %dma_wait3A = arith.constant 0 : i32
          %dma_wait3A_216 = arith.constant 0 : i32
          %dma_wait3A_217 = tpu.memref_slice %arg3[%get3A_215, %dma_wait3A, %dma_wait3A_216] : memref<4x500000x16xf32, #tpu.memory_space<hbm>> -> memref<1x500000x16xf32, #tpu.memory_space<hbm>>
          %dma_wait3A_218 = tpu.memref_squeeze %dma_wait3A_217 : memref<1x500000x16xf32, #tpu.memory_space<hbm>> -> memref<500000x16xf32, #tpu.memory_space<hbm>>
          %dma_wait3A_219 = arith.constant 0 : i32
          %dma_wait3A_220 = arith.constant 0 : i32
          %dma_wait3A_221 = tpu.memref_slice %dma_wait3A_218[%dma_wait3A_219, %dma_wait3A_220] : memref<500000x16xf32, #tpu.memory_space<hbm>> -> memref<500000x16xf32, #tpu.memory_space<hbm>>
          tpu.wait_indirect_dma semaphore(%arg24 : memref<!tpu.dma_semaphore, #tpu.memory_space<semaphore_mem>>) src(%dma_wait3A_221 : memref<500000x16xf32, #tpu.memory_space<hbm>>) dst(%arg16 : memref<1024x16xf32, #tpu.memory_space<vmem>>)
          %scan3A_222 = arith.constant 0 : i32
          %scan3A_223 = arith.constant 0 : i32
          %scan3A_224 = arith.constant 64 : i32
          %scan3A_225 = arith.addi %scan3A_223, %scan3A_224 : i32
          %scan3A_226 = arith.constant 1 : i32
          %scan3A_227 = scf.for %scan3A_233 = %scan3A_223 to %scan3A_225 step %scan3A_226 iter_args(%scan3A_234 = %scan3A_222) -> (i32)  : i32 {
            %mul3A_235 = arith.constant 16 : i32
            %mul3A_236 = arith.muli %scan3A_233, %mul3A_235 : i32
            %get3A_237 = arith.index_cast %mul3A_236 : i32 to index
            %get3A_238 = tpu.vector_load %arg15[%get3A_237] {strides = array<i32>} : memref<1024xf32, #tpu.memory_space<vmem>>, vector<16xf32>,
            %mul3A_239 = arith.constant 16 : i32
            %mul3A_240 = arith.muli %scan3A_233, %mul3A_239 : i32
            %add3A_241 = arith.constant 0 : i32
            %add3A_242 = arith.addi %mul3A_240, %add3A_241 : i32
            %get3A_243 = arith.index_cast %add3A_242 : i32 to index
            %get3A_244 = arith.constant 0 : index
            %get3A_245 = tpu.vector_load %arg16[%get3A_243, %get3A_244] {strides = array<i32>} : memref<1024x16xf32, #tpu.memory_space<vmem>>, vector<16xf32>,
            %slice3A = vector.extract_strided_slice %get3A_238 {offsets = [0], sizes = [1], strides = [1]} : vector<16xf32> to vector<1xf32>
            %squeeze3A = vector.extract %slice3A[0] : f32 from vector<1xf32>
            %mul3A_246 = vector.broadcast %squeeze3A : f32 to vector<16xf32>
            %mul3A_247 = arith.mulf %get3A_245, %mul3A_246 : vector<16xf32>
            %swap3A_248 = arith.index_cast %add3A_242 : i32 to index
            %swap3A_249 = arith.constant 0 : index
            %swap3A_250 = tpu.vector_load %arg16[%swap3A_248, %swap3A_249] {strides = array<i32>} : memref<1024x16xf32, #tpu.memory_space<vmem>>, vector<16xf32>,
            tpu.vector_store %arg16[%swap3A_248, %swap3A_249], %mul3A_247 {strides = array<i32>} : memref<1024x16xf32, #tpu.memory_space<vmem>>, vector<16xf32>,
            %mul3A_251 = arith.constant 16 : i32
            %mul3A_252 = arith.muli %scan3A_233, %mul3A_251 : i32
            %add3A_253 = arith.constant 1 : i32
            %add3A_254 = arith.addi %mul3A_252, %add3A_253 : i32
            %get3A_255 = arith.index_cast %add3A_254 : i32 to index
            %get3A_256 = arith.constant 0 : index
            %get3A_257 = tpu.vector_load %arg16[%get3A_255, %get3A_256] {strides = array<i32>} : memref<1024x16xf32, #tpu.memory_space<vmem>>, vector<16xf32>,
            %slice3A_258 = vector.extract_strided_slice %get3A_238 {offsets = [1], sizes = [1], strides = [1]} : vector<16xf32> to vector<1xf32>
            %squeeze3A_259 = vector.extract %slice3A_258[0] : f32 from vector<1xf32>
            %mul3A_260 = vector.broadcast %squeeze3A_259 : f32 to vector<16xf32>
            %mul3A_261 = arith.mulf %get3A_257, %mul3A_260 : vector<16xf32>
            %swap3A_262 = arith.index_cast %add3A_254 : i32 to index
            %swap3A_263 = arith.constant 0 : index
            %swap3A_264 = tpu.vector_load %arg16[%swap3A_262, %swap3A_263] {strides = array<i32>} : memref<1024x16xf32, #tpu.memory_space<vmem>>, vector<16xf32>,
            tpu.vector_store %arg16[%swap3A_262, %swap3A_263], %mul3A_261 {strides = array<i32>} : memref<1024x16xf32, #tpu.memory_space<vmem>>, vector<16xf32>,
            %mul3A_265 = arith.constant 16 : i32
            %mul3A_266 = arith.muli %scan3A_233, %mul3A_265 : i32
            %add3A_267 = arith.constant 2 : i32
            %add3A_268 = arith.addi %mul3A_266, %add3A_267 : i32
            %get3A_269 = arith.index_cast %add3A_268 : i32 to index
            %get3A_270 = arith.constant 0 : index
            %get3A_271 = tpu.vector_load %arg16[%get3A_269, %get3A_270] {strides = array<i32>} : memref<1024x16xf32, #tpu.memory_space<vmem>>, vector<16xf32>,
            %slice3A_272 = vector.extract_strided_slice %get3A_238 {offsets = [2], sizes = [1], strides = [1]} : vector<16xf32> to vector<1xf32>
            %squeeze3A_273 = vector.extract %slice3A_272[0] : f32 from vector<1xf32>
            %mul3A_274 = vector.broadcast %squeeze3A_273 : f32 to vector<16xf32>
            %mul3A_275 = arith.mulf %get3A_271, %mul3A_274 : vector<16xf32>
            %swap3A_276 = arith.index_cast %add3A_268 : i32 to index
            %swap3A_277 = arith.constant 0 : index
            %swap3A_278 = tpu.vector_load %arg16[%swap3A_276, %swap3A_277] {strides = array<i32>} : memref<1024x16xf32, #tpu.memory_space<vmem>>, vector<16xf32>,
            tpu.vector_store %arg16[%swap3A_276, %swap3A_277], %mul3A_275 {strides = array<i32>} : memref<1024x16xf32, #tpu.memory_space<vmem>>, vector<16xf32>,
            %mul3A_279 = arith.constant 16 : i32
            %mul3A_280 = arith.muli %scan3A_233, %mul3A_279 : i32
            %add3A_281 = arith.constant 3 : i32
            %add3A_282 = arith.addi %mul3A_280, %add3A_281 : i32
            %get3A_283 = arith.index_cast %add3A_282 : i32 to index
            %get3A_284 = arith.constant 0 : index
            %get3A_285 = tpu.vector_load %arg16[%get3A_283, %get3A_284] {strides = array<i32>} : memref<1024x16xf32, #tpu.memory_space<vmem>>, vector<16xf32>,
            %slice3A_286 = vector.extract_strided_slice %get3A_238 {offsets = [3], sizes = [1], strides = [1]} : vector<16xf32> to vector<1xf32>
            %squeeze3A_287 = vector.extract %slice3A_286[0] : f32 from vector<1xf32>
            %mul3A_288 = vector.broadcast %squeeze3A_287 : f32 to vector<16xf32>
            %mul3A_289 = arith.mulf %get3A_285, %mul3A_288 : vector<16xf32>
            %swap3A_290 = arith.index_cast %add3A_282 : i32 to index
            %swap3A_291 = arith.constant 0 : index
            %swap3A_292 = tpu.vector_load %arg16[%swap3A_290, %swap3A_291] {strides = array<i32>} : memref<1024x16xf32, #tpu.memory_space<vmem>>, vector<16xf32>,
            tpu.vector_store %arg16[%swap3A_290, %swap3A_291], %mul3A_289 {strides = array<i32>} : memref<1024x16xf32, #tpu.memory_space<vmem>>, vector<16xf32>,
            %mul3A_293 = arith.constant 16 : i32
            %mul3A_294 = arith.muli %scan3A_233, %mul3A_293 : i32
            %add3A_295 = arith.constant 4 : i32
            %add3A_296 = arith.addi %mul3A_294, %add3A_295 : i32
            %get3A_297 = arith.index_cast %add3A_296 : i32 to index
            %get3A_298 = arith.constant 0 : index
            %get3A_299 = tpu.vector_load %arg16[%get3A_297, %get3A_298] {strides = array<i32>} : memref<1024x16xf32, #tpu.memory_space<vmem>>, vector<16xf32>,
            %slice3A_300 = vector.extract_strided_slice %get3A_238 {offsets = [4], sizes = [1], strides = [1]} : vector<16xf32> to vector<1xf32>
            %squeeze3A_301 = vector.extract %slice3A_300[0] : f32 from vector<1xf32>
            %mul3A_302 = vector.broadcast %squeeze3A_301 : f32 to vector<16xf32>
            %mul3A_303 = arith.mulf %get3A_299, %mul3A_302 : vector<16xf32>
            %swap3A_304 = arith.index_cast %add3A_296 : i32 to index
            %swap3A_305 = arith.constant 0 : index
            %swap3A_306 = tpu.vector_load %arg16[%swap3A_304, %swap3A_305] {strides = array<i32>} : memref<1024x16xf32, #tpu.memory_space<vmem>>, vector<16xf32>,
            tpu.vector_store %arg16[%swap3A_304, %swap3A_305], %mul3A_303 {strides = array<i32>} : memref<1024x16xf32, #tpu.memory_space<vmem>>, vector<16xf32>,
            %mul3A_307 = arith.constant 16 : i32
            %mul3A_308 = arith.muli %scan3A_233, %mul3A_307 : i32
            %add3A_309 = arith.constant 5 : i32
            %add3A_310 = arith.addi %mul3A_308, %add3A_309 : i32
            %get3A_311 = arith.index_cast %add3A_310 : i32 to index
            %get3A_312 = arith.constant 0 : index
            %get3A_313 = tpu.vector_load %arg16[%get3A_311, %get3A_312] {strides = array<i32>} : memref<1024x16xf32, #tpu.memory_space<vmem>>, vector<16xf32>,
            %slice3A_314 = vector.extract_strided_slice %get3A_238 {offsets = [5], sizes = [1], strides = [1]} : vector<16xf32> to vector<1xf32>
            %squeeze3A_315 = vector.extract %slice3A_314[0] : f32 from vector<1xf32>
            %mul3A_316 = vector.broadcast %squeeze3A_315 : f32 to vector<16xf32>
            %mul3A_317 = arith.mulf %get3A_313, %mul3A_316 : vector<16xf32>
            %swap3A_318 = arith.index_cast %add3A_310 : i32 to index
            %swap3A_319 = arith.constant 0 : index
            %swap3A_320 = tpu.vector_load %arg16[%swap3A_318, %swap3A_319] {strides = array<i32>} : memref<1024x16xf32, #tpu.memory_space<vmem>>, vector<16xf32>,
            tpu.vector_store %arg16[%swap3A_318, %swap3A_319], %mul3A_317 {strides = array<i32>} : memref<1024x16xf32, #tpu.memory_space<vmem>>, vector<16xf32>,
            %mul3A_321 = arith.constant 16 : i32
            %mul3A_322 = arith.muli %scan3A_233, %mul3A_321 : i32
            %add3A_323 = arith.constant 6 : i32
            %add3A_324 = arith.addi %mul3A_322, %add3A_323 : i32
            %get3A_325 = arith.index_cast %add3A_324 : i32 to index
            %get3A_326 = arith.constant 0 : index
            %get3A_327 = tpu.vector_load %arg16[%get3A_325, %get3A_326] {strides = array<i32>} : memref<1024x16xf32, #tpu.memory_space<vmem>>, vector<16xf32>,
            %slice3A_328 = vector.extract_strided_slice %get3A_238 {offsets = [6], sizes = [1], strides = [1]} : vector<16xf32> to vector<1xf32>
            %squeeze3A_329 = vector.extract %slice3A_328[0] : f32 from vector<1xf32>
            %mul3A_330 = vector.broadcast %squeeze3A_329 : f32 to vector<16xf32>
            %mul3A_331 = arith.mulf %get3A_327, %mul3A_330 : vector<16xf32>
            %swap3A_332 = arith.index_cast %add3A_324 : i32 to index
            %swap3A_333 = arith.constant 0 : index
            %swap3A_334 = tpu.vector_load %arg16[%swap3A_332, %swap3A_333] {strides = array<i32>} : memref<1024x16xf32, #tpu.memory_space<vmem>>, vector<16xf32>,
            tpu.vector_store %arg16[%swap3A_332, %swap3A_333], %mul3A_331 {strides = array<i32>} : memref<1024x16xf32, #tpu.memory_space<vmem>>, vector<16xf32>,
            %mul3A_335 = arith.constant 16 : i32
            %mul3A_336 = arith.muli %scan3A_233, %mul3A_335 : i32
            %add3A_337 = arith.constant 7 : i32
            %add3A_338 = arith.addi %mul3A_336, %add3A_337 : i32
            %get3A_339 = arith.index_cast %add3A_338 : i32 to index
            %get3A_340 = arith.constant 0 : index
            %get3A_341 = tpu.vector_load %arg16[%get3A_339, %get3A_340] {strides = array<i32>} : memref<1024x16xf32, #tpu.memory_space<vmem>>, vector<16xf32>,
            %slice3A_342 = vector.extract_strided_slice %get3A_238 {offsets = [7], sizes = [1], strides = [1]} : vector<16xf32> to vector<1xf32>
            %squeeze3A_343 = vector.extract %slice3A_342[0] : f32 from vector<1xf32>
            %mul3A_344 = vector.broadcast %squeeze3A_343 : f32 to vector<16xf32>
            %mul3A_345 = arith.mulf %get3A_341, %mul3A_344 : vector<16xf32>
            %swap3A_346 = arith.index_cast %add3A_338 : i32 to index
            %swap3A_347 = arith.constant 0 : index
            %swap3A_348 = tpu.vector_load %arg16[%swap3A_346, %swap3A_347] {strides = array<i32>} : memref<1024x16xf32, #tpu.memory_space<vmem>>, vector<16xf32>,
            tpu.vector_store %arg16[%swap3A_346, %swap3A_347], %mul3A_345 {strides = array<i32>} : memref<1024x16xf32, #tpu.memory_space<vmem>>, vector<16xf32>,
            %mul3A_349 = arith.constant 16 : i32
            %mul3A_350 = arith.muli %scan3A_233, %mul3A_349 : i32
            %add3A_351 = arith.constant 8 : i32
            %add3A_352 = arith.addi %mul3A_350, %add3A_351 : i32
            %get3A_353 = arith.index_cast %add3A_352 : i32 to index
            %get3A_354 = arith.constant 0 : index
            %get3A_355 = tpu.vector_load %arg16[%get3A_353, %get3A_354] {strides = array<i32>} : memref<1024x16xf32, #tpu.memory_space<vmem>>, vector<16xf32>,
            %slice3A_356 = vector.extract_strided_slice %get3A_238 {offsets = [8], sizes = [1], strides = [1]} : vector<16xf32> to vector<1xf32>
            %squeeze3A_357 = vector.extract %slice3A_356[0] : f32 from vector<1xf32>
            %mul3A_358 = vector.broadcast %squeeze3A_357 : f32 to vector<16xf32>
            %mul3A_359 = arith.mulf %get3A_355, %mul3A_358 : vector<16xf32>
            %swap3A_360 = arith.index_cast %add3A_352 : i32 to index
            %swap3A_361 = arith.constant 0 : index
            %swap3A_362 = tpu.vector_load %arg16[%swap3A_360, %swap3A_361] {strides = array<i32>} : memref<1024x16xf32, #tpu.memory_space<vmem>>, vector<16xf32>,
            tpu.vector_store %arg16[%swap3A_360, %swap3A_361], %mul3A_359 {strides = array<i32>} : memref<1024x16xf32, #tpu.memory_space<vmem>>, vector<16xf32>,
            %mul3A_363 = arith.constant 16 : i32
            %mul3A_364 = arith.muli %scan3A_233, %mul3A_363 : i32
            %add3A_365 = arith.constant 9 : i32
            %add3A_366 = arith.addi %mul3A_364, %add3A_365 : i32
            %get3A_367 = arith.index_cast %add3A_366 : i32 to index
            %get3A_368 = arith.constant 0 : index
            %get3A_369 = tpu.vector_load %arg16[%get3A_367, %get3A_368] {strides = array<i32>} : memref<1024x16xf32, #tpu.memory_space<vmem>>, vector<16xf32>,
            %slice3A_370 = vector.extract_strided_slice %get3A_238 {offsets = [9], sizes = [1], strides = [1]} : vector<16xf32> to vector<1xf32>
            %squeeze3A_371 = vector.extract %slice3A_370[0] : f32 from vector<1xf32>
            %mul3A_372 = vector.broadcast %squeeze3A_371 : f32 to vector<16xf32>
            %mul3A_373 = arith.mulf %get3A_369, %mul3A_372 : vector<16xf32>
            %swap3A_374 = arith.index_cast %add3A_366 : i32 to index
            %swap3A_375 = arith.constant 0 : index
            %swap3A_376 = tpu.vector_load %arg16[%swap3A_374, %swap3A_375] {strides = array<i32>} : memref<1024x16xf32, #tpu.memory_space<vmem>>, vector<16xf32>,
            tpu.vector_store %arg16[%swap3A_374, %swap3A_375], %mul3A_373 {strides = array<i32>} : memref<1024x16xf32, #tpu.memory_space<vmem>>, vector<16xf32>,
            %mul3A_377 = arith.constant 16 : i32
            %mul3A_378 = arith.muli %scan3A_233, %mul3A_377 : i32
            %add3A_379 = arith.constant 10 : i32
            %add3A_380 = arith.addi %mul3A_378, %add3A_379 : i32
            %get3A_381 = arith.index_cast %add3A_380 : i32 to index
            %get3A_382 = arith.constant 0 : index
            %get3A_383 = tpu.vector_load %arg16[%get3A_381, %get3A_382] {strides = array<i32>} : memref<1024x16xf32, #tpu.memory_space<vmem>>, vector<16xf32>,
            %slice3A_384 = vector.extract_strided_slice %get3A_238 {offsets = [10], sizes = [1], strides = [1]} : vector<16xf32> to vector<1xf32>
            %squeeze3A_385 = vector.extract %slice3A_384[0] : f32 from vector<1xf32>
            %mul3A_386 = vector.broadcast %squeeze3A_385 : f32 to vector<16xf32>
            %mul3A_387 = arith.mulf %get3A_383, %mul3A_386 : vector<16xf32>
            %swap3A_388 = arith.index_cast %add3A_380 : i32 to index
            %swap3A_389 = arith.constant 0 : index
            %swap3A_390 = tpu.vector_load %arg16[%swap3A_388, %swap3A_389] {strides = array<i32>} : memref<1024x16xf32, #tpu.memory_space<vmem>>, vector<16xf32>,
            tpu.vector_store %arg16[%swap3A_388, %swap3A_389], %mul3A_387 {strides = array<i32>} : memref<1024x16xf32, #tpu.memory_space<vmem>>, vector<16xf32>,
            %mul3A_391 = arith.constant 16 : i32
            %mul3A_392 = arith.muli %scan3A_233, %mul3A_391 : i32
            %add3A_393 = arith.constant 11 : i32
            %add3A_394 = arith.addi %mul3A_392, %add3A_393 : i32
            %get3A_395 = arith.index_cast %add3A_394 : i32 to index
            %get3A_396 = arith.constant 0 : index
            %get3A_397 = tpu.vector_load %arg16[%get3A_395, %get3A_396] {strides = array<i32>} : memref<1024x16xf32, #tpu.memory_space<vmem>>, vector<16xf32>,
            %slice3A_398 = vector.extract_strided_slice %get3A_238 {offsets = [11], sizes = [1], strides = [1]} : vector<16xf32> to vector<1xf32>
            %squeeze3A_399 = vector.extract %slice3A_398[0] : f32 from vector<1xf32>
            %mul3A_400 = vector.broadcast %squeeze3A_399 : f32 to vector<16xf32>
            %mul3A_401 = arith.mulf %get3A_397, %mul3A_400 : vector<16xf32>
            %swap3A_402 = arith.index_cast %add3A_394 : i32 to index
            %swap3A_403 = arith.constant 0 : index
            %swap3A_404 = tpu.vector_load %arg16[%swap3A_402, %swap3A_403] {strides = array<i32>} : memref<1024x16xf32, #tpu.memory_space<vmem>>, vector<16xf32>,
            tpu.vector_store %arg16[%swap3A_402, %swap3A_403], %mul3A_401 {strides = array<i32>} : memref<1024x16xf32, #tpu.memory_space<vmem>>, vector<16xf32>,
            %mul3A_405 = arith.constant 16 : i32
            %mul3A_406 = arith.muli %scan3A_233, %mul3A_405 : i32
            %add3A_407 = arith.constant 12 : i32
            %add3A_408 = arith.addi %mul3A_406, %add3A_407 : i32
            %get3A_409 = arith.index_cast %add3A_408 : i32 to index
            %get3A_410 = arith.constant 0 : index
            %get3A_411 = tpu.vector_load %arg16[%get3A_409, %get3A_410] {strides = array<i32>} : memref<1024x16xf32, #tpu.memory_space<vmem>>, vector<16xf32>,
            %slice3A_412 = vector.extract_strided_slice %get3A_238 {offsets = [12], sizes = [1], strides = [1]} : vector<16xf32> to vector<1xf32>
            %squeeze3A_413 = vector.extract %slice3A_412[0] : f32 from vector<1xf32>
            %mul3A_414 = vector.broadcast %squeeze3A_413 : f32 to vector<16xf32>
            %mul3A_415 = arith.mulf %get3A_411, %mul3A_414 : vector<16xf32>
            %swap3A_416 = arith.index_cast %add3A_408 : i32 to index
            %swap3A_417 = arith.constant 0 : index
            %swap3A_418 = tpu.vector_load %arg16[%swap3A_416, %swap3A_417] {strides = array<i32>} : memref<1024x16xf32, #tpu.memory_space<vmem>>, vector<16xf32>,
            tpu.vector_store %arg16[%swap3A_416, %swap3A_417], %mul3A_415 {strides = array<i32>} : memref<1024x16xf32, #tpu.memory_space<vmem>>, vector<16xf32>,
            %mul3A_419 = arith.constant 16 : i32
            %mul3A_420 = arith.muli %scan3A_233, %mul3A_419 : i32
            %add3A_421 = arith.constant 13 : i32
            %add3A_422 = arith.addi %mul3A_420, %add3A_421 : i32
            %get3A_423 = arith.index_cast %add3A_422 : i32 to index
            %get3A_424 = arith.constant 0 : index
            %get3A_425 = tpu.vector_load %arg16[%get3A_423, %get3A_424] {strides = array<i32>} : memref<1024x16xf32, #tpu.memory_space<vmem>>, vector<16xf32>,
            %slice3A_426 = vector.extract_strided_slice %get3A_238 {offsets = [13], sizes = [1], strides = [1]} : vector<16xf32> to vector<1xf32>
            %squeeze3A_427 = vector.extract %slice3A_426[0] : f32 from vector<1xf32>
            %mul3A_428 = vector.broadcast %squeeze3A_427 : f32 to vector<16xf32>
            %mul3A_429 = arith.mulf %get3A_425, %mul3A_428 : vector<16xf32>
            %swap3A_430 = arith.index_cast %add3A_422 : i32 to index
            %swap3A_431 = arith.constant 0 : index
            %swap3A_432 = tpu.vector_load %arg16[%swap3A_430, %swap3A_431] {strides = array<i32>} : memref<1024x16xf32, #tpu.memory_space<vmem>>, vector<16xf32>,
            tpu.vector_store %arg16[%swap3A_430, %swap3A_431], %mul3A_429 {strides = array<i32>} : memref<1024x16xf32, #tpu.memory_space<vmem>>, vector<16xf32>,
            %mul3A_433 = arith.constant 16 : i32
            %mul3A_434 = arith.muli %scan3A_233, %mul3A_433 : i32
            %add3A_435 = arith.constant 14 : i32
            %add3A_436 = arith.addi %mul3A_434, %add3A_435 : i32
            %get3A_437 = arith.index_cast %add3A_436 : i32 to index
            %get3A_438 = arith.constant 0 : index
            %get3A_439 = tpu.vector_load %arg16[%get3A_437, %get3A_438] {strides = array<i32>} : memref<1024x16xf32, #tpu.memory_space<vmem>>, vector<16xf32>,
            %slice3A_440 = vector.extract_strided_slice %get3A_238 {offsets = [14], sizes = [1], strides = [1]} : vector<16xf32> to vector<1xf32>
            %squeeze3A_441 = vector.extract %slice3A_440[0] : f32 from vector<1xf32>
            %mul3A_442 = vector.broadcast %squeeze3A_441 : f32 to vector<16xf32>
            %mul3A_443 = arith.mulf %get3A_439, %mul3A_442 : vector<16xf32>
            %swap3A_444 = arith.index_cast %add3A_436 : i32 to index
            %swap3A_445 = arith.constant 0 : index
            %swap3A_446 = tpu.vector_load %arg16[%swap3A_444, %swap3A_445] {strides = array<i32>} : memref<1024x16xf32, #tpu.memory_space<vmem>>, vector<16xf32>,
            tpu.vector_store %arg16[%swap3A_444, %swap3A_445], %mul3A_443 {strides = array<i32>} : memref<1024x16xf32, #tpu.memory_space<vmem>>, vector<16xf32>,
            %mul3A_447 = arith.constant 16 : i32
            %mul3A_448 = arith.muli %scan3A_233, %mul3A_447 : i32
            %add3A_449 = arith.constant 15 : i32
            %add3A_450 = arith.addi %mul3A_448, %add3A_449 : i32
            %get3A_451 = arith.index_cast %add3A_450 : i32 to index
            %get3A_452 = arith.constant 0 : index
            %get3A_453 = tpu.vector_load %arg16[%get3A_451, %get3A_452] {strides = array<i32>} : memref<1024x16xf32, #tpu.memory_space<vmem>>, vector<16xf32>,
            %slice3A_454 = vector.extract_strided_slice %get3A_238 {offsets = [15], sizes = [1], strides = [1]} : vector<16xf32> to vector<1xf32>
            %squeeze3A_455 = vector.extract %slice3A_454[0] : f32 from vector<1xf32>
            %mul3A_456 = vector.broadcast %squeeze3A_455 : f32 to vector<16xf32>
            %mul3A_457 = arith.mulf %get3A_453, %mul3A_456 : vector<16xf32>
            %swap3A_458 = arith.index_cast %add3A_450 : i32 to index
            %swap3A_459 = arith.constant 0 : index
            %swap3A_460 = tpu.vector_load %arg16[%swap3A_458, %swap3A_459] {strides = array<i32>} : memref<1024x16xf32, #tpu.memory_space<vmem>>, vector<16xf32>,
            tpu.vector_store %arg16[%swap3A_458, %swap3A_459], %mul3A_457 {strides = array<i32>} : memref<1024x16xf32, #tpu.memory_space<vmem>>, vector<16xf32>,
            %scan3A_461 = arith.constant 0 : i32
            scf.yield %scan3A_461 : i32
          }
          %scan3A_228 = arith.constant 64 : i32
          "tpu.region"() ({
            %run_scoped3A = tpu.sem_alloc : memref<!tpu.dma_semaphore, #tpu.memory_space<semaphore_mem>>
            %dma_start3A = arith.constant 0 : i32
            %dma_start3A_233 = arith.constant 0 : i32
            %dma_start3A_234 = tpu.memref_slice %arg18[%dma_start3A, %dma_start3A_233] : memref<69632x16xf32, #tpu.memory_space<vmem_shared>> -> memref<69632x16xf32, #tpu.memory_space<vmem_shared>>
            tpu.enqueue_indirect_dma source(%arg16 : memref<1024x16xf32, #tpu.memory_space<vmem>>) target(%dma_start3A_234 : memref<69632x16xf32, #tpu.memory_space<vmem_shared>>) offsets(%arg13 : memref<1024xi32, #tpu.memory_space<vmem>>) semaphore(%run_scoped3A : memref<!tpu.dma_semaphore, #tpu.memory_space<semaphore_mem>>) {add = true}
            %dma_wait3A_235 = arith.constant 0 : i32
            %dma_wait3A_236 = arith.constant 0 : i32
            %dma_wait3A_237 = tpu.memref_slice %arg18[%dma_wait3A_235, %dma_wait3A_236] : memref<69632x16xf32, #tpu.memory_space<vmem_shared>> -> memref<69632x16xf32, #tpu.memory_space<vmem_shared>>
            tpu.wait_indirect_dma semaphore(%run_scoped3A : memref<!tpu.dma_semaphore, #tpu.memory_space<semaphore_mem>>) src(%arg16 : memref<1024x16xf32, #tpu.memory_space<vmem>>) dst(%dma_wait3A_237 : memref<69632x16xf32, #tpu.memory_space<vmem_shared>>)
            tpu.yield
          }) : () -> ()
          %swap3A_229 = arith.constant 0 : i32
          %swap3A_230 = arith.constant 0 : i32
          %swap3A_231 = arith.index_cast %swap3A_230 : i32 to index
          %swap3A_232 = memref.load %arg20[%swap3A_231] : memref<1xi32, #tpu.memory_space<smem>>
          memref.store %swap3A_229, %arg20[%swap3A_231] : memref<1xi32, #tpu.memory_space<smem>>
        } else {
        }
        %get3A_204 = arith.constant 0 : i32
        %get3A_205 = arith.index_cast %get3A_204 : i32 to index
        %get3A_206 = memref.load %arg19[%get3A_205] : memref<1xi32, #tpu.memory_space<smem>>
        %ge3A_207 = arith.constant 1024 : i32
        %ge3A_208 = arith.cmpi sge, %get3A_206, %ge3A_207 : i32
        %convert_element_type3A_209 = arith.extui %ge3A_208 : i1 to i32
        %cond3A_210 = arith.constant 0 : i32
        %cond3A_211 = arith.cmpi ne, %convert_element_type3A_209, %cond3A_210 : i32
        scf.if %cond3A_211 {
          %scan3A_213 = arith.constant 0 : i32
          %scan3A_214 = arith.constant 0 : i32
          %scan3A_215 = arith.constant 64 : i32
          %scan3A_216 = arith.addi %scan3A_214, %scan3A_215 : i32
          %scan3A_217 = arith.constant 1 : i32
          %scan3A_218 = scf.for %scan3A_280 = %scan3A_214 to %scan3A_216 step %scan3A_217 iter_args(%scan3A_281 = %scan3A_213) -> (i32)  : i32 {
            %mul3A_282 = arith.constant 16 : i32
            %mul3A_283 = arith.muli %scan3A_280, %mul3A_282 : i32
            %get3A_284 = arith.index_cast %mul3A_283 : i32 to index
            %get3A_285 = tpu.vector_load %arg10[%get3A_284] {strides = array<i32>} : memref<2064xi32, #tpu.memory_space<vmem>>, vector<16xi32>,
            %swap3A_286 = arith.index_cast %mul3A_283 : i32 to index
            %swap3A_287 = tpu.vector_load %arg13[%swap3A_286] {strides = array<i32>} : memref<1024xi32, #tpu.memory_space<vmem>>, vector<16xi32>,
            tpu.vector_store %arg13[%swap3A_286], %get3A_285 {strides = array<i32>} : memref<1024xi32, #tpu.memory_space<vmem>>, vector<16xi32>,
            %get3A_288 = arith.index_cast %mul3A_283 : i32 to index
            %get3A_289 = tpu.vector_load %arg11[%get3A_288] {strides = array<i32>} : memref<2064xi32, #tpu.memory_space<vmem>>, vector<16xi32>,
            %swap3A_290 = arith.index_cast %mul3A_283 : i32 to index
            %swap3A_291 = tpu.vector_load %arg14[%swap3A_290] {strides = array<i32>} : memref<1024xi32, #tpu.memory_space<vmem>>, vector<16xi32>,
            tpu.vector_store %arg14[%swap3A_290], %get3A_289 {strides = array<i32>} : memref<1024xi32, #tpu.memory_space<vmem>>, vector<16xi32>,
            %get3A_292 = arith.index_cast %mul3A_283 : i32 to index
            %get3A_293 = tpu.vector_load %arg12[%get3A_292] {strides = array<i32>} : memref<2064xf32, #tpu.memory_space<vmem>>, vector<16xf32>,
            %swap3A_294 = arith.index_cast %mul3A_283 : i32 to index
            %swap3A_295 = tpu.vector_load %arg15[%swap3A_294] {strides = array<i32>} : memref<1024xf32, #tpu.memory_space<vmem>>, vector<16xf32>,
            tpu.vector_store %arg15[%swap3A_294], %get3A_293 {strides = array<i32>} : memref<1024xf32, #tpu.memory_space<vmem>>, vector<16xf32>,
            %scan3A_296 = arith.constant 0 : i32
            scf.yield %scan3A_296 : i32
          }
          %scan3A_219 = arith.constant 64 : i32
          %get3A_220 = arith.constant 0 : i32
          %get3A_221 = arith.index_cast %get3A_220 : i32 to index
          %get3A_222 = memref.load %arg19[%get3A_221] : memref<1xi32, #tpu.memory_space<smem>>
          %sub3A_223 = arith.constant 1024 : i32
          %sub3A_224 = arith.subi %get3A_222, %sub3A_223 : i32
          %add3A_225 = arith.constant 15 : i32
          %add3A_226 = arith.addi %sub3A_224, %add3A_225 : i32
          %jit3A_227 = arith.constant 16 : i32
          %div3A_228 = arith.divsi %add3A_226, %jit3A_227 : i32
          %sign3A_229 = arith.constant 0 : i32
          %sign3A_230 = arith.cmpi sgt, %add3A_226, %sign3A_229 : i32
          %sign3A_231 = arith.extui %sign3A_230 : i1 to i32
          %sign3A_232 = arith.constant 0 : i32
          %sign3A_233 = arith.cmpi slt, %add3A_226, %sign3A_232 : i32
          %sign3A_234 = arith.extui %sign3A_233 : i1 to i32
          %sign3A_235 = arith.subi %sign3A_231, %sign3A_234 : i32
          %sign3A_236 = arith.constant 0 : i32
          %sign3A_237 = arith.cmpi sgt, %jit3A_227, %sign3A_236 : i32
          %sign3A_238 = arith.extui %sign3A_237 : i1 to i32
          %sign3A_239 = arith.constant 0 : i32
          %sign3A_240 = arith.cmpi slt, %jit3A_227, %sign3A_239 : i32
          %sign3A_241 = arith.extui %sign3A_240 : i1 to i32
          %sign3A_242 = arith.subi %sign3A_238, %sign3A_241 : i32
          %ne3A_243 = arith.cmpi ne, %sign3A_235, %sign3A_242 : i32
          %rem3A_244 = arith.remsi %add3A_226, %jit3A_227 : i32
          %ne3A_245 = arith.constant 0 : i32
          %ne3A_246 = arith.cmpi ne, %rem3A_244, %ne3A_245 : i32
          %and3A_247 = arith.andi %ne3A_243, %ne3A_246 : i1
          %sub3A_248 = arith.constant 1 : i32
          %sub3A_249 = arith.subi %div3A_228, %sub3A_248 : i32
          %select_n3A_250 = arith.select %and3A_247, %sub3A_249, %div3A_228 : i32
          %while3A = arith.constant 0 : i32
          %while3A_251 = arith.constant 0 : i32
          %while3A_252 = arith.subi %select_n3A_250, %while3A : i32
          %while3A_253 = arith.addi %while3A, %while3A_252 : i32
          %while3A_254 = arith.constant 1 : i32
          %while3A_255 = arith.divsi %while3A_252, %while3A_254 : i32
          %while3A_256 = arith.muli %while3A_255, %while3A_254 : i32
          %while3A_257 = arith.addi %while3A, %while3A_256 : i32
          %while3A_258 = arith.constant 1 : i32
          %while3A_259 = scf.for %while3A_280 = %while3A to %while3A_257 step %while3A_258 iter_args(%while3A_281 = %while3A_251) -> (i32)  : i32 {
            %mul3A_282 = arith.constant 16 : i32
            %mul3A_283 = arith.muli %while3A_280, %mul3A_282 : i32
            %mul3A_284 = arith.constant 16 : i32
            %mul3A_285 = arith.muli %while3A_280, %mul3A_284 : i32
            %add3A_286 = arith.constant 1024 : i32
            %add3A_287 = arith.addi %add3A_286, %mul3A_285 : i32
            %get3A_288 = arith.index_cast %add3A_287 : i32 to index
            %get3A_289 = tpu.vector_load %arg10[%get3A_288] {strides = array<i32>} : memref<2064xi32, #tpu.memory_space<vmem>>, vector<16xi32>,
            %swap3A_290 = arith.index_cast %mul3A_283 : i32 to index
            %swap3A_291 = tpu.vector_load %arg10[%swap3A_290] {strides = array<i32>} : memref<2064xi32, #tpu.memory_space<vmem>>, vector<16xi32>,
            tpu.vector_store %arg10[%swap3A_290], %get3A_289 {strides = array<i32>} : memref<2064xi32, #tpu.memory_space<vmem>>, vector<16xi32>,
            %get3A_292 = arith.index_cast %add3A_287 : i32 to index
            %get3A_293 = tpu.vector_load %arg11[%get3A_292] {strides = array<i32>} : memref<2064xi32, #tpu.memory_space<vmem>>, vector<16xi32>,
            %swap3A_294 = arith.index_cast %mul3A_283 : i32 to index
            %swap3A_295 = tpu.vector_load %arg11[%swap3A_294] {strides = array<i32>} : memref<2064xi32, #tpu.memory_space<vmem>>, vector<16xi32>,
            tpu.vector_store %arg11[%swap3A_294], %get3A_293 {strides = array<i32>} : memref<2064xi32, #tpu.memory_space<vmem>>, vector<16xi32>,
            %get3A_296 = arith.index_cast %add3A_287 : i32 to index
            %get3A_297 = tpu.vector_load %arg12[%get3A_296] {strides = array<i32>} : memref<2064xf32, #tpu.memory_space<vmem>>, vector<16xf32>,
            %swap3A_298 = arith.index_cast %mul3A_283 : i32 to index
            %swap3A_299 = tpu.vector_load %arg12[%swap3A_298] {strides = array<i32>} : memref<2064xf32, #tpu.memory_space<vmem>>, vector<16xf32>,
            tpu.vector_store %arg12[%swap3A_298], %get3A_297 {strides = array<i32>} : memref<2064xf32, #tpu.memory_space<vmem>>, vector<16xf32>,
            %while3A_300 = arith.constant 0 : i32
            scf.yield %while3A_300 : i32
          }
          %while3A_260 = arith.constant 1 : i32
          %while3A_261 = scf.for %while3A_280 = %while3A_257 to %while3A_253 step %while3A_260 iter_args(%while3A_281 = %while3A_259) -> (i32)  : i32 {
            %mul3A_282 = arith.constant 16 : i32
            %mul3A_283 = arith.muli %while3A_280, %mul3A_282 : i32
            %mul3A_284 = arith.constant 16 : i32
            %mul3A_285 = arith.muli %while3A_280, %mul3A_284 : i32
            %add3A_286 = arith.constant 1024 : i32
            %add3A_287 = arith.addi %add3A_286, %mul3A_285 : i32
            %get3A_288 = arith.index_cast %add3A_287 : i32 to index
            %get3A_289 = tpu.vector_load %arg10[%get3A_288] {strides = array<i32>} : memref<2064xi32, #tpu.memory_space<vmem>>, vector<16xi32>,
            %swap3A_290 = arith.index_cast %mul3A_283 : i32 to index
            %swap3A_291 = tpu.vector_load %arg10[%swap3A_290] {strides = array<i32>} : memref<2064xi32, #tpu.memory_space<vmem>>, vector<16xi32>,
            tpu.vector_store %arg10[%swap3A_290], %get3A_289 {strides = array<i32>} : memref<2064xi32, #tpu.memory_space<vmem>>, vector<16xi32>,
            %get3A_292 = arith.index_cast %add3A_287 : i32 to index
            %get3A_293 = tpu.vector_load %arg11[%get3A_292] {strides = array<i32>} : memref<2064xi32, #tpu.memory_space<vmem>>, vector<16xi32>,
            %swap3A_294 = arith.index_cast %mul3A_283 : i32 to index
            %swap3A_295 = tpu.vector_load %arg11[%swap3A_294] {strides = array<i32>} : memref<2064xi32, #tpu.memory_space<vmem>>, vector<16xi32>,
            tpu.vector_store %arg11[%swap3A_294], %get3A_293 {strides = array<i32>} : memref<2064xi32, #tpu.memory_space<vmem>>, vector<16xi32>,
            %get3A_296 = arith.index_cast %add3A_287 : i32 to index
            %get3A_297 = tpu.vector_load %arg12[%get3A_296] {strides = array<i32>} : memref<2064xf32, #tpu.memory_space<vmem>>, vector<16xf32>,
            %swap3A_298 = arith.index_cast %mul3A_283 : i32 to index
            %swap3A_299 = tpu.vector_load %arg12[%swap3A_298] {strides = array<i32>} : memref<2064xf32, #tpu.memory_space<vmem>>, vector<16xf32>,
            tpu.vector_store %arg12[%swap3A_298], %get3A_297 {strides = array<i32>} : memref<2064xf32, #tpu.memory_space<vmem>>, vector<16xf32>,
            %while3A_300 = arith.constant 0 : i32
            scf.yield %while3A_300 : i32
          }
          %sub3A_262 = arith.constant 1024 : i32
          %sub3A_263 = arith.subi %get3A_222, %sub3A_262 : i32
          %swap3A_264 = arith.constant 0 : i32
          %swap3A_265 = arith.index_cast %swap3A_264 : i32 to index
          %swap3A_266 = memref.load %arg19[%swap3A_265] : memref<1xi32, #tpu.memory_space<smem>>
          memref.store %sub3A_263, %arg19[%swap3A_265] : memref<1xi32, #tpu.memory_space<smem>>
          %get3A_267 = arith.constant 0 : i32
          %get3A_268 = arith.index_cast %get3A_267 : i32 to index
          %get3A_269 = memref.load %arg21[%get3A_268] : memref<1xi32, #tpu.memory_space<smem>>
          %dma_start3A = arith.constant 0 : i32
          %dma_start3A_270 = arith.constant 0 : i32
          %dma_start3A_271 = tpu.memref_slice %arg3[%get3A_269, %dma_start3A, %dma_start3A_270] : memref<4x500000x16xf32, #tpu.memory_space<hbm>> -> memref<1x500000x16xf32, #tpu.memory_space<hbm>>
          %dma_start3A_272 = tpu.memref_squeeze %dma_start3A_271 : memref<1x500000x16xf32, #tpu.memory_space<hbm>> -> memref<500000x16xf32, #tpu.memory_space<hbm>>
          %dma_start3A_273 = arith.constant 0 : i32
          %dma_start3A_274 = arith.constant 0 : i32
          %dma_start3A_275 = tpu.memref_slice %dma_start3A_272[%dma_start3A_273, %dma_start3A_274] : memref<500000x16xf32, #tpu.memory_space<hbm>> -> memref<500000x16xf32, #tpu.memory_space<hbm>>
          tpu.enqueue_indirect_dma source(%dma_start3A_275 : memref<500000x16xf32, #tpu.memory_space<hbm>>) target(%arg16 : memref<1024x16xf32, #tpu.memory_space<vmem>>) offsets(%arg14 : memref<1024xi32, #tpu.memory_space<vmem>>) semaphore(%arg24 : memref<!tpu.dma_semaphore, #tpu.memory_space<semaphore_mem>>)
          %swap3A_276 = arith.constant 1 : i32
          %swap3A_277 = arith.constant 0 : i32
          %swap3A_278 = arith.index_cast %swap3A_277 : i32 to index
          %swap3A_279 = memref.load %arg20[%swap3A_278] : memref<1xi32, #tpu.memory_space<smem>>
          memref.store %swap3A_276, %arg20[%swap3A_278] : memref<1xi32, #tpu.memory_space<smem>>
        } else {
        }
        %scan3A_212 = arith.constant 0 : i32
        scf.yield %scan3A_212 : i32
      }
      %scan3A_83 = arith.constant 16 : i32
      %get3A = arith.constant 0 : i32
      %get3A_84 = arith.index_cast %get3A : i32 to index
      %get3A_85 = memref.load %arg20[%get3A_84] : memref<1xi32, #tpu.memory_space<smem>>
      %eq3A_86 = arith.constant 1 : i32
      %eq3A_87 = arith.cmpi eq, %get3A_85, %eq3A_86 : i32
      %convert_element_type3A_88 = arith.extui %eq3A_87 : i1 to i32
      %cond3A_89 = arith.constant 0 : i32
      %cond3A_90 = arith.cmpi ne, %convert_element_type3A_88, %cond3A_89 : i32
      scf.if %cond3A_90 {
        %get3A_119 = arith.constant 0 : i32
        %get3A_120 = arith.index_cast %get3A_119 : i32 to index
        %get3A_121 = memref.load %arg21[%get3A_120] : memref<1xi32, #tpu.memory_space<smem>>
        %dma_wait3A = arith.constant 0 : i32
        %dma_wait3A_122 = arith.constant 0 : i32
        %dma_wait3A_123 = tpu.memref_slice %arg3[%get3A_121, %dma_wait3A, %dma_wait3A_122] : memref<4x500000x16xf32, #tpu.memory_space<hbm>> -> memref<1x500000x16xf32, #tpu.memory_space<hbm>>
        %dma_wait3A_124 = tpu.memref_squeeze %dma_wait3A_123 : memref<1x500000x16xf32, #tpu.memory_space<hbm>> -> memref<500000x16xf32, #tpu.memory_space<hbm>>
        %dma_wait3A_125 = arith.constant 0 : i32
        %dma_wait3A_126 = arith.constant 0 : i32
        %dma_wait3A_127 = tpu.memref_slice %dma_wait3A_124[%dma_wait3A_125, %dma_wait3A_126] : memref<500000x16xf32, #tpu.memory_space<hbm>> -> memref<500000x16xf32, #tpu.memory_space<hbm>>
        tpu.wait_indirect_dma semaphore(%arg24 : memref<!tpu.dma_semaphore, #tpu.memory_space<semaphore_mem>>) src(%dma_wait3A_127 : memref<500000x16xf32, #tpu.memory_space<hbm>>) dst(%arg16 : memref<1024x16xf32, #tpu.memory_space<vmem>>)
        %scan3A_128 = arith.constant 0 : i32
        %scan3A_129 = arith.constant 0 : i32
        %scan3A_130 = arith.constant 64 : i32
        %scan3A_131 = arith.addi %scan3A_129, %scan3A_130 : i32
        %scan3A_132 = arith.constant 1 : i32
        %scan3A_133 = scf.for %scan3A_139 = %scan3A_129 to %scan3A_131 step %scan3A_132 iter_args(%scan3A_140 = %scan3A_128) -> (i32)  : i32 {
          %mul3A_141 = arith.constant 16 : i32
          %mul3A_142 = arith.muli %scan3A_139, %mul3A_141 : i32
          %get3A_143 = arith.index_cast %mul3A_142 : i32 to index
          %get3A_144 = tpu.vector_load %arg15[%get3A_143] {strides = array<i32>} : memref<1024xf32, #tpu.memory_space<vmem>>, vector<16xf32>,
          %mul3A_145 = arith.constant 16 : i32
          %mul3A_146 = arith.muli %scan3A_139, %mul3A_145 : i32
          %add3A_147 = arith.constant 0 : i32
          %add3A_148 = arith.addi %mul3A_146, %add3A_147 : i32
          %get3A_149 = arith.index_cast %add3A_148 : i32 to index
          %get3A_150 = arith.constant 0 : index
          %get3A_151 = tpu.vector_load %arg16[%get3A_149, %get3A_150] {strides = array<i32>} : memref<1024x16xf32, #tpu.memory_space<vmem>>, vector<16xf32>,
          %slice3A = vector.extract_strided_slice %get3A_144 {offsets = [0], sizes = [1], strides = [1]} : vector<16xf32> to vector<1xf32>
          %squeeze3A = vector.extract %slice3A[0] : f32 from vector<1xf32>
          %mul3A_152 = vector.broadcast %squeeze3A : f32 to vector<16xf32>
          %mul3A_153 = arith.mulf %get3A_151, %mul3A_152 : vector<16xf32>
          %swap3A_154 = arith.index_cast %add3A_148 : i32 to index
          %swap3A_155 = arith.constant 0 : index
          %swap3A_156 = tpu.vector_load %arg16[%swap3A_154, %swap3A_155] {strides = array<i32>} : memref<1024x16xf32, #tpu.memory_space<vmem>>, vector<16xf32>,
          tpu.vector_store %arg16[%swap3A_154, %swap3A_155], %mul3A_153 {strides = array<i32>} : memref<1024x16xf32, #tpu.memory_space<vmem>>, vector<16xf32>,
          %mul3A_157 = arith.constant 16 : i32
          %mul3A_158 = arith.muli %scan3A_139, %mul3A_157 : i32
          %add3A_159 = arith.constant 1 : i32
          %add3A_160 = arith.addi %mul3A_158, %add3A_159 : i32
          %get3A_161 = arith.index_cast %add3A_160 : i32 to index
          %get3A_162 = arith.constant 0 : index
          %get3A_163 = tpu.vector_load %arg16[%get3A_161, %get3A_162] {strides = array<i32>} : memref<1024x16xf32, #tpu.memory_space<vmem>>, vector<16xf32>,
          %slice3A_164 = vector.extract_strided_slice %get3A_144 {offsets = [1], sizes = [1], strides = [1]} : vector<16xf32> to vector<1xf32>
          %squeeze3A_165 = vector.extract %slice3A_164[0] : f32 from vector<1xf32>
          %mul3A_166 = vector.broadcast %squeeze3A_165 : f32 to vector<16xf32>
          %mul3A_167 = arith.mulf %get3A_163, %mul3A_166 : vector<16xf32>
          %swap3A_168 = arith.index_cast %add3A_160 : i32 to index
          %swap3A_169 = arith.constant 0 : index
          %swap3A_170 = tpu.vector_load %arg16[%swap3A_168, %swap3A_169] {strides = array<i32>} : memref<1024x16xf32, #tpu.memory_space<vmem>>, vector<16xf32>,
          tpu.vector_store %arg16[%swap3A_168, %swap3A_169], %mul3A_167 {strides = array<i32>} : memref<1024x16xf32, #tpu.memory_space<vmem>>, vector<16xf32>,
          %mul3A_171 = arith.constant 16 : i32
          %mul3A_172 = arith.muli %scan3A_139, %mul3A_171 : i32
          %add3A_173 = arith.constant 2 : i32
          %add3A_174 = arith.addi %mul3A_172, %add3A_173 : i32
          %get3A_175 = arith.index_cast %add3A_174 : i32 to index
          %get3A_176 = arith.constant 0 : index
          %get3A_177 = tpu.vector_load %arg16[%get3A_175, %get3A_176] {strides = array<i32>} : memref<1024x16xf32, #tpu.memory_space<vmem>>, vector<16xf32>,
          %slice3A_178 = vector.extract_strided_slice %get3A_144 {offsets = [2], sizes = [1], strides = [1]} : vector<16xf32> to vector<1xf32>
          %squeeze3A_179 = vector.extract %slice3A_178[0] : f32 from vector<1xf32>
          %mul3A_180 = vector.broadcast %squeeze3A_179 : f32 to vector<16xf32>
          %mul3A_181 = arith.mulf %get3A_177, %mul3A_180 : vector<16xf32>
          %swap3A_182 = arith.index_cast %add3A_174 : i32 to index
          %swap3A_183 = arith.constant 0 : index
          %swap3A_184 = tpu.vector_load %arg16[%swap3A_182, %swap3A_183] {strides = array<i32>} : memref<1024x16xf32, #tpu.memory_space<vmem>>, vector<16xf32>,
          tpu.vector_store %arg16[%swap3A_182, %swap3A_183], %mul3A_181 {strides = array<i32>} : memref<1024x16xf32, #tpu.memory_space<vmem>>, vector<16xf32>,
          %mul3A_185 = arith.constant 16 : i32
          %mul3A_186 = arith.muli %scan3A_139, %mul3A_185 : i32
          %add3A_187 = arith.constant 3 : i32
          %add3A_188 = arith.addi %mul3A_186, %add3A_187 : i32
          %get3A_189 = arith.index_cast %add3A_188 : i32 to index
          %get3A_190 = arith.constant 0 : index
          %get3A_191 = tpu.vector_load %arg16[%get3A_189, %get3A_190] {strides = array<i32>} : memref<1024x16xf32, #tpu.memory_space<vmem>>, vector<16xf32>,
          %slice3A_192 = vector.extract_strided_slice %get3A_144 {offsets = [3], sizes = [1], strides = [1]} : vector<16xf32> to vector<1xf32>
          %squeeze3A_193 = vector.extract %slice3A_192[0] : f32 from vector<1xf32>
          %mul3A_194 = vector.broadcast %squeeze3A_193 : f32 to vector<16xf32>
          %mul3A_195 = arith.mulf %get3A_191, %mul3A_194 : vector<16xf32>
          %swap3A_196 = arith.index_cast %add3A_188 : i32 to index
          %swap3A_197 = arith.constant 0 : index
          %swap3A_198 = tpu.vector_load %arg16[%swap3A_196, %swap3A_197] {strides = array<i32>} : memref<1024x16xf32, #tpu.memory_space<vmem>>, vector<16xf32>,
          tpu.vector_store %arg16[%swap3A_196, %swap3A_197], %mul3A_195 {strides = array<i32>} : memref<1024x16xf32, #tpu.memory_space<vmem>>, vector<16xf32>,
          %mul3A_199 = arith.constant 16 : i32
          %mul3A_200 = arith.muli %scan3A_139, %mul3A_199 : i32
          %add3A_201 = arith.constant 4 : i32
          %add3A_202 = arith.addi %mul3A_200, %add3A_201 : i32
          %get3A_203 = arith.index_cast %add3A_202 : i32 to index
          %get3A_204 = arith.constant 0 : index
          %get3A_205 = tpu.vector_load %arg16[%get3A_203, %get3A_204] {strides = array<i32>} : memref<1024x16xf32, #tpu.memory_space<vmem>>, vector<16xf32>,
          %slice3A_206 = vector.extract_strided_slice %get3A_144 {offsets = [4], sizes = [1], strides = [1]} : vector<16xf32> to vector<1xf32>
          %squeeze3A_207 = vector.extract %slice3A_206[0] : f32 from vector<1xf32>
          %mul3A_208 = vector.broadcast %squeeze3A_207 : f32 to vector<16xf32>
          %mul3A_209 = arith.mulf %get3A_205, %mul3A_208 : vector<16xf32>
          %swap3A_210 = arith.index_cast %add3A_202 : i32 to index
          %swap3A_211 = arith.constant 0 : index
          %swap3A_212 = tpu.vector_load %arg16[%swap3A_210, %swap3A_211] {strides = array<i32>} : memref<1024x16xf32, #tpu.memory_space<vmem>>, vector<16xf32>,
          tpu.vector_store %arg16[%swap3A_210, %swap3A_211], %mul3A_209 {strides = array<i32>} : memref<1024x16xf32, #tpu.memory_space<vmem>>, vector<16xf32>,
          %mul3A_213 = arith.constant 16 : i32
          %mul3A_214 = arith.muli %scan3A_139, %mul3A_213 : i32
          %add3A_215 = arith.constant 5 : i32
          %add3A_216 = arith.addi %mul3A_214, %add3A_215 : i32
          %get3A_217 = arith.index_cast %add3A_216 : i32 to index
          %get3A_218 = arith.constant 0 : index
          %get3A_219 = tpu.vector_load %arg16[%get3A_217, %get3A_218] {strides = array<i32>} : memref<1024x16xf32, #tpu.memory_space<vmem>>, vector<16xf32>,
          %slice3A_220 = vector.extract_strided_slice %get3A_144 {offsets = [5], sizes = [1], strides = [1]} : vector<16xf32> to vector<1xf32>
          %squeeze3A_221 = vector.extract %slice3A_220[0] : f32 from vector<1xf32>
          %mul3A_222 = vector.broadcast %squeeze3A_221 : f32 to vector<16xf32>
          %mul3A_223 = arith.mulf %get3A_219, %mul3A_222 : vector<16xf32>
          %swap3A_224 = arith.index_cast %add3A_216 : i32 to index
          %swap3A_225 = arith.constant 0 : index
          %swap3A_226 = tpu.vector_load %arg16[%swap3A_224, %swap3A_225] {strides = array<i32>} : memref<1024x16xf32, #tpu.memory_space<vmem>>, vector<16xf32>,
          tpu.vector_store %arg16[%swap3A_224, %swap3A_225], %mul3A_223 {strides = array<i32>} : memref<1024x16xf32, #tpu.memory_space<vmem>>, vector<16xf32>,
          %mul3A_227 = arith.constant 16 : i32
          %mul3A_228 = arith.muli %scan3A_139, %mul3A_227 : i32
          %add3A_229 = arith.constant 6 : i32
          %add3A_230 = arith.addi %mul3A_228, %add3A_229 : i32
          %get3A_231 = arith.index_cast %add3A_230 : i32 to index
          %get3A_232 = arith.constant 0 : index
          %get3A_233 = tpu.vector_load %arg16[%get3A_231, %get3A_232] {strides = array<i32>} : memref<1024x16xf32, #tpu.memory_space<vmem>>, vector<16xf32>,
          %slice3A_234 = vector.extract_strided_slice %get3A_144 {offsets = [6], sizes = [1], strides = [1]} : vector<16xf32> to vector<1xf32>
          %squeeze3A_235 = vector.extract %slice3A_234[0] : f32 from vector<1xf32>
          %mul3A_236 = vector.broadcast %squeeze3A_235 : f32 to vector<16xf32>
          %mul3A_237 = arith.mulf %get3A_233, %mul3A_236 : vector<16xf32>
          %swap3A_238 = arith.index_cast %add3A_230 : i32 to index
          %swap3A_239 = arith.constant 0 : index
          %swap3A_240 = tpu.vector_load %arg16[%swap3A_238, %swap3A_239] {strides = array<i32>} : memref<1024x16xf32, #tpu.memory_space<vmem>>, vector<16xf32>,
          tpu.vector_store %arg16[%swap3A_238, %swap3A_239], %mul3A_237 {strides = array<i32>} : memref<1024x16xf32, #tpu.memory_space<vmem>>, vector<16xf32>,
          %mul3A_241 = arith.constant 16 : i32
          %mul3A_242 = arith.muli %scan3A_139, %mul3A_241 : i32
          %add3A_243 = arith.constant 7 : i32
          %add3A_244 = arith.addi %mul3A_242, %add3A_243 : i32
          %get3A_245 = arith.index_cast %add3A_244 : i32 to index
          %get3A_246 = arith.constant 0 : index
          %get3A_247 = tpu.vector_load %arg16[%get3A_245, %get3A_246] {strides = array<i32>} : memref<1024x16xf32, #tpu.memory_space<vmem>>, vector<16xf32>,
          %slice3A_248 = vector.extract_strided_slice %get3A_144 {offsets = [7], sizes = [1], strides = [1]} : vector<16xf32> to vector<1xf32>
          %squeeze3A_249 = vector.extract %slice3A_248[0] : f32 from vector<1xf32>
          %mul3A_250 = vector.broadcast %squeeze3A_249 : f32 to vector<16xf32>
          %mul3A_251 = arith.mulf %get3A_247, %mul3A_250 : vector<16xf32>
          %swap3A_252 = arith.index_cast %add3A_244 : i32 to index
          %swap3A_253 = arith.constant 0 : index
          %swap3A_254 = tpu.vector_load %arg16[%swap3A_252, %swap3A_253] {strides = array<i32>} : memref<1024x16xf32, #tpu.memory_space<vmem>>, vector<16xf32>,
          tpu.vector_store %arg16[%swap3A_252, %swap3A_253], %mul3A_251 {strides = array<i32>} : memref<1024x16xf32, #tpu.memory_space<vmem>>, vector<16xf32>,
          %mul3A_255 = arith.constant 16 : i32
          %mul3A_256 = arith.muli %scan3A_139, %mul3A_255 : i32
          %add3A_257 = arith.constant 8 : i32
          %add3A_258 = arith.addi %mul3A_256, %add3A_257 : i32
          %get3A_259 = arith.index_cast %add3A_258 : i32 to index
          %get3A_260 = arith.constant 0 : index
          %get3A_261 = tpu.vector_load %arg16[%get3A_259, %get3A_260] {strides = array<i32>} : memref<1024x16xf32, #tpu.memory_space<vmem>>, vector<16xf32>,
          %slice3A_262 = vector.extract_strided_slice %get3A_144 {offsets = [8], sizes = [1], strides = [1]} : vector<16xf32> to vector<1xf32>
          %squeeze3A_263 = vector.extract %slice3A_262[0] : f32 from vector<1xf32>
          %mul3A_264 = vector.broadcast %squeeze3A_263 : f32 to vector<16xf32>
          %mul3A_265 = arith.mulf %get3A_261, %mul3A_264 : vector<16xf32>
          %swap3A_266 = arith.index_cast %add3A_258 : i32 to index
          %swap3A_267 = arith.constant 0 : index
          %swap3A_268 = tpu.vector_load %arg16[%swap3A_266, %swap3A_267] {strides = array<i32>} : memref<1024x16xf32, #tpu.memory_space<vmem>>, vector<16xf32>,
          tpu.vector_store %arg16[%swap3A_266, %swap3A_267], %mul3A_265 {strides = array<i32>} : memref<1024x16xf32, #tpu.memory_space<vmem>>, vector<16xf32>,
          %mul3A_269 = arith.constant 16 : i32
          %mul3A_270 = arith.muli %scan3A_139, %mul3A_269 : i32
          %add3A_271 = arith.constant 9 : i32
          %add3A_272 = arith.addi %mul3A_270, %add3A_271 : i32
          %get3A_273 = arith.index_cast %add3A_272 : i32 to index
          %get3A_274 = arith.constant 0 : index
          %get3A_275 = tpu.vector_load %arg16[%get3A_273, %get3A_274] {strides = array<i32>} : memref<1024x16xf32, #tpu.memory_space<vmem>>, vector<16xf32>,
          %slice3A_276 = vector.extract_strided_slice %get3A_144 {offsets = [9], sizes = [1], strides = [1]} : vector<16xf32> to vector<1xf32>
          %squeeze3A_277 = vector.extract %slice3A_276[0] : f32 from vector<1xf32>
          %mul3A_278 = vector.broadcast %squeeze3A_277 : f32 to vector<16xf32>
          %mul3A_279 = arith.mulf %get3A_275, %mul3A_278 : vector<16xf32>
          %swap3A_280 = arith.index_cast %add3A_272 : i32 to index
          %swap3A_281 = arith.constant 0 : index
          %swap3A_282 = tpu.vector_load %arg16[%swap3A_280, %swap3A_281] {strides = array<i32>} : memref<1024x16xf32, #tpu.memory_space<vmem>>, vector<16xf32>,
          tpu.vector_store %arg16[%swap3A_280, %swap3A_281], %mul3A_279 {strides = array<i32>} : memref<1024x16xf32, #tpu.memory_space<vmem>>, vector<16xf32>,
          %mul3A_283 = arith.constant 16 : i32
          %mul3A_284 = arith.muli %scan3A_139, %mul3A_283 : i32
          %add3A_285 = arith.constant 10 : i32
          %add3A_286 = arith.addi %mul3A_284, %add3A_285 : i32
          %get3A_287 = arith.index_cast %add3A_286 : i32 to index
          %get3A_288 = arith.constant 0 : index
          %get3A_289 = tpu.vector_load %arg16[%get3A_287, %get3A_288] {strides = array<i32>} : memref<1024x16xf32, #tpu.memory_space<vmem>>, vector<16xf32>,
          %slice3A_290 = vector.extract_strided_slice %get3A_144 {offsets = [10], sizes = [1], strides = [1]} : vector<16xf32> to vector<1xf32>
          %squeeze3A_291 = vector.extract %slice3A_290[0] : f32 from vector<1xf32>
          %mul3A_292 = vector.broadcast %squeeze3A_291 : f32 to vector<16xf32>
          %mul3A_293 = arith.mulf %get3A_289, %mul3A_292 : vector<16xf32>
          %swap3A_294 = arith.index_cast %add3A_286 : i32 to index
          %swap3A_295 = arith.constant 0 : index
          %swap3A_296 = tpu.vector_load %arg16[%swap3A_294, %swap3A_295] {strides = array<i32>} : memref<1024x16xf32, #tpu.memory_space<vmem>>, vector<16xf32>,
          tpu.vector_store %arg16[%swap3A_294, %swap3A_295], %mul3A_293 {strides = array<i32>} : memref<1024x16xf32, #tpu.memory_space<vmem>>, vector<16xf32>,
          %mul3A_297 = arith.constant 16 : i32
          %mul3A_298 = arith.muli %scan3A_139, %mul3A_297 : i32
          %add3A_299 = arith.constant 11 : i32
          %add3A_300 = arith.addi %mul3A_298, %add3A_299 : i32
          %get3A_301 = arith.index_cast %add3A_300 : i32 to index
          %get3A_302 = arith.constant 0 : index
          %get3A_303 = tpu.vector_load %arg16[%get3A_301, %get3A_302] {strides = array<i32>} : memref<1024x16xf32, #tpu.memory_space<vmem>>, vector<16xf32>,
          %slice3A_304 = vector.extract_strided_slice %get3A_144 {offsets = [11], sizes = [1], strides = [1]} : vector<16xf32> to vector<1xf32>
          %squeeze3A_305 = vector.extract %slice3A_304[0] : f32 from vector<1xf32>
          %mul3A_306 = vector.broadcast %squeeze3A_305 : f32 to vector<16xf32>
          %mul3A_307 = arith.mulf %get3A_303, %mul3A_306 : vector<16xf32>
          %swap3A_308 = arith.index_cast %add3A_300 : i32 to index
          %swap3A_309 = arith.constant 0 : index
          %swap3A_310 = tpu.vector_load %arg16[%swap3A_308, %swap3A_309] {strides = array<i32>} : memref<1024x16xf32, #tpu.memory_space<vmem>>, vector<16xf32>,
          tpu.vector_store %arg16[%swap3A_308, %swap3A_309], %mul3A_307 {strides = array<i32>} : memref<1024x16xf32, #tpu.memory_space<vmem>>, vector<16xf32>,
          %mul3A_311 = arith.constant 16 : i32
          %mul3A_312 = arith.muli %scan3A_139, %mul3A_311 : i32
          %add3A_313 = arith.constant 12 : i32
          %add3A_314 = arith.addi %mul3A_312, %add3A_313 : i32
          %get3A_315 = arith.index_cast %add3A_314 : i32 to index
          %get3A_316 = arith.constant 0 : index
          %get3A_317 = tpu.vector_load %arg16[%get3A_315, %get3A_316] {strides = array<i32>} : memref<1024x16xf32, #tpu.memory_space<vmem>>, vector<16xf32>,
          %slice3A_318 = vector.extract_strided_slice %get3A_144 {offsets = [12], sizes = [1], strides = [1]} : vector<16xf32> to vector<1xf32>
          %squeeze3A_319 = vector.extract %slice3A_318[0] : f32 from vector<1xf32>
          %mul3A_320 = vector.broadcast %squeeze3A_319 : f32 to vector<16xf32>
          %mul3A_321 = arith.mulf %get3A_317, %mul3A_320 : vector<16xf32>
          %swap3A_322 = arith.index_cast %add3A_314 : i32 to index
          %swap3A_323 = arith.constant 0 : index
          %swap3A_324 = tpu.vector_load %arg16[%swap3A_322, %swap3A_323] {strides = array<i32>} : memref<1024x16xf32, #tpu.memory_space<vmem>>, vector<16xf32>,
          tpu.vector_store %arg16[%swap3A_322, %swap3A_323], %mul3A_321 {strides = array<i32>} : memref<1024x16xf32, #tpu.memory_space<vmem>>, vector<16xf32>,
          %mul3A_325 = arith.constant 16 : i32
          %mul3A_326 = arith.muli %scan3A_139, %mul3A_325 : i32
          %add3A_327 = arith.constant 13 : i32
          %add3A_328 = arith.addi %mul3A_326, %add3A_327 : i32
          %get3A_329 = arith.index_cast %add3A_328 : i32 to index
          %get3A_330 = arith.constant 0 : index
          %get3A_331 = tpu.vector_load %arg16[%get3A_329, %get3A_330] {strides = array<i32>} : memref<1024x16xf32, #tpu.memory_space<vmem>>, vector<16xf32>,
          %slice3A_332 = vector.extract_strided_slice %get3A_144 {offsets = [13], sizes = [1], strides = [1]} : vector<16xf32> to vector<1xf32>
          %squeeze3A_333 = vector.extract %slice3A_332[0] : f32 from vector<1xf32>
          %mul3A_334 = vector.broadcast %squeeze3A_333 : f32 to vector<16xf32>
          %mul3A_335 = arith.mulf %get3A_331, %mul3A_334 : vector<16xf32>
          %swap3A_336 = arith.index_cast %add3A_328 : i32 to index
          %swap3A_337 = arith.constant 0 : index
          %swap3A_338 = tpu.vector_load %arg16[%swap3A_336, %swap3A_337] {strides = array<i32>} : memref<1024x16xf32, #tpu.memory_space<vmem>>, vector<16xf32>,
          tpu.vector_store %arg16[%swap3A_336, %swap3A_337], %mul3A_335 {strides = array<i32>} : memref<1024x16xf32, #tpu.memory_space<vmem>>, vector<16xf32>,
          %mul3A_339 = arith.constant 16 : i32
          %mul3A_340 = arith.muli %scan3A_139, %mul3A_339 : i32
          %add3A_341 = arith.constant 14 : i32
          %add3A_342 = arith.addi %mul3A_340, %add3A_341 : i32
          %get3A_343 = arith.index_cast %add3A_342 : i32 to index
          %get3A_344 = arith.constant 0 : index
          %get3A_345 = tpu.vector_load %arg16[%get3A_343, %get3A_344] {strides = array<i32>} : memref<1024x16xf32, #tpu.memory_space<vmem>>, vector<16xf32>,
          %slice3A_346 = vector.extract_strided_slice %get3A_144 {offsets = [14], sizes = [1], strides = [1]} : vector<16xf32> to vector<1xf32>
          %squeeze3A_347 = vector.extract %slice3A_346[0] : f32 from vector<1xf32>
          %mul3A_348 = vector.broadcast %squeeze3A_347 : f32 to vector<16xf32>
          %mul3A_349 = arith.mulf %get3A_345, %mul3A_348 : vector<16xf32>
          %swap3A_350 = arith.index_cast %add3A_342 : i32 to index
          %swap3A_351 = arith.constant 0 : index
          %swap3A_352 = tpu.vector_load %arg16[%swap3A_350, %swap3A_351] {strides = array<i32>} : memref<1024x16xf32, #tpu.memory_space<vmem>>, vector<16xf32>,
          tpu.vector_store %arg16[%swap3A_350, %swap3A_351], %mul3A_349 {strides = array<i32>} : memref<1024x16xf32, #tpu.memory_space<vmem>>, vector<16xf32>,
          %mul3A_353 = arith.constant 16 : i32
          %mul3A_354 = arith.muli %scan3A_139, %mul3A_353 : i32
          %add3A_355 = arith.constant 15 : i32
          %add3A_356 = arith.addi %mul3A_354, %add3A_355 : i32
          %get3A_357 = arith.index_cast %add3A_356 : i32 to index
          %get3A_358 = arith.constant 0 : index
          %get3A_359 = tpu.vector_load %arg16[%get3A_357, %get3A_358] {strides = array<i32>} : memref<1024x16xf32, #tpu.memory_space<vmem>>, vector<16xf32>,
          %slice3A_360 = vector.extract_strided_slice %get3A_144 {offsets = [15], sizes = [1], strides = [1]} : vector<16xf32> to vector<1xf32>
          %squeeze3A_361 = vector.extract %slice3A_360[0] : f32 from vector<1xf32>
          %mul3A_362 = vector.broadcast %squeeze3A_361 : f32 to vector<16xf32>
          %mul3A_363 = arith.mulf %get3A_359, %mul3A_362 : vector<16xf32>
          %swap3A_364 = arith.index_cast %add3A_356 : i32 to index
          %swap3A_365 = arith.constant 0 : index
          %swap3A_366 = tpu.vector_load %arg16[%swap3A_364, %swap3A_365] {strides = array<i32>} : memref<1024x16xf32, #tpu.memory_space<vmem>>, vector<16xf32>,
          tpu.vector_store %arg16[%swap3A_364, %swap3A_365], %mul3A_363 {strides = array<i32>} : memref<1024x16xf32, #tpu.memory_space<vmem>>, vector<16xf32>,
          %scan3A_367 = arith.constant 0 : i32
          scf.yield %scan3A_367 : i32
        }
        %scan3A_134 = arith.constant 64 : i32
        "tpu.region"() ({
          %run_scoped3A = tpu.sem_alloc : memref<!tpu.dma_semaphore, #tpu.memory_space<semaphore_mem>>
          %dma_start3A = arith.constant 0 : i32
          %dma_start3A_139 = arith.constant 0 : i32
          %dma_start3A_140 = tpu.memref_slice %arg18[%dma_start3A, %dma_start3A_139] : memref<69632x16xf32, #tpu.memory_space<vmem_shared>> -> memref<69632x16xf32, #tpu.memory_space<vmem_shared>>
          tpu.enqueue_indirect_dma source(%arg16 : memref<1024x16xf32, #tpu.memory_space<vmem>>) target(%dma_start3A_140 : memref<69632x16xf32, #tpu.memory_space<vmem_shared>>) offsets(%arg13 : memref<1024xi32, #tpu.memory_space<vmem>>) semaphore(%run_scoped3A : memref<!tpu.dma_semaphore, #tpu.memory_space<semaphore_mem>>) {add = true}
          %dma_wait3A_141 = arith.constant 0 : i32
          %dma_wait3A_142 = arith.constant 0 : i32
          %dma_wait3A_143 = tpu.memref_slice %arg18[%dma_wait3A_141, %dma_wait3A_142] : memref<69632x16xf32, #tpu.memory_space<vmem_shared>> -> memref<69632x16xf32, #tpu.memory_space<vmem_shared>>
          tpu.wait_indirect_dma semaphore(%run_scoped3A : memref<!tpu.dma_semaphore, #tpu.memory_space<semaphore_mem>>) src(%arg16 : memref<1024x16xf32, #tpu.memory_space<vmem>>) dst(%dma_wait3A_143 : memref<69632x16xf32, #tpu.memory_space<vmem_shared>>)
          tpu.yield
        }) : () -> ()
        %swap3A_135 = arith.constant 0 : i32
        %swap3A_136 = arith.constant 0 : i32
        %swap3A_137 = arith.index_cast %swap3A_136 : i32 to index
        %swap3A_138 = memref.load %arg20[%swap3A_137] : memref<1xi32, #tpu.memory_space<smem>>
        memref.store %swap3A_135, %arg20[%swap3A_137] : memref<1xi32, #tpu.memory_space<smem>>
      } else {
      }
      %get3A_91 = arith.constant 0 : i32
      %get3A_92 = arith.index_cast %get3A_91 : i32 to index
      %get3A_93 = memref.load %arg19[%get3A_92] : memref<1xi32, #tpu.memory_space<smem>>
      %gt3A = arith.constant 0 : i32
      %gt3A_94 = arith.cmpi sgt, %get3A_93, %gt3A : i32
      %convert_element_type3A_95 = arith.extui %gt3A_94 : i1 to i32
      %cond3A_96 = arith.constant 0 : i32
      %cond3A_97 = arith.cmpi ne, %convert_element_type3A_95, %cond3A_96 : i32
      scf.if %cond3A_97 {
        %get3A_119 = arith.constant 0 : i32
        %get3A_120 = arith.index_cast %get3A_119 : i32 to index
        %get3A_121 = memref.load %arg19[%get3A_120] : memref<1xi32, #tpu.memory_space<smem>>
        %scan3A_122 = arith.constant 0 : i32
        %scan3A_123 = arith.constant 0 : i32
        %scan3A_124 = arith.constant 64 : i32
        %scan3A_125 = arith.addi %scan3A_123, %scan3A_124 : i32
        %scan3A_126 = arith.constant 1 : i32
        %scan3A_127 = scf.for %scan3A_146 = %scan3A_123 to %scan3A_125 step %scan3A_126 iter_args(%scan3A_147 = %scan3A_122) -> (i32)  : i32 {
          %mul3A_148 = arith.constant 16 : i32
          %mul3A_149 = arith.muli %scan3A_146, %mul3A_148 : i32
          %mul3A_150 = arith.constant 16 : i32
          %mul3A_151 = arith.muli %scan3A_146, %mul3A_150 : i32
          %add3A_152 = vector.broadcast %mul3A_151 : i32 to vector<16xi32>
          %add3A_153 = arith.addi %add3A_152, %iota3A : vector<16xi32>
          %lt3A_154 = vector.broadcast %get3A_121 : i32 to vector<16xi32>
          %lt3A_155 = arith.cmpi slt, %add3A_153, %lt3A_154 : vector<16xi32>
          %mul3A_156 = arith.constant 16 : i32
          %mul3A_157 = arith.muli %scan3A_146, %mul3A_156 : i32
          %add3A_158 = vector.broadcast %mul3A_157 : i32 to vector<16xi32>
          %add3A_159 = arith.addi %add3A_158, %iota3A : vector<16xi32>
          %and3A_160 = arith.constant 4095 : i32
          %and3A_161 = vector.broadcast %and3A_160 : i32 to vector<16xi32>
          %and3A_162 = arith.andi %add3A_159, %and3A_161 : vector<16xi32>
          %add3A_163 = arith.constant 65536 : i32
          %add3A_164 = vector.broadcast %add3A_163 : i32 to vector<16xi32>
          %add3A_165 = arith.addi %add3A_164, %and3A_162 : vector<16xi32>
          %get3A_166 = arith.index_cast %mul3A_149 : i32 to index
          %get3A_167 = tpu.vector_load %arg10[%get3A_166] {strides = array<i32>} : memref<2064xi32, #tpu.memory_space<vmem>>, vector<16xi32>,
          %select_n3A_168 = arith.select %lt3A_155, %get3A_167, %add3A_165 : vector<16xi1>, vector<16xi32>
          %swap3A_169 = arith.index_cast %mul3A_149 : i32 to index
          %swap3A_170 = tpu.vector_load %arg13[%swap3A_169] {strides = array<i32>} : memref<1024xi32, #tpu.memory_space<vmem>>, vector<16xi32>,
          tpu.vector_store %arg13[%swap3A_169], %select_n3A_168 {strides = array<i32>} : memref<1024xi32, #tpu.memory_space<vmem>>, vector<16xi32>,
          %get3A_171 = arith.index_cast %mul3A_149 : i32 to index
          %get3A_172 = tpu.vector_load %arg11[%get3A_171] {strides = array<i32>} : memref<2064xi32, #tpu.memory_space<vmem>>, vector<16xi32>,
          %jit3A_173 = arith.constant 0 : i32
          %broadcast_in_dim3A = vector.broadcast %jit3A_173 : i32 to vector<16xi32>
          %select_n3A_174 = arith.select %lt3A_155, %get3A_172, %broadcast_in_dim3A : vector<16xi1>, vector<16xi32>
          %swap3A_175 = arith.index_cast %mul3A_149 : i32 to index
          %swap3A_176 = tpu.vector_load %arg14[%swap3A_175] {strides = array<i32>} : memref<1024xi32, #tpu.memory_space<vmem>>, vector<16xi32>,
          tpu.vector_store %arg14[%swap3A_175], %select_n3A_174 {strides = array<i32>} : memref<1024xi32, #tpu.memory_space<vmem>>, vector<16xi32>,
          %get3A_177 = arith.index_cast %mul3A_149 : i32 to index
          %get3A_178 = tpu.vector_load %arg12[%get3A_177] {strides = array<i32>} : memref<2064xf32, #tpu.memory_space<vmem>>, vector<16xf32>,
          %swap3A_179 = arith.index_cast %mul3A_149 : i32 to index
          %swap3A_180 = tpu.vector_load %arg15[%swap3A_179] {strides = array<i32>} : memref<1024xf32, #tpu.memory_space<vmem>>, vector<16xf32>,
          tpu.vector_store %arg15[%swap3A_179], %get3A_178 {strides = array<i32>} : memref<1024xf32, #tpu.memory_space<vmem>>, vector<16xf32>,
          %scan3A_181 = arith.constant 0 : i32
          scf.yield %scan3A_181 : i32
        }
        %scan3A_128 = arith.constant 64 : i32
        %get3A_129 = arith.constant 0 : i32
        %get3A_130 = arith.index_cast %get3A_129 : i32 to index
        %get3A_131 = memref.load %arg21[%get3A_130] : memref<1xi32, #tpu.memory_space<smem>>
        %dma_start3A = arith.constant 0 : i32
        %dma_start3A_132 = arith.constant 0 : i32
        %dma_start3A_133 = tpu.memref_slice %arg3[%get3A_131, %dma_start3A, %dma_start3A_132] : memref<4x500000x16xf32, #tpu.memory_space<hbm>> -> memref<1x500000x16xf32, #tpu.memory_space<hbm>>
        %dma_start3A_134 = tpu.memref_squeeze %dma_start3A_133 : memref<1x500000x16xf32, #tpu.memory_space<hbm>> -> memref<500000x16xf32, #tpu.memory_space<hbm>>
        %dma_start3A_135 = arith.constant 0 : i32
        %dma_start3A_136 = arith.constant 0 : i32
        %dma_start3A_137 = tpu.memref_slice %dma_start3A_134[%dma_start3A_135, %dma_start3A_136] : memref<500000x16xf32, #tpu.memory_space<hbm>> -> memref<500000x16xf32, #tpu.memory_space<hbm>>
        tpu.enqueue_indirect_dma source(%dma_start3A_137 : memref<500000x16xf32, #tpu.memory_space<hbm>>) target(%arg16 : memref<1024x16xf32, #tpu.memory_space<vmem>>) offsets(%arg14 : memref<1024xi32, #tpu.memory_space<vmem>>) semaphore(%arg24 : memref<!tpu.dma_semaphore, #tpu.memory_space<semaphore_mem>>)
        %swap3A_138 = arith.constant 1 : i32
        %swap3A_139 = arith.constant 0 : i32
        %swap3A_140 = arith.index_cast %swap3A_139 : i32 to index
        %swap3A_141 = memref.load %arg20[%swap3A_140] : memref<1xi32, #tpu.memory_space<smem>>
        memref.store %swap3A_138, %arg20[%swap3A_140] : memref<1xi32, #tpu.memory_space<smem>>
        %swap3A_142 = arith.constant 0 : i32
        %swap3A_143 = arith.constant 0 : i32
        %swap3A_144 = arith.index_cast %swap3A_143 : i32 to index
        %swap3A_145 = memref.load %arg19[%swap3A_144] : memref<1xi32, #tpu.memory_space<smem>>
        memref.store %swap3A_142, %arg19[%swap3A_144] : memref<1xi32, #tpu.memory_space<smem>>
      } else {
      }
      %get3A_98 = arith.constant 0 : i32
      %get3A_99 = arith.index_cast %get3A_98 : i32 to index
      %get3A_100 = memref.load %arg20[%get3A_99] : memref<1xi32, #tpu.memory_space<smem>>
      %eq3A_101 = arith.constant 1 : i32
      %eq3A_102 = arith.cmpi eq, %get3A_100, %eq3A_101 : i32
      %convert_element_type3A_103 = arith.extui %eq3A_102 : i1 to i32
      %cond3A_104 = arith.constant 0 : i32
      %cond3A_105 = arith.cmpi ne, %convert_element_type3A_103, %cond3A_104 : i32
      scf.if %cond3A_105 {
        %get3A_119 = arith.constant 0 : i32
        %get3A_120 = arith.index_cast %get3A_119 : i32 to index
        %get3A_121 = memref.load %arg21[%get3A_120] : memref<1xi32, #tpu.memory_space<smem>>
        %dma_wait3A = arith.constant 0 : i32
        %dma_wait3A_122 = arith.constant 0 : i32
        %dma_wait3A_123 = tpu.memref_slice %arg3[%get3A_121, %dma_wait3A, %dma_wait3A_122] : memref<4x500000x16xf32, #tpu.memory_space<hbm>> -> memref<1x500000x16xf32, #tpu.memory_space<hbm>>
        %dma_wait3A_124 = tpu.memref_squeeze %dma_wait3A_123 : memref<1x500000x16xf32, #tpu.memory_space<hbm>> -> memref<500000x16xf32, #tpu.memory_space<hbm>>
        %dma_wait3A_125 = arith.constant 0 : i32
        %dma_wait3A_126 = arith.constant 0 : i32
        %dma_wait3A_127 = tpu.memref_slice %dma_wait3A_124[%dma_wait3A_125, %dma_wait3A_126] : memref<500000x16xf32, #tpu.memory_space<hbm>> -> memref<500000x16xf32, #tpu.memory_space<hbm>>
        tpu.wait_indirect_dma semaphore(%arg24 : memref<!tpu.dma_semaphore, #tpu.memory_space<semaphore_mem>>) src(%dma_wait3A_127 : memref<500000x16xf32, #tpu.memory_space<hbm>>) dst(%arg16 : memref<1024x16xf32, #tpu.memory_space<vmem>>)
        %scan3A_128 = arith.constant 0 : i32
        %scan3A_129 = arith.constant 0 : i32
        %scan3A_130 = arith.constant 64 : i32
        %scan3A_131 = arith.addi %scan3A_129, %scan3A_130 : i32
        %scan3A_132 = arith.constant 1 : i32
        %scan3A_133 = scf.for %scan3A_139 = %scan3A_129 to %scan3A_131 step %scan3A_132 iter_args(%scan3A_140 = %scan3A_128) -> (i32)  : i32 {
          %mul3A_141 = arith.constant 16 : i32
          %mul3A_142 = arith.muli %scan3A_139, %mul3A_141 : i32
          %get3A_143 = arith.index_cast %mul3A_142 : i32 to index
          %get3A_144 = tpu.vector_load %arg15[%get3A_143] {strides = array<i32>} : memref<1024xf32, #tpu.memory_space<vmem>>, vector<16xf32>,
          %mul3A_145 = arith.constant 16 : i32
          %mul3A_146 = arith.muli %scan3A_139, %mul3A_145 : i32
          %add3A_147 = arith.constant 0 : i32
          %add3A_148 = arith.addi %mul3A_146, %add3A_147 : i32
          %get3A_149 = arith.index_cast %add3A_148 : i32 to index
          %get3A_150 = arith.constant 0 : index
          %get3A_151 = tpu.vector_load %arg16[%get3A_149, %get3A_150] {strides = array<i32>} : memref<1024x16xf32, #tpu.memory_space<vmem>>, vector<16xf32>,
          %slice3A = vector.extract_strided_slice %get3A_144 {offsets = [0], sizes = [1], strides = [1]} : vector<16xf32> to vector<1xf32>
          %squeeze3A = vector.extract %slice3A[0] : f32 from vector<1xf32>
          %mul3A_152 = vector.broadcast %squeeze3A : f32 to vector<16xf32>
          %mul3A_153 = arith.mulf %get3A_151, %mul3A_152 : vector<16xf32>
          %swap3A_154 = arith.index_cast %add3A_148 : i32 to index
          %swap3A_155 = arith.constant 0 : index
          %swap3A_156 = tpu.vector_load %arg16[%swap3A_154, %swap3A_155] {strides = array<i32>} : memref<1024x16xf32, #tpu.memory_space<vmem>>, vector<16xf32>,
          tpu.vector_store %arg16[%swap3A_154, %swap3A_155], %mul3A_153 {strides = array<i32>} : memref<1024x16xf32, #tpu.memory_space<vmem>>, vector<16xf32>,
          %mul3A_157 = arith.constant 16 : i32
          %mul3A_158 = arith.muli %scan3A_139, %mul3A_157 : i32
          %add3A_159 = arith.constant 1 : i32
          %add3A_160 = arith.addi %mul3A_158, %add3A_159 : i32
          %get3A_161 = arith.index_cast %add3A_160 : i32 to index
          %get3A_162 = arith.constant 0 : index
          %get3A_163 = tpu.vector_load %arg16[%get3A_161, %get3A_162] {strides = array<i32>} : memref<1024x16xf32, #tpu.memory_space<vmem>>, vector<16xf32>,
          %slice3A_164 = vector.extract_strided_slice %get3A_144 {offsets = [1], sizes = [1], strides = [1]} : vector<16xf32> to vector<1xf32>
          %squeeze3A_165 = vector.extract %slice3A_164[0] : f32 from vector<1xf32>
          %mul3A_166 = vector.broadcast %squeeze3A_165 : f32 to vector<16xf32>
          %mul3A_167 = arith.mulf %get3A_163, %mul3A_166 : vector<16xf32>
          %swap3A_168 = arith.index_cast %add3A_160 : i32 to index
          %swap3A_169 = arith.constant 0 : index
          %swap3A_170 = tpu.vector_load %arg16[%swap3A_168, %swap3A_169] {strides = array<i32>} : memref<1024x16xf32, #tpu.memory_space<vmem>>, vector<16xf32>,
          tpu.vector_store %arg16[%swap3A_168, %swap3A_169], %mul3A_167 {strides = array<i32>} : memref<1024x16xf32, #tpu.memory_space<vmem>>, vector<16xf32>,
          %mul3A_171 = arith.constant 16 : i32
          %mul3A_172 = arith.muli %scan3A_139, %mul3A_171 : i32
          %add3A_173 = arith.constant 2 : i32
          %add3A_174 = arith.addi %mul3A_172, %add3A_173 : i32
          %get3A_175 = arith.index_cast %add3A_174 : i32 to index
          %get3A_176 = arith.constant 0 : index
          %get3A_177 = tpu.vector_load %arg16[%get3A_175, %get3A_176] {strides = array<i32>} : memref<1024x16xf32, #tpu.memory_space<vmem>>, vector<16xf32>,
          %slice3A_178 = vector.extract_strided_slice %get3A_144 {offsets = [2], sizes = [1], strides = [1]} : vector<16xf32> to vector<1xf32>
          %squeeze3A_179 = vector.extract %slice3A_178[0] : f32 from vector<1xf32>
          %mul3A_180 = vector.broadcast %squeeze3A_179 : f32 to vector<16xf32>
          %mul3A_181 = arith.mulf %get3A_177, %mul3A_180 : vector<16xf32>
          %swap3A_182 = arith.index_cast %add3A_174 : i32 to index
          %swap3A_183 = arith.constant 0 : index
          %swap3A_184 = tpu.vector_load %arg16[%swap3A_182, %swap3A_183] {strides = array<i32>} : memref<1024x16xf32, #tpu.memory_space<vmem>>, vector<16xf32>,
          tpu.vector_store %arg16[%swap3A_182, %swap3A_183], %mul3A_181 {strides = array<i32>} : memref<1024x16xf32, #tpu.memory_space<vmem>>, vector<16xf32>,
          %mul3A_185 = arith.constant 16 : i32
          %mul3A_186 = arith.muli %scan3A_139, %mul3A_185 : i32
          %add3A_187 = arith.constant 3 : i32
          %add3A_188 = arith.addi %mul3A_186, %add3A_187 : i32
          %get3A_189 = arith.index_cast %add3A_188 : i32 to index
          %get3A_190 = arith.constant 0 : index
          %get3A_191 = tpu.vector_load %arg16[%get3A_189, %get3A_190] {strides = array<i32>} : memref<1024x16xf32, #tpu.memory_space<vmem>>, vector<16xf32>,
          %slice3A_192 = vector.extract_strided_slice %get3A_144 {offsets = [3], sizes = [1], strides = [1]} : vector<16xf32> to vector<1xf32>
          %squeeze3A_193 = vector.extract %slice3A_192[0] : f32 from vector<1xf32>
          %mul3A_194 = vector.broadcast %squeeze3A_193 : f32 to vector<16xf32>
          %mul3A_195 = arith.mulf %get3A_191, %mul3A_194 : vector<16xf32>
          %swap3A_196 = arith.index_cast %add3A_188 : i32 to index
          %swap3A_197 = arith.constant 0 : index
          %swap3A_198 = tpu.vector_load %arg16[%swap3A_196, %swap3A_197] {strides = array<i32>} : memref<1024x16xf32, #tpu.memory_space<vmem>>, vector<16xf32>,
          tpu.vector_store %arg16[%swap3A_196, %swap3A_197], %mul3A_195 {strides = array<i32>} : memref<1024x16xf32, #tpu.memory_space<vmem>>, vector<16xf32>,
          %mul3A_199 = arith.constant 16 : i32
          %mul3A_200 = arith.muli %scan3A_139, %mul3A_199 : i32
          %add3A_201 = arith.constant 4 : i32
          %add3A_202 = arith.addi %mul3A_200, %add3A_201 : i32
          %get3A_203 = arith.index_cast %add3A_202 : i32 to index
          %get3A_204 = arith.constant 0 : index
          %get3A_205 = tpu.vector_load %arg16[%get3A_203, %get3A_204] {strides = array<i32>} : memref<1024x16xf32, #tpu.memory_space<vmem>>, vector<16xf32>,
          %slice3A_206 = vector.extract_strided_slice %get3A_144 {offsets = [4], sizes = [1], strides = [1]} : vector<16xf32> to vector<1xf32>
          %squeeze3A_207 = vector.extract %slice3A_206[0] : f32 from vector<1xf32>
          %mul3A_208 = vector.broadcast %squeeze3A_207 : f32 to vector<16xf32>
          %mul3A_209 = arith.mulf %get3A_205, %mul3A_208 : vector<16xf32>
          %swap3A_210 = arith.index_cast %add3A_202 : i32 to index
          %swap3A_211 = arith.constant 0 : index
          %swap3A_212 = tpu.vector_load %arg16[%swap3A_210, %swap3A_211] {strides = array<i32>} : memref<1024x16xf32, #tpu.memory_space<vmem>>, vector<16xf32>,
          tpu.vector_store %arg16[%swap3A_210, %swap3A_211], %mul3A_209 {strides = array<i32>} : memref<1024x16xf32, #tpu.memory_space<vmem>>, vector<16xf32>,
          %mul3A_213 = arith.constant 16 : i32
          %mul3A_214 = arith.muli %scan3A_139, %mul3A_213 : i32
          %add3A_215 = arith.constant 5 : i32
          %add3A_216 = arith.addi %mul3A_214, %add3A_215 : i32
          %get3A_217 = arith.index_cast %add3A_216 : i32 to index
          %get3A_218 = arith.constant 0 : index
          %get3A_219 = tpu.vector_load %arg16[%get3A_217, %get3A_218] {strides = array<i32>} : memref<1024x16xf32, #tpu.memory_space<vmem>>, vector<16xf32>,
          %slice3A_220 = vector.extract_strided_slice %get3A_144 {offsets = [5], sizes = [1], strides = [1]} : vector<16xf32> to vector<1xf32>
          %squeeze3A_221 = vector.extract %slice3A_220[0] : f32 from vector<1xf32>
          %mul3A_222 = vector.broadcast %squeeze3A_221 : f32 to vector<16xf32>
          %mul3A_223 = arith.mulf %get3A_219, %mul3A_222 : vector<16xf32>
          %swap3A_224 = arith.index_cast %add3A_216 : i32 to index
          %swap3A_225 = arith.constant 0 : index
          %swap3A_226 = tpu.vector_load %arg16[%swap3A_224, %swap3A_225] {strides = array<i32>} : memref<1024x16xf32, #tpu.memory_space<vmem>>, vector<16xf32>,
          tpu.vector_store %arg16[%swap3A_224, %swap3A_225], %mul3A_223 {strides = array<i32>} : memref<1024x16xf32, #tpu.memory_space<vmem>>, vector<16xf32>,
          %mul3A_227 = arith.constant 16 : i32
          %mul3A_228 = arith.muli %scan3A_139, %mul3A_227 : i32
          %add3A_229 = arith.constant 6 : i32
          %add3A_230 = arith.addi %mul3A_228, %add3A_229 : i32
          %get3A_231 = arith.index_cast %add3A_230 : i32 to index
          %get3A_232 = arith.constant 0 : index
          %get3A_233 = tpu.vector_load %arg16[%get3A_231, %get3A_232] {strides = array<i32>} : memref<1024x16xf32, #tpu.memory_space<vmem>>, vector<16xf32>,
          %slice3A_234 = vector.extract_strided_slice %get3A_144 {offsets = [6], sizes = [1], strides = [1]} : vector<16xf32> to vector<1xf32>
          %squeeze3A_235 = vector.extract %slice3A_234[0] : f32 from vector<1xf32>
          %mul3A_236 = vector.broadcast %squeeze3A_235 : f32 to vector<16xf32>
          %mul3A_237 = arith.mulf %get3A_233, %mul3A_236 : vector<16xf32>
          %swap3A_238 = arith.index_cast %add3A_230 : i32 to index
          %swap3A_239 = arith.constant 0 : index
          %swap3A_240 = tpu.vector_load %arg16[%swap3A_238, %swap3A_239] {strides = array<i32>} : memref<1024x16xf32, #tpu.memory_space<vmem>>, vector<16xf32>,
          tpu.vector_store %arg16[%swap3A_238, %swap3A_239], %mul3A_237 {strides = array<i32>} : memref<1024x16xf32, #tpu.memory_space<vmem>>, vector<16xf32>,
          %mul3A_241 = arith.constant 16 : i32
          %mul3A_242 = arith.muli %scan3A_139, %mul3A_241 : i32
          %add3A_243 = arith.constant 7 : i32
          %add3A_244 = arith.addi %mul3A_242, %add3A_243 : i32
          %get3A_245 = arith.index_cast %add3A_244 : i32 to index
          %get3A_246 = arith.constant 0 : index
          %get3A_247 = tpu.vector_load %arg16[%get3A_245, %get3A_246] {strides = array<i32>} : memref<1024x16xf32, #tpu.memory_space<vmem>>, vector<16xf32>,
          %slice3A_248 = vector.extract_strided_slice %get3A_144 {offsets = [7], sizes = [1], strides = [1]} : vector<16xf32> to vector<1xf32>
          %squeeze3A_249 = vector.extract %slice3A_248[0] : f32 from vector<1xf32>
          %mul3A_250 = vector.broadcast %squeeze3A_249 : f32 to vector<16xf32>
          %mul3A_251 = arith.mulf %get3A_247, %mul3A_250 : vector<16xf32>
          %swap3A_252 = arith.index_cast %add3A_244 : i32 to index
          %swap3A_253 = arith.constant 0 : index
          %swap3A_254 = tpu.vector_load %arg16[%swap3A_252, %swap3A_253] {strides = array<i32>} : memref<1024x16xf32, #tpu.memory_space<vmem>>, vector<16xf32>,
          tpu.vector_store %arg16[%swap3A_252, %swap3A_253], %mul3A_251 {strides = array<i32>} : memref<1024x16xf32, #tpu.memory_space<vmem>>, vector<16xf32>,
          %mul3A_255 = arith.constant 16 : i32
          %mul3A_256 = arith.muli %scan3A_139, %mul3A_255 : i32
          %add3A_257 = arith.constant 8 : i32
          %add3A_258 = arith.addi %mul3A_256, %add3A_257 : i32
          %get3A_259 = arith.index_cast %add3A_258 : i32 to index
          %get3A_260 = arith.constant 0 : index
          %get3A_261 = tpu.vector_load %arg16[%get3A_259, %get3A_260] {strides = array<i32>} : memref<1024x16xf32, #tpu.memory_space<vmem>>, vector<16xf32>,
          %slice3A_262 = vector.extract_strided_slice %get3A_144 {offsets = [8], sizes = [1], strides = [1]} : vector<16xf32> to vector<1xf32>
          %squeeze3A_263 = vector.extract %slice3A_262[0] : f32 from vector<1xf32>
          %mul3A_264 = vector.broadcast %squeeze3A_263 : f32 to vector<16xf32>
          %mul3A_265 = arith.mulf %get3A_261, %mul3A_264 : vector<16xf32>
          %swap3A_266 = arith.index_cast %add3A_258 : i32 to index
          %swap3A_267 = arith.constant 0 : index
          %swap3A_268 = tpu.vector_load %arg16[%swap3A_266, %swap3A_267] {strides = array<i32>} : memref<1024x16xf32, #tpu.memory_space<vmem>>, vector<16xf32>,
          tpu.vector_store %arg16[%swap3A_266, %swap3A_267], %mul3A_265 {strides = array<i32>} : memref<1024x16xf32, #tpu.memory_space<vmem>>, vector<16xf32>,
          %mul3A_269 = arith.constant 16 : i32
          %mul3A_270 = arith.muli %scan3A_139, %mul3A_269 : i32
          %add3A_271 = arith.constant 9 : i32
          %add3A_272 = arith.addi %mul3A_270, %add3A_271 : i32
          %get3A_273 = arith.index_cast %add3A_272 : i32 to index
          %get3A_274 = arith.constant 0 : index
          %get3A_275 = tpu.vector_load %arg16[%get3A_273, %get3A_274] {strides = array<i32>} : memref<1024x16xf32, #tpu.memory_space<vmem>>, vector<16xf32>,
          %slice3A_276 = vector.extract_strided_slice %get3A_144 {offsets = [9], sizes = [1], strides = [1]} : vector<16xf32> to vector<1xf32>
          %squeeze3A_277 = vector.extract %slice3A_276[0] : f32 from vector<1xf32>
          %mul3A_278 = vector.broadcast %squeeze3A_277 : f32 to vector<16xf32>
          %mul3A_279 = arith.mulf %get3A_275, %mul3A_278 : vector<16xf32>
          %swap3A_280 = arith.index_cast %add3A_272 : i32 to index
          %swap3A_281 = arith.constant 0 : index
          %swap3A_282 = tpu.vector_load %arg16[%swap3A_280, %swap3A_281] {strides = array<i32>} : memref<1024x16xf32, #tpu.memory_space<vmem>>, vector<16xf32>,
          tpu.vector_store %arg16[%swap3A_280, %swap3A_281], %mul3A_279 {strides = array<i32>} : memref<1024x16xf32, #tpu.memory_space<vmem>>, vector<16xf32>,
          %mul3A_283 = arith.constant 16 : i32
          %mul3A_284 = arith.muli %scan3A_139, %mul3A_283 : i32
          %add3A_285 = arith.constant 10 : i32
          %add3A_286 = arith.addi %mul3A_284, %add3A_285 : i32
          %get3A_287 = arith.index_cast %add3A_286 : i32 to index
          %get3A_288 = arith.constant 0 : index
          %get3A_289 = tpu.vector_load %arg16[%get3A_287, %get3A_288] {strides = array<i32>} : memref<1024x16xf32, #tpu.memory_space<vmem>>, vector<16xf32>,
          %slice3A_290 = vector.extract_strided_slice %get3A_144 {offsets = [10], sizes = [1], strides = [1]} : vector<16xf32> to vector<1xf32>
          %squeeze3A_291 = vector.extract %slice3A_290[0] : f32 from vector<1xf32>
          %mul3A_292 = vector.broadcast %squeeze3A_291 : f32 to vector<16xf32>
          %mul3A_293 = arith.mulf %get3A_289, %mul3A_292 : vector<16xf32>
          %swap3A_294 = arith.index_cast %add3A_286 : i32 to index
          %swap3A_295 = arith.constant 0 : index
          %swap3A_296 = tpu.vector_load %arg16[%swap3A_294, %swap3A_295] {strides = array<i32>} : memref<1024x16xf32, #tpu.memory_space<vmem>>, vector<16xf32>,
          tpu.vector_store %arg16[%swap3A_294, %swap3A_295], %mul3A_293 {strides = array<i32>} : memref<1024x16xf32, #tpu.memory_space<vmem>>, vector<16xf32>,
          %mul3A_297 = arith.constant 16 : i32
          %mul3A_298 = arith.muli %scan3A_139, %mul3A_297 : i32
          %add3A_299 = arith.constant 11 : i32
          %add3A_300 = arith.addi %mul3A_298, %add3A_299 : i32
          %get3A_301 = arith.index_cast %add3A_300 : i32 to index
          %get3A_302 = arith.constant 0 : index
          %get3A_303 = tpu.vector_load %arg16[%get3A_301, %get3A_302] {strides = array<i32>} : memref<1024x16xf32, #tpu.memory_space<vmem>>, vector<16xf32>,
          %slice3A_304 = vector.extract_strided_slice %get3A_144 {offsets = [11], sizes = [1], strides = [1]} : vector<16xf32> to vector<1xf32>
          %squeeze3A_305 = vector.extract %slice3A_304[0] : f32 from vector<1xf32>
          %mul3A_306 = vector.broadcast %squeeze3A_305 : f32 to vector<16xf32>
          %mul3A_307 = arith.mulf %get3A_303, %mul3A_306 : vector<16xf32>
          %swap3A_308 = arith.index_cast %add3A_300 : i32 to index
          %swap3A_309 = arith.constant 0 : index
          %swap3A_310 = tpu.vector_load %arg16[%swap3A_308, %swap3A_309] {strides = array<i32>} : memref<1024x16xf32, #tpu.memory_space<vmem>>, vector<16xf32>,
          tpu.vector_store %arg16[%swap3A_308, %swap3A_309], %mul3A_307 {strides = array<i32>} : memref<1024x16xf32, #tpu.memory_space<vmem>>, vector<16xf32>,
          %mul3A_311 = arith.constant 16 : i32
          %mul3A_312 = arith.muli %scan3A_139, %mul3A_311 : i32
          %add3A_313 = arith.constant 12 : i32
          %add3A_314 = arith.addi %mul3A_312, %add3A_313 : i32
          %get3A_315 = arith.index_cast %add3A_314 : i32 to index
          %get3A_316 = arith.constant 0 : index
          %get3A_317 = tpu.vector_load %arg16[%get3A_315, %get3A_316] {strides = array<i32>} : memref<1024x16xf32, #tpu.memory_space<vmem>>, vector<16xf32>,
          %slice3A_318 = vector.extract_strided_slice %get3A_144 {offsets = [12], sizes = [1], strides = [1]} : vector<16xf32> to vector<1xf32>
          %squeeze3A_319 = vector.extract %slice3A_318[0] : f32 from vector<1xf32>
          %mul3A_320 = vector.broadcast %squeeze3A_319 : f32 to vector<16xf32>
          %mul3A_321 = arith.mulf %get3A_317, %mul3A_320 : vector<16xf32>
          %swap3A_322 = arith.index_cast %add3A_314 : i32 to index
          %swap3A_323 = arith.constant 0 : index
          %swap3A_324 = tpu.vector_load %arg16[%swap3A_322, %swap3A_323] {strides = array<i32>} : memref<1024x16xf32, #tpu.memory_space<vmem>>, vector<16xf32>,
          tpu.vector_store %arg16[%swap3A_322, %swap3A_323], %mul3A_321 {strides = array<i32>} : memref<1024x16xf32, #tpu.memory_space<vmem>>, vector<16xf32>,
          %mul3A_325 = arith.constant 16 : i32
          %mul3A_326 = arith.muli %scan3A_139, %mul3A_325 : i32
          %add3A_327 = arith.constant 13 : i32
          %add3A_328 = arith.addi %mul3A_326, %add3A_327 : i32
          %get3A_329 = arith.index_cast %add3A_328 : i32 to index
          %get3A_330 = arith.constant 0 : index
          %get3A_331 = tpu.vector_load %arg16[%get3A_329, %get3A_330] {strides = array<i32>} : memref<1024x16xf32, #tpu.memory_space<vmem>>, vector<16xf32>,
          %slice3A_332 = vector.extract_strided_slice %get3A_144 {offsets = [13], sizes = [1], strides = [1]} : vector<16xf32> to vector<1xf32>
          %squeeze3A_333 = vector.extract %slice3A_332[0] : f32 from vector<1xf32>
          %mul3A_334 = vector.broadcast %squeeze3A_333 : f32 to vector<16xf32>
          %mul3A_335 = arith.mulf %get3A_331, %mul3A_334 : vector<16xf32>
          %swap3A_336 = arith.index_cast %add3A_328 : i32 to index
          %swap3A_337 = arith.constant 0 : index
          %swap3A_338 = tpu.vector_load %arg16[%swap3A_336, %swap3A_337] {strides = array<i32>} : memref<1024x16xf32, #tpu.memory_space<vmem>>, vector<16xf32>,
          tpu.vector_store %arg16[%swap3A_336, %swap3A_337], %mul3A_335 {strides = array<i32>} : memref<1024x16xf32, #tpu.memory_space<vmem>>, vector<16xf32>,
          %mul3A_339 = arith.constant 16 : i32
          %mul3A_340 = arith.muli %scan3A_139, %mul3A_339 : i32
          %add3A_341 = arith.constant 14 : i32
          %add3A_342 = arith.addi %mul3A_340, %add3A_341 : i32
          %get3A_343 = arith.index_cast %add3A_342 : i32 to index
          %get3A_344 = arith.constant 0 : index
          %get3A_345 = tpu.vector_load %arg16[%get3A_343, %get3A_344] {strides = array<i32>} : memref<1024x16xf32, #tpu.memory_space<vmem>>, vector<16xf32>,
          %slice3A_346 = vector.extract_strided_slice %get3A_144 {offsets = [14], sizes = [1], strides = [1]} : vector<16xf32> to vector<1xf32>
          %squeeze3A_347 = vector.extract %slice3A_346[0] : f32 from vector<1xf32>
          %mul3A_348 = vector.broadcast %squeeze3A_347 : f32 to vector<16xf32>
          %mul3A_349 = arith.mulf %get3A_345, %mul3A_348 : vector<16xf32>
          %swap3A_350 = arith.index_cast %add3A_342 : i32 to index
          %swap3A_351 = arith.constant 0 : index
          %swap3A_352 = tpu.vector_load %arg16[%swap3A_350, %swap3A_351] {strides = array<i32>} : memref<1024x16xf32, #tpu.memory_space<vmem>>, vector<16xf32>,
          tpu.vector_store %arg16[%swap3A_350, %swap3A_351], %mul3A_349 {strides = array<i32>} : memref<1024x16xf32, #tpu.memory_space<vmem>>, vector<16xf32>,
          %mul3A_353 = arith.constant 16 : i32
          %mul3A_354 = arith.muli %scan3A_139, %mul3A_353 : i32
          %add3A_355 = arith.constant 15 : i32
          %add3A_356 = arith.addi %mul3A_354, %add3A_355 : i32
          %get3A_357 = arith.index_cast %add3A_356 : i32 to index
          %get3A_358 = arith.constant 0 : index
          %get3A_359 = tpu.vector_load %arg16[%get3A_357, %get3A_358] {strides = array<i32>} : memref<1024x16xf32, #tpu.memory_space<vmem>>, vector<16xf32>,
          %slice3A_360 = vector.extract_strided_slice %get3A_144 {offsets = [15], sizes = [1], strides = [1]} : vector<16xf32> to vector<1xf32>
          %squeeze3A_361 = vector.extract %slice3A_360[0] : f32 from vector<1xf32>
          %mul3A_362 = vector.broadcast %squeeze3A_361 : f32 to vector<16xf32>
          %mul3A_363 = arith.mulf %get3A_359, %mul3A_362 : vector<16xf32>
          %swap3A_364 = arith.index_cast %add3A_356 : i32 to index
          %swap3A_365 = arith.constant 0 : index
          %swap3A_366 = tpu.vector_load %arg16[%swap3A_364, %swap3A_365] {strides = array<i32>} : memref<1024x16xf32, #tpu.memory_space<vmem>>, vector<16xf32>,
          tpu.vector_store %arg16[%swap3A_364, %swap3A_365], %mul3A_363 {strides = array<i32>} : memref<1024x16xf32, #tpu.memory_space<vmem>>, vector<16xf32>,
          %scan3A_367 = arith.constant 0 : i32
          scf.yield %scan3A_367 : i32
        }
        %scan3A_134 = arith.constant 64 : i32
        "tpu.region"() ({
          %run_scoped3A = tpu.sem_alloc : memref<!tpu.dma_semaphore, #tpu.memory_space<semaphore_mem>>
          %dma_start3A = arith.constant 0 : i32
          %dma_start3A_139 = arith.constant 0 : i32
          %dma_start3A_140 = tpu.memref_slice %arg18[%dma_start3A, %dma_start3A_139] : memref<69632x16xf32, #tpu.memory_space<vmem_shared>> -> memref<69632x16xf32, #tpu.memory_space<vmem_shared>>
          tpu.enqueue_indirect_dma source(%arg16 : memref<1024x16xf32, #tpu.memory_space<vmem>>) target(%dma_start3A_140 : memref<69632x16xf32, #tpu.memory_space<vmem_shared>>) offsets(%arg13 : memref<1024xi32, #tpu.memory_space<vmem>>) semaphore(%run_scoped3A : memref<!tpu.dma_semaphore, #tpu.memory_space<semaphore_mem>>) {add = true}
          %dma_wait3A_141 = arith.constant 0 : i32
          %dma_wait3A_142 = arith.constant 0 : i32
          %dma_wait3A_143 = tpu.memref_slice %arg18[%dma_wait3A_141, %dma_wait3A_142] : memref<69632x16xf32, #tpu.memory_space<vmem_shared>> -> memref<69632x16xf32, #tpu.memory_space<vmem_shared>>
          tpu.wait_indirect_dma semaphore(%run_scoped3A : memref<!tpu.dma_semaphore, #tpu.memory_space<semaphore_mem>>) src(%arg16 : memref<1024x16xf32, #tpu.memory_space<vmem>>) dst(%dma_wait3A_143 : memref<69632x16xf32, #tpu.memory_space<vmem_shared>>)
          tpu.yield
        }) : () -> ()
        %swap3A_135 = arith.constant 0 : i32
        %swap3A_136 = arith.constant 0 : i32
        %swap3A_137 = arith.index_cast %swap3A_136 : i32 to index
        %swap3A_138 = memref.load %arg20[%swap3A_137] : memref<1xi32, #tpu.memory_space<smem>>
        memref.store %swap3A_135, %arg20[%swap3A_137] : memref<1xi32, #tpu.memory_space<smem>>
      } else {
      }
      %barrier3A_106 = arith.constant 0 : index
      tpu.barrier barrier_id(%barrier3A_106)
      %mul3A_107 = arith.constant 262144 : i32
      %mul3A_108 = arith.muli %select_n3A, %mul3A_107 : i32
      %mul3A_109 = arith.constant 65536 : i32
      %mul3A_110 = arith.muli %add3A_59, %mul3A_109 : i32
      %add3A_111 = arith.addi %mul3A_108, %mul3A_110 : i32
      %mul3A_112 = arith.constant 4096 : i32
      %mul3A_113 = arith.muli %arg1, %mul3A_112 : i32
      %add3A_114 = arith.addi %add3A_111, %mul3A_113 : i32
      %mul3A_115 = arith.constant 4096 : i32
      %mul3A_116 = arith.muli %arg1, %mul3A_115 : i32
      "tpu.region"() ({
        %run_scoped3A = tpu.sem_alloc : memref<!tpu.dma_semaphore, #tpu.memory_space<semaphore_mem>>
        %dma_start3A = arith.constant 0 : i32
        %dma_start3A_119 = tpu.memref_slice %arg5[%add3A_114, %dma_start3A] : memref<1048576x16xf32, #tpu.memory_space<hbm>> -> memref<4096x16xf32, #tpu.memory_space<hbm>>
        %dma_start3A_120 = arith.constant 0 : i32
        %dma_start3A_121 = tpu.memref_slice %arg18[%mul3A_116, %dma_start3A_120] : memref<69632x16xf32, #tpu.memory_space<vmem_shared>> -> memref<4096x16xf32, #tpu.memory_space<vmem_shared>>
        tpu.enqueue_dma source(%dma_start3A_121 : memref<4096x16xf32, #tpu.memory_space<vmem_shared>>) target(%dma_start3A_119 : memref<4096x16xf32, #tpu.memory_space<hbm>>) target_semaphore(%run_scoped3A : memref<!tpu.dma_semaphore, #tpu.memory_space<semaphore_mem>>)
        %dma_wait3A = arith.constant 0 : i32
        %dma_wait3A_122 = tpu.memref_slice %arg5[%add3A_114, %dma_wait3A] : memref<1048576x16xf32, #tpu.memory_space<hbm>> -> memref<4096x16xf32, #tpu.memory_space<hbm>>
        %dma_wait3A_123 = arith.constant 0 : i32
        %dma_wait3A_124 = tpu.memref_slice %arg18[%mul3A_116, %dma_wait3A_123] : memref<69632x16xf32, #tpu.memory_space<vmem_shared>> -> memref<4096x16xf32, #tpu.memory_space<vmem_shared>>
        tpu.wait_dma2 semaphore(%run_scoped3A : memref<!tpu.dma_semaphore, #tpu.memory_space<semaphore_mem>>) src(%dma_wait3A_124 : memref<4096x16xf32, #tpu.memory_space<vmem_shared>>) dst(%dma_wait3A_122 : memref<4096x16xf32, #tpu.memory_space<hbm>>)
        tpu.yield
      }) : () -> ()
      %barrier3A_117 = arith.constant 0 : index
      tpu.barrier barrier_id(%barrier3A_117)
      %scan3A_118 = arith.constant 0 : i32
      scf.yield %scan3A_118 : i32
    }
    %scan3A_23 = arith.constant 8 : i32
    return
  }
}

</mosaic_0001>

<sc_bundles>
// kernel: _p2g.3.cloned.1.call-start
scs
__scs_entry_jumppad:
0x0: {  	(pc) =	sbr.rel $0x88, $3  }
0x1: {  	(tag) =	ssettag $0x0;
	lr =	simm.s32 $0x1  }
0x2: {  	[smem:$0x3F9E] =	sst lr;
	_ =	strace $0xD0000000  }
0x3: {  	_ = 	snop  }
0x4: {  	_ = 	snop  }
0x5: {  	_ = 	snop  }
0x6: {  	_ = 	snop  }
0x7: {  	_ = 	snop  }
__scs_overlays_trampoline_lowered:
0x8: {  	[smem:$0x3FAD] =	sst s0  }
0x9: {  	[smem:$0x3FAE] =	sst s1  }
0xa: {  	[smem:$0x3FAF] =	sst s2  }
0xb: {  	[smem:$0x3FB0] =	sst s3  }
0xc: {  	[smem:$0x3FB1] =	sst s4  }
0xd: {  	[smem:$0x3FB2] =	sst s5  }
0xe: {  	[smem:$0x3FB3] =	sst s6  }
0xf: {  	[smem:$0x3FB4] =	sst s7  }
0x10: {  	[smem:$0x3FB5] =	sst s8  }
0x11: {  	[smem:$0x3FB6] =	sst s9;
	s0 =	simm.s32 @!p0 $0x0  }
0x12: {  	s1 =	sld [smem:$0x3F9C];
	s0 =	simm.s32 @p0 $0x1  }
0x13: {  	[smem:$0x3FB7] =	sst s0;
	s0 =	simm.s32 @!p1 $0x0  }
0x14: {  	s2 =	sld [smem:$0x3F9B];
	s0 =	simm.s32 @p1 $0x1  }
0x15: {  	[smem:$0x3FB8] =	sst s0;
	s0 =	simm.s32 @!p2 $0x0  }
0x16: {  	s3 =	sld [smem:$0x3FDB];
	s0 =	simm.s32 @p2 $0x1  }
0x17: {  	s4 =	simm.s32 $0x1BF5;
	[smem:$0x3FBA] =	sst s0  }
0x18: {  	s0 =	sld [smem:$0x3F9D];
	_ =	swait.ge [sflag:s4], $0x0  }
0x19: {  	s7 =	sld [smem:$0x3F9E]  }
0x1a: {  	s8 =	sadd.s32 $0xFFFFE003, lr  }
0x1b: {  	s9 =	sadd.s32 $0xFFFFFEF7, lr;
	s5 =	simm.s32 $0xFFFFFFFF;
	p2 =	slt.u32 s8, $0xFFFFF086  }
0x1c: {  	p1 =	slt.u32 s9, $0xF7A;
	s5 =	simm.s32 @!p2 $0x0  }
0x1d: {  	s5 =	simm.s32 @p1 $0x1;
	p0 =	seq.s32 s7, s2  }
0x1e: {  	s7 =	smul.u32 @!p0 $0xF7A, s2;
	p2 =	seq.s32 @!p0 s5, $0x0  }
0x1f: {  	s9 =	smul.u32 $0xF7A, s1;
	s8 =	simm.s32 @!p0 $0x1BF5;
	p2 =	por !p2, p0  }
0x20: {  	[sflag:s8] =	ssyncset.s32 @!p0 $0xFFFFF086;
	s6 =	sadd.s32 @!p0 s3, s7;
	s7 =	simm.s32 @!p0 $0x108  }
0x21: {  	s3 =	sadd.s32 s3, s9;
	s6 =	sadd.s32 @!p0 $0x88, s6;
	s7 =	simm.s32 @p2 $0x1082  }
0x22: {  	[simem:s7], [sflag:s8] =	dma.local @!p0 [hbm:s6], $0xF7A  }
0x23: {  	s9 =	sor.u32 $0xD0000000, s2;
	s6 =	simm.s32 $0x108;
	_ =	swait.ge @!p0 [sflag:s8], $0x0  }
0x24: {  	s3 =	sadd.s32 $0x88, s3;
	s6 =	simm.s32 @!p1 $0x1082;
	[sflag:s4] =	ssyncset.s32 $0xFFFFF086  }
0x25: {  	[simem:s6], [sflag:s4] =	dma.local [hbm:s3], $0xF7A  }
0x26: {  	[smem:$0x3F9E] =	sst s1;
	(tag) =	ssettag s2;
	_ =	strace s9  }
0x27: {  	s1 =	sld [smem:$0x3FAE]  }
0x28: {  	s2 =	sld [smem:$0x3FAF]  }
0x29: {  	s4 =	sld [smem:$0x3FB1]  }
0x2a: {  	p0 =	seq.s32 s5, $0x0;
	s5 =	sld [smem:$0x3FB2]  }
0x2b: {  	s6 =	sld [smem:$0x3FB3]  }
0x2c: {  	s7 =	sld [smem:$0x3FB4]  }
0x2d: {  	s3 =	simm.s32 $0x108;
	s8 =	sld [smem:$0x3FB5]  }
0x2e: {  	s3 =	simm.s32 @!p0 $0x1082;
	s9 =	sld [smem:$0x3FB6]  }
0x2f: {  	lr =	sadd.s32 s0, s3;
	s0 =	sld [smem:$0x3FAD]  }
0x30: {  	s3 =	sld [smem:$0x3FB0]  }
0x31: {  	[smem:$0x3FB9] =	sst s10  }
0x32: {  	s10 =	sld [smem:$0x3FB7];
	_ =	sdelay $0x3  }
0x33: {  	p0 =	seq.s32 s10, $0x1;
	s10 =	sld [smem:$0x3FB9];
	_ =	sdelay $0x3  }
0x34: {  	[smem:$0x3FB9] =	sst s10  }
0x35: {  	s10 =	sld [smem:$0x3FB8];
	_ =	sdelay $0x3  }
0x36: {  	p1 =	seq.s32 s10, $0x1;
	s10 =	sld [smem:$0x3FB9];
	_ =	sdelay $0x3  }
0x37: {  	[smem:$0x3FB9] =	sst s10  }
0x38: {  	s10 =	sld [smem:$0x3FBA]  }
0x39: {  	_ = 	snop;
	(pc) =	sbr.ind lr, $3  }
0x3a: {  	_ = 	snop  }
0x3b: {  	_ = 	snop  }
0x3c: {  	p2 =	seq.s32 s10, $0x1;
	s10 =	sld [smem:$0x3FB9]  }
0x3d: {  	_ =	shalt  }
0x3e: {  	_ =	shalt  }
0x3f: {  	_ =	shalt  }
0x40: {  	_ =	shalt  }
0x41: {  	_ =	shalt  }
0x42: {  	_ =	shalt  }
0x43: {  	_ =	shalt  }
0x44: {  	_ =	shalt  }
0x45: {  	_ =	shalt  }
0x46: {  	_ =	shalt  }
0x47: {  	_ =	shalt  }
0x48: {  	_ =	shalt  }
0x49: {  	_ =	shalt  }
0x4a: {  	_ =	shalt  }
0x4b: {  	_ =	shalt  }
0x4c: {  	_ =	shalt  }
0x4d: {  	_ =	shalt  }
0x4e: {  	_ =	shalt  }
0x4f: {  	_ =	shalt  }
0x50: {  	_ =	shalt  }
0x51: {  	_ =	shalt  }
0x52: {  	_ =	shalt  }
0x53: {  	_ =	shalt  }
0x54: {  	_ =	shalt  }
0x55: {  	_ =	shalt  }
0x56: {  	_ =	shalt  }
0x57: {  	_ =	shalt  }
0x58: {  	_ =	shalt  }
0x59: {  	_ =	shalt  }
0x5a: {  	_ =	shalt  }
0x5b: {  	_ =	shalt  }
0x5c: {  	_ =	shalt  }
0x5d: {  	_ =	shalt  }
0x5e: {  	_ =	shalt  }
0x5f: {  	_ =	shalt  }
0x60: {  	_ =	shalt  }
0x61: {  	_ =	shalt  }
0x62: {  	_ =	shalt  }
0x63: {  	_ =	shalt  }
0x64: {  	_ =	shalt  }
0x65: {  	_ =	shalt  }
0x66: {  	_ =	shalt  }
0x67: {  	_ =	shalt  }
0x68: {  	_ =	shalt  }
0x69: {  	_ =	shalt  }
0x6a: {  	_ =	shalt  }
0x6b: {  	_ =	shalt  }
0x6c: {  	_ =	shalt  }
0x6d: {  	_ =	shalt  }
0x6e: {  	_ =	shalt  }
0x6f: {  	_ =	shalt  }
0x70: {  	_ =	shalt  }
0x71: {  	_ =	shalt  }
0x72: {  	_ =	shalt  }
0x73: {  	_ =	shalt  }
0x74: {  	_ =	shalt  }
0x75: {  	_ =	shalt  }
0x76: {  	_ =	shalt  }
0x77: {  	_ =	shalt  }
0x78: {  	_ =	shalt  }
0x79: {  	_ =	shalt  }
0x7a: {  	_ =	shalt  }
0x7b: {  	_ =	shalt  }
0x7c: {  	_ =	shalt  }
0x7d: {  	_ =	shalt  }
0x7e: {  	_ =	shalt  }
0x7f: {  	_ =	shalt  }
0x80: {  	_ =	shalt  }
0x81: {  	_ =	shalt  }
0x82: {  	_ =	shalt  }
0x83: {  	_ =	shalt  }
0x84: {  	_ =	shalt  }
0x85: {  	_ =	shalt  }
0x86: {  	_ =	shalt  }
0x87: {  	_ =	shalt  }
.Lfunc_end0:
.L_simem_size_0:
called_computation.1_lowered:
.L_overlay_start_0:
0x88: {  	s2 =	sld [smem:$0x3FD9]  }
0x89: {  	s3 =	sld [smem:$0x3FFE];
	_ =	sdelay $0x1  }
0x8a: {  	s1 =	srdreg.scid  }
0x8b: {  	s0 =	sand.u32 $0x1, s1  }
0x8c: {  	s17 =	sshll.u32 s0, $0xA;
	s2 =	sadd.s32 s3, s2  }
0x8d: {  	s2 =	sadd.s32 s2, s17  }
0x8e: {  	[smem:$0x3FC5] =	sst s2  }
0x8f: {  	_ = 	snop  }
0x90: {  	s2 =	sld [smem:$0x3FD0];
	(tm) =	ssettm $0x1  }
0x91: {  	s18 =	sld [smem:$0x3FFB];
	_ =	sdelay $0x3  }
0x92: {  	_ =	strace s18  }
0x93: {  	s3 =	sld [smem:$0x3FFC];
	_ =	sdelay $0x3  }
0x94: {  	_ =	strace s3  }
0x95: {  	s3 =	sld [smem:$0x3FFD];
	_ =	sdelay $0x3  }
0x96: {  	_ =	strace s3  }
0x97: {  	_ =	strace $0x8FFFFFFF  }
0x98: {  	s19 =	sld [smem:$0x3FDB];
	_ =	sdelay $0x1  }
0x99: {  	s4 =	simm.s32 $_scs_section_size  }
0x9a: {  	s5 =	simm.s32 $_size__tile_overlayer_lowered;
	s6 =	simm.s32 $_tile_overlayer_lowered  }
0x9b: {  	s22 =	simm.s32 $0x1BFF;
	s21 =	sshll.u32 s6, $0x1;
	s3 =	sadd.s32 s4, s19  }
0x9c: {  	s7 =	simm.s32 $0x0;
	s20 =	sshll.u32 s5, $0x1;
	s5 =	sadd.s32 s21, s3  }
0x9d: {  	[timem:s7], [sflag:s22] =	dma.local [hbm:s5], s20  }
0x9e: {  	_ =	swait.ge [sflag:s22], s20  }
0x9f: {  	s4 =	ssub.s32 $0x0, s20;
	[sflag:s22] =	ssyncset.done $0x0  }
0xa0: {  	[sflag:s22] =	ssyncadd.s32 s4;
	_ =	sdelay $0x1  }
0xa1: {  	s23 =	simm.s32 $0x1B8B  }
0xa2: {  	_ =	swait.ge [sflag:s23], $0x1  }
0xa3: {  	[sflag:s23] =	ssyncset.done $0x0  }
0xa4: {  	s25 =	simm.s32 $0x1B8E;
	s24 =	sld [smem:$0x3FFE];
	[sflag:s23] =	ssyncadd.s32 $0xFFFFFFFF  }
0xa5: {  	s26 =	simm.s32 $execute0_lowered;
	[smem:$0x3FD2] =	sst s25  }
0xa6: {  	s5 =	sshll.u32 s26, $0x1;
	_ =	strace $0x80000046;
	[dreg:$0x1] =	wrdreg $0xFFFFFFFF  }
0xa7: {  	s28 =	simm.s32 $_size_execute0_lowered;
	s3 =	sadd.s32 s3, s5;
	[dreg:$0x0] =	wrdreg $0x0  }
0xa8: {  	s5 =	sshll.u32 s28, $0x1;
	[dreg:$0x2] =	wrdreg s3  }
0xa9: {  	[dreg:$0x3] =	wrdreg s5  }
0xaa: {  	[dreg:$0x4] =	wrdreg $0xC0  }
0xab: {  	_ =	task [dreg:s7], $0x5FFFF  }
0xac: {  	[dreg:$0x1] =	wrdreg $0xFFFFFFFF  }
0xad: {  	[dreg:$0x0] =	wrdreg $0x60  }
0xae: {  	[dreg:$0x2] =	wrdreg s24  }
0xaf: {  	[dreg:$0x3] =	wrdreg s2  }
0xb0: {  	[dreg:$0x4] =	wrdreg $0xEC300  }
0xb1: {  	[dreg:$0x5] =	wrdreg $0x9  }
0xb2: {  	_ =	task.clear_ibuf [dreg:s7], $0x6FFFF;
	_ =	strace $0x90000046  }
0xb3: {  	s29 =	simm.s32 $0x9;
	_ =	strace $0x80000048  }
0xb4: {  	_ =	swait.ge [sflag:s29], $0x1  }
0xb5: {  	[sflag:s29] =	ssyncadd.s32 $0xFFFFFFFF  }
0xb6: {  	_ =	strace $0x90000048  }
0xb7: {  	_ =	sfence  }
0xb8: {  	s30 =	sld [smem:$0x0];
	_ =	sdelay $0x2  }
0xb9: {  	s31 =	sshll.u32 s1, $0xD;
	s1 =	sshrl.u32 s1, $0x2  }
0xba: {  	s3 =	sand.u32 $0x4000, s31;
	s1 =	sadd.s32 s1, s30  }
0xbb: {  	s0 =	sor.u32 s3, s0;
	s1 =	sshll.u32 s1, $0x11  }
0xbc: {  	s0 =	sor.u32 s1, s0  }
0xbd: {  	s0 =	sadd.s32 $0x8F2B, s0  }
0xbe: {  	[sflag:s0] =	ssyncadd.remote.s32 $0x1  }
0xbf: {  	_ =	sfence.sel $0xFFFF  }
0xc0: {  	[dreg:$0x0] =	wrdreg $0xFFFFFFFF;
	(pc) =	sbr.abs _section_cstart, $3  }
0xc1: {  	[dreg:$0x1] =	wrdreg $0xFFFFFFFF  }
0xc2: {  	_ =	task.clear_ibuf [dreg:s7], $0x2FFFF;
	_ =	strace $0x9FFFFFFF  }
0xc3: {  	(tm) =	ssettm $0x7FFFFFFF  }
tec
execute0_lowered:
.L_overlay_start_1:
0x0: {  	(tag) =	ssettag $0x1  }
0x1: {  	s0 =	rddreg [dreg:$0x0]  }
0x2: {  	s4 =	rddreg [dreg:$0x1]  }
0x3: {  	s2 =	rddreg [dreg:$0x2];
	s3 =	simm.s32 $0x0  }
0x4: {  	s5 =	srdreg.scid;
	s1 =	stileid.u32;
	s17 =	simm.s32 $0xAC30  }
0x5: {  	s18 =	simm.s32 $0x4;
	s28 =	simm.s32 $0x2;
	s29 =	simm.s32 $0x2000  }
0x6: {  	[smem:$0x7FF] =	sst s3;
	s6 =	sand.u32 $0x1, s5;
	s7 =	smul.u32 $0x44000, s1  }
0x7: {  	s5 =	sadd.s32 $0xA00, s0;
	s25 =	sshll.u32 s1, $0xA;
	s26 =	sshll.u32 s1, $0xD  }
0x8: {  	s14 =	sor.u32 $0x20, s1;
	s30 =	sshll.u32 s1, $0x10;
	_ =	strace $0x80000047  }
0x9: {  	[dreg:$0x4] =	wrdreg s6;
	s8 =	ssub.s32 $0x2, s6;
	s6 =	sadd.s32 $0x206D800, s0  }
0xa: {  	[dreg:$0xa] =	wrdreg s25;
	s4 =	sadd.s32 s4, s26;
	s10 =	sshrl.u32 s7, $0x2  }
0xb: {  	[dreg:$0xb] =	wrdreg s4;
	s4 =	sadd.s32 s30, s2;
	s21 =	sadd.s32 s10, s2  }
0xc: {  	s26 =	simm.s32 $0x6430;
	s31 =	sshrl.u32 s4, $0x3;
	[dreg:$0x5] =	wrdreg s21  }
0xd: {  	s9 =	sshrl.u32 s8, $0x1;
	s22 =	sadd.s32 $0x4000, s21;
	[dreg:$0xd] =	wrdreg s31  }
0xe: {  	s7 =	sadd.s32 $0x1E9000, s0;
	s23 =	sadd.s32 $0x8000, s21;
	[dreg:$0x6] =	wrdreg s22  }
.Ltmp0:
0xf: {  	s24 =	sadd.s32 $0xC000, s21;
	[dreg:$0x7] =	wrdreg s23;
	(pc) =	sbr.rel .LBB2_1-.Ltmp0, $4  }
0x10: {  	s20 =	ssub.s32 s8, s9;
	s8 =	sadd.s32 $0x10000, s21;
	[dreg:$0x8] =	wrdreg s24  }
0x11: {  	s4 =	simm.s32 $0x0;
	s0 =	smax.u32 s20, $0x1;
	[dreg:$0x9] =	wrdreg s8  }
0x12: {  	v0 =	vlaneseq.u32;
	s20 =	simm.s32 $0x1;
	s21 =	simm.s32 $0x3;
	[dreg:$0xc] =	wrdreg s0  }
0x13: {  	v1 =	vimm.f32 $0.0e+00;
	v2 =	vor.u32 $0x10000, v0;
	s22 =	simm.s32 $0x400;
	s23 =	simm.s32 $0x6030;
	s24 =	simm.s32 $0x6C30  }
.LBB2_55:
0x14: {  	s4 =	rddreg [dreg:$0xe]  }
0x15: {  	s0 =	rddreg [dreg:$0xc];
	s4 =	sadd.s32 $0x1, s4  }
0x16: {  	p0 =	sne.s32 s4, s0  }
.Ltmp1:
0x17: {  	_ = 	snop;
	(pc) =	sbr.rel @!p0 .LBB2_56-.Ltmp1, $1  }
0x18: {  	_ =	sdelay $0x3  }
.LBB2_1:
0x19: {  	s0 =	simm.s32 $0xAC50  }
0x1a: {  	[tilespmem:s0+$0xFFFFFFE0] =	vst v1  }
0x1b: {  	[tilespmem:s0+$0x10] =	vst v1  }
0x1c: {  	[dreg:$0xe] =	wrdreg s4;
	s4 =	simm.s32 $0x0;
	[tilespmem:s0+$0x0] =	vst v1  }
.LBB2_2:
0x1d: {  	s4 =	sadd.s32 $0x4, s4  }
0x1e: {  	[tilespmem:s0+$0xFFFFFFF0] =	vst v1;
	s0 =	sadd.s32 $0x40, s0;
	p0 =	slt.u32 s4, $0x3FC  }
.Ltmp2:
0x1f: {  	[tilespmem:s0+$0xFFFFFFE0] =	vst v1;
	(pc) =	sbr.rel @p0 .LBB2_2-.Ltmp2, $3  }
0x20: {  	_ =	sdelay $0x1  }
0x21: {  	[tilespmem:s0+$0x10] =	vst v1  }
0x22: {  	[tilespmem:s0+$0x0] =	vst v1  }
.Ltmp3:
0x23: {  	(pc) =	sbr.rel .LBB2_4-.Ltmp3, $4  }
0x24: {  	_ = 	snop  }
0x25: {  	s4 =	simm.s32 $0x0  }
0x26: {  	[smem:$0x0] =	sst s4  }
0x27: {  	[tilespmem:s0+$0xFFFFFFF0] =	vst v1;
	s0 =	simm.s32 $0x0;
	[smem:$0x8] =	sst s4  }
.LBB2_54:
0x28: {  	s4 =	sshll.u32 s16, $0x13;
	s8 =	sshll.u32 s30, $0x11  }
0x29: {  	s9 =	rddreg [dreg:$0xb];
	s25 =	sshll.u32 s1, $0x6;
	[bflag:$0x0] =	sbarrier.arrive $0xFFFF  }
0x2a: {  	s0 =	sadd.s32 $0x1, s0;
	s4 =	sadd.s32 s4, s9;
	s30 =	sor.u32 $0x1C04, s25  }
0x2b: {  	s31 =	rddreg [dreg:$0xd];
	p0 =	sne.s32 s0, $0x8;
	s4 =	sadd.s32 s8, s4  }
0x2c: {  	[hbm:s4], [sflag:s30] =	dma.local [spmem:s31], $0x2000  }
.Ltmp4:
0x2d: {  	_ =	swait.ge [sflag:s18], $0x2000;
	(pc) =	sbr.rel @!p0 .LBB2_55-.Ltmp4, $3  }
0x2e: {  	[sflag:s18] =	ssyncset.done $0x0  }
0x2f: {  	[sflag:s18] =	ssyncadd.s32 $0xFFFFE000  }
0x30: {  	[bflag:$0x0] =	sbarrier.arrive $0xFFFF;
	_ =	sdelay $0x1  }
.LBB2_4:
0x31: {  	s16 =	sshrl.u32 s0, $0x1;
	s4 =	rddreg [dreg:$0x5]  }
0x32: {  	[smem:$0x10] =	sst s16  }
0x33: {  	[spmem:s4] =	stream.linear.scatter [tilespmem:s17], [sflag:$0x4], $0x4000, $0x38;
	[tilespmem:$0x1FC30] =	vst v63  }
0x34: {  	_ =	swait.ge [sflag:s18], $0x4000  }
0x35: {  	[sflag:s18] =	ssyncset.done $0x0  }
0x36: {  	s10 =	rddreg [dreg:$0x6];
	[sflag:s18] =	ssyncadd.s32 $0xFFFFC000  }
0x37: {  	[spmem:s10] =	stream.linear.scatter [tilespmem:s17], [sflag:$0x4], $0x4000, $0x38;
	[tilespmem:$0x1FC30] =	vst v63  }
0x38: {  	_ =	swait.ge [sflag:s18], $0x4000  }
0x39: {  	[sflag:s18] =	ssyncset.done $0x0  }
0x3a: {  	s11 =	rddreg [dreg:$0x7];
	[sflag:s18] =	ssyncadd.s32 $0xFFFFC000  }
0x3b: {  	[spmem:s11] =	stream.linear.scatter [tilespmem:s17], [sflag:$0x4], $0x4000, $0x38;
	[tilespmem:$0x1FC30] =	vst v63  }
0x3c: {  	_ =	swait.ge [sflag:s18], $0x4000  }
0x3d: {  	[sflag:s18] =	ssyncset.done $0x0  }
0x3e: {  	s12 =	rddreg [dreg:$0x8];
	[sflag:s18] =	ssyncadd.s32 $0xFFFFC000  }
0x3f: {  	[spmem:s12] =	stream.linear.scatter [tilespmem:s17], [sflag:$0x4], $0x4000, $0x38;
	[tilespmem:$0x1FC30] =	vst v63  }
0x40: {  	_ =	swait.ge [sflag:s18], $0x4000  }
0x41: {  	[sflag:s18] =	ssyncset.done $0x0  }
0x42: {  	s13 =	rddreg [dreg:$0x9];
	[sflag:s18] =	ssyncadd.s32 $0xFFFFC000  }
0x43: {  	[spmem:s13] =	stream.linear.scatter [tilespmem:s17], [sflag:$0x4], $0x1000, $0x38;
	[tilespmem:$0x1FC30] =	vst v63  }
0x44: {  	s19 =	smul.u32 $0x7A120, s16;
	_ =	swait.ge [sflag:s18], $0x1000  }
0x45: {  	[sflag:s18] =	ssyncset.done $0x0;
	s15 =	rddreg [dreg:$0xa]  }
0x46: {  	[sflag:s18] =	ssyncadd.s32 $0xFFFFF000;
	s4 =	sadd.s32 s15, s19  }
0x47: {  	s10 =	simm.s32 $0x0;
	[bflag:$0x0] =	sbarrier.arrive $0xFFFF;
	s8 =	sadd.s32 s5, s4  }
0x48: {  	[tilespmem:s10], [sflag:$0x1] =	stream.linear.gather [hbm4b:s8+s10], $0x2000, $0x38;
	[tilespmem:$0x1FC30] =	vst v63  }
.Ltmp5:
0x49: {  	s25 =	sshll.u32 s0, $0x1;
	(pc) =	sbr.rel .LBB2_5-.Ltmp5, $4  }
0x4a: {  	s4 =	sshrl.u32 s4, $0x3;
	s8 =	sand.u32 $0x2, s25;
	s31 =	rddreg [dreg:$0x4]  }
0x4b: {  	s9 =	simm.s32 $0x4000;
	s4 =	sadd.s32 s7, s4;
	s30 =	sor.u32 s31, s8  }
0x4c: {  	[tilespmem:s9], [sflag:$0x1] =	stream.linear.gather [hbm4b:s4+s10], $0x400, $0x38;
	[tilespmem:$0x1FC30] =	vst v63  }
0x4d: {  	v3 =	vmov s30;
	s4 =	simm.s32 $0x0  }
.LBB2_57:
0x4e: {  	s4 =	sadd.s32 $0x1, s4  }
0x4f: {  	p0 =	seq.s32 s4, $0x10  }
.Ltmp6:
0x50: {  	_ = 	snop;
	(pc) =	sbr.rel @p0 .LBB2_46-.Ltmp6, $1  }
0x51: {  	_ =	sdelay $0x3  }
.LBB2_5:
0x52: {  	s10 =	sshll.u32 s4, $0x5  }
0x53: {  	s8 =	sor.u32 s1, s10  }
0x54: {  	s9 =	sor.u32 $0x10, s8  }
0x55: {  	p0 =	sgt.u32 s9, $0x1E8  }
0x56: {  	s11 =	sshll.u32 @!p0 s9, $0xA  }
0x57: {  	p1 =	sgt.u32 s8, $0x1E8;
	s11 =	smin.u32 @!p0 s11, $0x79D20  }
.Ltmp7:
0x58: {  	s13 =	simm.s32 @!p0 $0x0;
	s11 =	sadd.s32 @!p0 s19, s11;
	(pc) =	sbr.rel @p1 .LBB2_9-.Ltmp7, $4  }
0x59: {  	s15 =	simm.s32 @!p0 $0x2000;
	s12 =	sadd.s32 @!p0 s5, s11;
	s11 =	sshrl.u32 @!p0 s11, $0x3  }
0x5a: {  	[tilespmem:s15], [sflag:$0x2] =	stream.linear.gather @!p0 [hbm4b:s12+s13], $0x2000, $0x38;
	[tilespmem:$0x1FC30] =	vst v63  }
0x5b: {  	s11 =	sadd.s32 @!p0 s7, s11;
	s12 =	simm.s32 @!p0 $0x4400  }
0x5c: {  	[tilespmem:s12], [sflag:$0x2] =	stream.linear.gather @!p0 [hbm4b:s11+s13], $0x400, $0x38;
	[tilespmem:$0x1FC30] =	vst v63  }
0x5d: {  	s11 =	simm.s32 $0x0;
	_ =	swait.ge [sflag:s20], $0x2000  }
0x5e: {  	v6 =	vor.u32 s11, v0;
	[sflag:s20] =	ssyncset.done $0x0  }
0x5f: {  	v4 =	vshll.u32 v6, $0x3;
	[sflag:s20] =	ssyncadd.s32 $0xFFFFE000  }
0x60: {  	_ =	swait.ge [sflag:s20], $0x400;
	v5 =	vor.u32 $0x3, v4  }
0x61: {  	v7 =	vor.u32 $0x1, v4;
	[sflag:s20] =	ssyncset.done $0x0  }
0x62: {  	s15 =	simm.s32 $0x4010;
	v8 =	vor.u32 $0x2, v4;
	[sflag:s20] =	ssyncadd.s32 $0xFFFFFC00  }
0x63: {  	v9 =	vld [tilespmem:s15+$0xFFFFFFF0]  }
0x64: {  	v4 =	vld.idx.msk [tilespmem:v4+s3+$0x0], $0xffff  }
0x65: {  	v5 =	vld.idx.msk [tilespmem:v5+s3+$0x0], $0xffff  }
0x66: {  	v7 =	vld.idx.msk [tilespmem:v7+s3+$0x0], $0xffff  }
0x67: {  	v8 =	vld.idx.msk [tilespmem:v8+s3+$0x0], $0xffff;
	_ =	sdelay $0x2  }
0x68: {  	v4 =	vmul.f32 $6.400000000e+01, v4  }
0x69: {  	s8 =	sshll.u32 s8, $0xA;
	v9 =	vmul.f32 v9, v5;
	v7 =	vmul.f32 $6.400000000e+01, v7  }
0x6a: {  	s12 =	smin.u32 s8, $0x79D20;
	v8 =	vmul.f32 $6.400000000e+01, v8;
	v4 =	vtrunc.f32 v4  }
0x6b: {  	v5 =	vmov s12;
	v10 =	vcvt.f32.s32 v4;
	v7 =	vtrunc.f32 v7  }
0x6c: {  	v6 =	vadd.s32 v5, v6;
	v8 =	vtrunc.f32 v8;
	v7 =	vcvt.f32.s32 v7  }
0x6d: {  	(erf) = vrcp.f32 v9;
	v8 =	vcvt.f32.s32 v8;
	vm0 =	vgt.s32 v10, $0x0  }
0x6e: {  	v4 =	vmov s8;
	v9 =	vnsel vm0, $0x0, v10;
	vm0 =	vgt.s32 v7, $0x0  }
0x6f: {  	v9 =	vmin.u32 v9, $0x3F;
	v7 =	vnsel vm0, $0x0, v7;
	vm0 =	vgt.s32 v8, $0x0  }
0x70: {  	v10 =	vshll.u32 v9, $0xC;
	v9 =	vshrl.u32 v9, $0x4;
	v7 =	vmin.u32 v7, $0x3F  }
0x71: {  	s25 =	simm.s32 $0x10;
	v8 =	vnsel vm0, $0x0, v8;
	vm0 =	vge.u32 v6, v4;
	vm1 =	veq.s32 v9, v3  }
0x72: {  	s8 =	sld [smem:$0x0];
	v9 =	vor.u32 s25, v0;
	v8 =	vmin.u32 v8, $0x3F;
	v7 =	vshll.u32 v7, $0x6  }
0x73: {  	v11 =	vshll.u32 v9, $0x3;
	v7 =	vor.u32 v8, v7;
	v8 =	vand.u32 $0xF000, v10  }
0x74: {  	vm0 =	vmand vm0, vm1;
	v7 =	vor.u32 v8, v7  }
0x75: {  	v8 =	vor.u32 $0x1, v11;
	[tilespmem:s8+$0x4800] =	vst.msk vm0, v7  }
0x76: {  	v10 =	vor.u32 $0x2, v11;
	v7 =	vmpcnt.ones.xlane vm0;
	v12 =	vpop (erf);
	[tilespmem:s8+$0x5010] =	vst.msk vm0, v6  }
0x77: {  	v6 =	vor.u32 $0x3, v11;
	[tilespmem:s8+$0x5820] =	vst.msk vm0, v12  }
0x78: {  	(v2sf) =	vpush v7, $0x0;
	v7 =	vld.idx.msk [tilespmem:v11+s3+$0x0], $0xffff  }
0x79: {  	v13 =	vld [tilespmem:s15+$0x0]  }
0x7a: {  	v8 =	vld.idx.msk [tilespmem:v8+s3+$0x0], $0xffff  }
0x7b: {  	v11 =	vld.idx.msk [tilespmem:v10+s3+$0x0], $0xffff  }
0x7c: {  	v12 =	vld.idx.msk [tilespmem:v6+s3+$0x0], $0xffff;
	_ =	sdelay $0x1  }
0x7d: {  	s31 =	simm.s32 $0x20  }
0x7e: {  	v6 =	vor.u32 s31, v0;
	v14 =	vmul.f32 $6.400000000e+01, v7  }
0x7f: {  	v10 =	vshll.u32 v6, $0x3;
	v15 =	vmul.f32 $6.400000000e+01, v8;
	v16 =	vmul.f32 $6.400000000e+01, v11  }
0x80: {  	v7 =	vadd.s32 v5, v9;
	v14 =	vtrunc.f32 v14;
	v12 =	vmul.f32 v13, v12  }
0x81: {  	v9 =	vor.u32 $0x2, v10;
	v13 =	vcvt.f32.s32 v14;
	v14 =	vtrunc.f32 v15  }
0x82: {  	v8 =	vor.u32 $0x1, v10;
	v15 =	vtrunc.f32 v16;
	(erf) = vrcp.f32 v12  }
0x83: {  	v14 =	vcvt.f32.s32 v14;
	v15 =	vcvt.f32.s32 v15;
	vm0 =	vgt.s32 v13, $0x0  }
0x84: {  	v11 =	vor.u32 $0x3, v10;
	v12 =	vnsel vm0, $0x0, v13;
	vm0 =	vge.u32 v7, v4  }
0x85: {  	s13 =	simm.s32 $0x2;
	vm1 =	vgt.s32 v14, $0x0;
	vm2 =	vgt.s32 v15, $0x0;
	v12 =	vmin.u32 v12, $0x3F  }
0x86: {  	s11 =	simm.s32 $0x4030;
	s12 =	simm.s32 $0x30;
	v14 =	vnsel vm1, $0x0, v14;
	v15 =	vnsel vm2, $0x0, v15;
	v13 =	vshll.u32 v12, $0xC;
	s15 =	spop (v2sf)  }
.LBB2_7:
0x87: {  	s13 =	sadd.s32 $0x2, s13;
	v14 =	vmin.u32 v14, $0x3F;
	v15 =	vmin.u32 v15, $0x3F;
	v12 =	vshrl.u32 v12, $0x4  }
0x88: {  	p1 =	slt.u32 s13, $0x3E;
	v14 =	vshll.u32 v14, $0x6;
	vm1 =	veq.s32 v12, v3;
	v12 =	vand.u32 $0xF000, v13  }
0x89: {  	s8 =	sadd.s32 s8, s15;
	v13 =	vor.u32 v15, v14;
	vm0 =	vmand vm0, vm1  }
0x8a: {  	v14 =	vor.u32 v12, v13;
	v13 =	vmpcnt.ones.xlane vm0  }
0x8b: {  	[tilespmem:s8+$0x4800] =	vst.msk vm0, v14;
	v12 =	vpop (erf)  }
0x8c: {  	[tilespmem:s8+$0x5010] =	vst.msk vm0, v7;
	(v2sf) =	vpush v13, $0x0  }
0x8d: {  	[tilespmem:s8+$0x5820] =	vst.msk vm0, v12  }
0x8e: {  	v7 =	vld.idx.msk [tilespmem:v10+s3+$0x0], $0xffff  }
0x8f: {  	v10 =	vld [tilespmem:s11+$0xFFFFFFF0]  }
0x90: {  	v11 =	vld.idx.msk [tilespmem:v11+s3+$0x0], $0xffff  }
0x91: {  	v8 =	vld.idx.msk [tilespmem:v8+s3+$0x0], $0xffff  }
0x92: {  	v9 =	vld.idx.msk [tilespmem:v9+s3+$0x0], $0xffff;
	_ =	sdelay $0x1  }
0x93: {  	v7 =	vmul.f32 $6.400000000e+01, v7;
	_ =	sdelay $0x1  }
0x94: {  	v7 =	vtrunc.f32 v7;
	v10 =	vmul.f32 v10, v11  }
0x95: {  	v7 =	vcvt.f32.s32 v7;
	v8 =	vmul.f32 $6.400000000e+01, v8  }
0x96: {  	v9 =	vmul.f32 $6.400000000e+01, v9  }
0x97: {  	vm0 =	vgt.s32 v7, $0x0;
	v8 =	vtrunc.f32 v8;
	(erf) = vrcp.f32 v10  }
0x98: {  	v7 =	vnsel vm0, $0x0, v7;
	v8 =	vcvt.f32.s32 v8;
	v9 =	vtrunc.f32 v9  }
0x99: {  	v6 =	vadd.s32 v5, v6;
	v7 =	vmin.u32 v7, $0x3F;
	v9 =	vcvt.f32.s32 v9;
	s15 =	spop (v2sf)  }
0x9a: {  	vm0 =	vgt.s32 v8, $0x0;
	v10 =	vshll.u32 v7, $0xC;
	v7 =	vshrl.u32 v7, $0x4;
	s8 =	sadd.s32 s8, s15  }
0x9b: {  	v8 =	vnsel vm0, $0x0, v8;
	vm0 =	vgt.s32 v9, $0x0;
	vm1 =	veq.s32 v7, v3  }
0x9c: {  	v7 =	vmin.u32 v8, $0x3F;
	v8 =	vnsel vm0, $0x0, v9;
	v9 =	vor.u32 s12, v0  }
0x9d: {  	v8 =	vmin.u32 v8, $0x3F;
	v7 =	vshll.u32 v7, $0x6;
	v11 =	vshll.u32 v9, $0x3  }
0x9e: {  	vm0 =	vge.u32 v6, v4;
	v7 =	vor.u32 v8, v7;
	v8 =	vand.u32 $0xF000, v10  }
0x9f: {  	vm0 =	vmand vm0, vm1;
	v7 =	vor.u32 v8, v7;
	v8 =	vor.u32 $0x1, v11  }
0xa0: {  	v10 =	vmpcnt.ones.xlane vm0;
	v12 =	vor.u32 $0x2, v11;
	[tilespmem:s8+$0x4800] =	vst.msk vm0, v7;
	v7 =	vadd.s32 v5, v9;
	v9 =	vpop (erf)  }
0xa1: {  	s12 =	sadd.s32 $0x20, s12;
	v13 =	vor.u32 $0x3, v11;
	[tilespmem:s8+$0x5010] =	vst.msk vm0, v6  }
0xa2: {  	s15 =	sadd.s32 $0xFFFFFFF0, s12;
	[tilespmem:s8+$0x5820] =	vst.msk vm0, v9;
	(v2sf) =	vpush v10, $0x0  }
0xa3: {  	v6 =	vor.u32 s15, v0;
	v14 =	vld.idx.msk [tilespmem:v11+s3+$0x0], $0xffff  }
0xa4: {  	v10 =	vshll.u32 v6, $0x3;
	v15 =	vld.idx.msk [tilespmem:v8+s3+$0x0], $0xffff  }
0xa5: {  	v9 =	vor.u32 $0x2, v10;
	v8 =	vor.u32 $0x1, v10;
	v12 =	vld.idx.msk [tilespmem:v12+s3+$0x0], $0xffff  }
0xa6: {  	v13 =	vld.idx.msk [tilespmem:v13+s3+$0x0], $0xffff  }
0xa7: {  	v11 =	vor.u32 $0x3, v10;
	v16 =	vld [tilespmem:s11+$0x0];
	_ =	sdelay $0x1  }
0xa8: {  	v14 =	vmul.f32 $6.400000000e+01, v14  }
0xa9: {  	v15 =	vmul.f32 $6.400000000e+01, v15  }
0xaa: {  	s11 =	sadd.s32 $0x20, s11;
	v14 =	vtrunc.f32 v14  }
0xab: {  	v12 =	vmul.f32 $6.400000000e+01, v12;
	v13 =	vmul.f32 v16, v13  }
0xac: {  	v14 =	vcvt.f32.s32 v14;
	v15 =	vtrunc.f32 v15  }
.Ltmp8:
0xad: {  	v12 =	vtrunc.f32 v12;
	(erf) = vrcp.f32 v13;
	(pc) =	sbr.rel @p1 .LBB2_7-.Ltmp8, $4  }
0xae: {  	vm0 =	vgt.s32 v14, $0x0;
	v13 =	vcvt.f32.s32 v15;
	v15 =	vcvt.f32.s32 v12  }
0xaf: {  	v12 =	vnsel vm0, $0x0, v14;
	vm0 =	vge.u32 v7, v4  }
0xb0: {  	v12 =	vmin.u32 v12, $0x3F;
	vm1 =	vgt.s32 v13, $0x0;
	vm2 =	vgt.s32 v15, $0x0;
	s15 =	spop (v2sf)  }
0xb1: {  	v14 =	vnsel vm1, $0x0, v13;
	v15 =	vnsel vm2, $0x0, v15;
	v13 =	vshll.u32 v12, $0xC  }
0xb2: {  	v14 =	vmin.u32 v14, $0x3F  }
0xb3: {  	v15 =	vmin.u32 v15, $0x3F;
	v12 =	vshrl.u32 v12, $0x4;
	v14 =	vshll.u32 v14, $0x6  }
0xb4: {  	v41 =	vand.u32 $0xF000, v13;
	vm1 =	veq.s32 v12, v3;
	v42 =	vor.u32 v15, v14  }
0xb5: {  	s8 =	sadd.s32 s8, s15;
	vm0 =	vmand vm0, vm1;
	v12 =	vor.u32 v41, v42  }
0xb6: {  	[tilespmem:s8+$0x4800] =	vst.msk vm0, v12  }
0xb7: {  	v43 =	vpop (erf);
	[tilespmem:s8+$0x5010] =	vst.msk vm0, v7  }
0xb8: {  	[tilespmem:s8+$0x5820] =	vst.msk vm0, v43  }
0xb9: {  	v10 =	vld.idx.msk [tilespmem:v10+s3+$0x0], $0xffff  }
0xba: {  	v44 =	vmpcnt.ones.xlane vm0;
	v12 =	vld [tilespmem:s11+$0xFFFFFFF0]  }
0xbb: {  	v45 =	vld.idx.msk [tilespmem:v11+s3+$0x0], $0xffff  }
0xbc: {  	(v2sf) =	vpush v44, $0x0;
	v8 =	vld.idx.msk [tilespmem:v8+s3+$0x0], $0xffff  }
0xbd: {  	v9 =	vld.idx.msk [tilespmem:v9+s3+$0x0], $0xffff;
	_ =	sdelay $0x2  }
0xbe: {  	v10 =	vmul.f32 $6.400000000e+01, v10  }
0xbf: {  	v7 =	vmul.f32 v12, v45;
	v8 =	vmul.f32 $6.400000000e+01, v8  }
0xc0: {  	v9 =	vmul.f32 $6.400000000e+01, v9;
	v10 =	vtrunc.f32 v10  }
0xc1: {  	v8 =	vtrunc.f32 v8;
	(erf) = vrcp.f32 v7  }
0xc2: {  	v9 =	vtrunc.f32 v9;
	v10 =	vcvt.f32.s32 v10  }
0xc3: {  	v50 =	vor.u32 s12, v0;
	v8 =	vcvt.f32.s32 v8;
	v9 =	vcvt.f32.s32 v9  }
0xc4: {  	v6 =	vadd.s32 v5, v6;
	v51 =	vshll.u32 v50, $0x3;
	vm7 =	vgt.s32 v10, $0x0  }
0xc5: {  	vm8 =	vgt.s32 v8, $0x0;
	vm9 =	vgt.s32 v9, $0x0;
	v46 =	vnsel vm7, $0x0, v10  }
0xc6: {  	v8 =	vnsel vm8, $0x0, v8;
	v49 =	vnsel vm9, $0x0, v9;
	v7 =	vmin.u32 v46, $0x3F  }
0xc7: {  	v48 =	vmin.u32 v8, $0x3F;
	v47 =	vshll.u32 v7, $0xC;
	v7 =	vshrl.u32 v7, $0x4  }
0xc8: {  	v8 =	vmin.u32 v49, $0x3F;
	vm10 =	veq.s32 v7, v3;
	v7 =	vshll.u32 v48, $0x6  }
0xc9: {  	vm11 =	vge.u32 v6, v4;
	s15 =	spop (v2sf);
	v52 =	vand.u32 $0xF000, v47;
	v7 =	vor.u32 v8, v7  }
0xca: {  	s8 =	sadd.s32 s8, s15;
	vm0 =	vmand vm11, vm10;
	v7 =	vor.u32 v52, v7  }
0xcb: {  	[tilespmem:s8+$0x4800] =	vst.msk vm0, v7  }
0xcc: {  	v53 =	vpop (erf);
	[tilespmem:s8+$0x5010] =	vst.msk vm0, v6  }
0xcd: {  	[tilespmem:s8+$0x5820] =	vst.msk vm0, v53  }
0xce: {  	v6 =	vld.idx.msk [tilespmem:v51+s3+$0x0], $0xffff;
	_ =	sdelay $0x4  }
0xcf: {  	v6 =	vmul.f32 $6.400000000e+01, v6;
	_ =	sdelay $0x1  }
0xd0: {  	v6 =	vtrunc.f32 v6  }
0xd1: {  	v6 =	vcvt.f32.s32 v6;
	_ =	sdelay $0x1  }
0xd2: {  	v54 =	vor.u32 $0x1, v51;
	vm12 =	vgt.s32 v6, $0x0  }
0xd3: {  	v55 =	vor.u32 $0x2, v51;
	v6 =	vnsel vm12, $0x0, v6  }
0xd4: {  	v56 =	vor.u32 $0x3, v51;
	v6 =	vmin.u32 v6, $0x3F  }
0xd5: {  	v5 =	vadd.s32 v5, v50;
	v57 =	vshrl.u32 v6, $0x4  }
0xd6: {  	vm13 =	vge.u32 v5, v4;
	v58 =	vmpcnt.ones.xlane vm0;
	vm14 =	veq.s32 v57, v3  }
0xd7: {  	v4 =	vld.idx.msk [tilespmem:v54+s3+$0x0], $0xffff;
	vm0 =	vmand vm13, vm14  }
0xd8: {  	(v2sf) =	vpush v58, $0x0;
	v59 =	vld.idx.msk [tilespmem:v55+s3+$0x0], $0xffff;
	v60 =	vmpcnt.ones.xlane vm0  }
0xd9: {  	v61 =	vld.idx.msk [tilespmem:v56+s3+$0x0], $0xffff  }
0xda: {  	v62 =	vld [tilespmem:s11+$0x0];
	(v2sf) =	vpush v60, $0x0;
	_ =	sdelay $0x2  }
0xdb: {  	v4 =	vmul.f32 $6.400000000e+01, v4  }
0xdc: {  	v7 =	vmul.f32 $6.400000000e+01, v59  }
0xdd: {  	v63 =	vmul.f32 v62, v61;
	v4 =	vtrunc.f32 v4  }
0xde: {  	v7 =	vtrunc.f32 v7;
	v4 =	vcvt.f32.s32 v4  }
0xdf: {  	(erf) = vrcp.f32 v63;
	v7 =	vcvt.f32.s32 v7  }
0xe0: {  	vm15 =	vgt.s32 v4, $0x0  }
0xe1: {  	vm2 =	vgt.s32 v7, $0x0;
	v4 =	vnsel vm15, $0x0, v4  }
0xe2: {  	v7 =	vnsel vm2, $0x0, v7;
	v4 =	vmin.u32 v4, $0x3F  }
0xe3: {  	v7 =	vmin.u32 v7, $0x3F;
	v6 =	vshll.u32 v6, $0xC;
	v4 =	vshll.u32 v4, $0x6  }
0xe4: {  	v6 =	vand.u32 $0xF000, v6;
	v4 =	vor.u32 v7, v4  }
0xe5: {  	s25 =	spop (v2sf);
	v4 =	vor.u32 v6, v4  }
0xe6: {  	s8 =	sadd.s32 s8, s25  }
0xe7: {  	[tilespmem:s8+$0x4800] =	vst.msk vm0, v4;
	s31 =	spop (v2sf)  }
0xe8: {  	[tilespmem:s8+$0x5010] =	vst.msk vm0, v5;
	v4 =	vpop (erf);
	s11 =	sadd.s32 s8, s31  }
0xe9: {  	[tilespmem:s8+$0x5820] =	vst.msk vm0, v4;
	[smem:$0x0] =	sst s11  }
.LBB2_9:
0xea: {  	s8 =	sld [smem:$0x8];
	_ =	sdelay $0x2  }
0xeb: {  	p1 =	sne.s32 s8, $0x1  }
.Ltmp9:
0xec: {  	_ = 	snop;
	(pc) =	sbr.rel @p1 .LBB2_13-.Ltmp9, $1  }
0xed: {  	_ =	sdelay $0x3  }
0xee: {  	_ =	swait.ge [sflag:s21], $0x4000  }
0xef: {  	[sflag:s21] =	ssyncset.done $0x0  }
0xf0: {  	s11 =	simm.s32 $0x6CB0;
	[sflag:s21] =	ssyncadd.s32 $0xFFFFC000  }
0xf1: {  	s13 =	simm.s32 $0x0;
	s8 =	simm.s32 $0x40;
	s12 =	simm.s32 $0x6CB0;
	v4 =	vld [tilespmem:s11+$0xFFFFFFB0]  }
.LBB2_11:
0xf2: {  	p1 =	sne.s32 s8, $0xFC0;
	v5 =	vld [tilespmem:s13+$0x6830]  }
0xf3: {  	v6 =	vld [tilespmem:s11+$0xFFFFFF90]  }
0xf4: {  	v7 =	vld [tilespmem:s11+$0xFFFFFF80]  }
0xf5: {  	v8 =	vld [tilespmem:s11+$0xFFFFFFA0]  }
0xf6: {  	v9 =	vld [tilespmem:s11+$0xFFFFFFF0]  }
0xf7: {  	v10 =	vbroadcast v5, $0x0;
	v11 =	vbroadcast v5, $0x1;
	v12 =	vld [tilespmem:s11+$0xFFFFFFD0]  }
0xf8: {  	v13 =	vbroadcast v5, $0x2;
	v14 =	vbroadcast v5, $0x3;
	v15 =	vld [tilespmem:s11+$0xFFFFFFC0]  }
0xf9: {  	v7 =	vmul.f32 v10, v7;
	v6 =	vmul.f32 v6, v11;
	v10 =	vld [tilespmem:s11+$0xFFFFFFE0]  }
0xfa: {  	v4 =	vmul.f32 v4, v14;
	v8 =	vmul.f32 v8, v13;
	v11 =	vld [tilespmem:s11+$0x30]  }
0xfb: {  	v13 =	vbroadcast v5, $0x5;
	[tilespmem:s11+$0xFFFFFF80] =	vst v7;
	v7 =	vbroadcast v5, $0x4;
	v14 =	vld [tilespmem:s11+$0x10]  }
0xfc: {  	v16 =	vbroadcast v5, $0x7;
	[tilespmem:s11+$0xFFFFFF90] =	vst v6;
	v6 =	vbroadcast v5, $0x6;
	v17 =	vld [tilespmem:s11+$0x0]  }
0xfd: {  	[tilespmem:s11+$0xFFFFFFA0] =	vst v8;
	v7 =	vmul.f32 v15, v7;
	v8 =	vmul.f32 v12, v13;
	v12 =	vld [tilespmem:s11+$0x20]  }
0xfe: {  	[tilespmem:s11+$0xFFFFFFB0] =	vst v4;
	v4 =	vmul.f32 v10, v6;
	v6 =	vmul.f32 v9, v16;
	v9 =	vld [tilespmem:s11+$0x70]  }
0xff: {  	v10 =	vbroadcast v5, $0x9;
	[tilespmem:s11+$0xFFFFFFC0] =	vst v7;
	v7 =	vbroadcast v5, $0x8;
	v13 =	vld [tilespmem:s11+$0x50]  }
0x100: {  	v15 =	vbroadcast v5, $0xB;
	[tilespmem:s11+$0xFFFFFFD0] =	vst v8;
	v8 =	vbroadcast v5, $0xA;
	v16 =	vld [tilespmem:s11+$0x40]  }
0x101: {  	[tilespmem:s11+$0xFFFFFFE0] =	vst v4;
	v4 =	vmul.f32 v17, v7;
	v7 =	vmul.f32 v14, v10;
	v10 =	vld [tilespmem:s11+$0x60]  }
0x102: {  	[tilespmem:s11+$0xFFFFFFF0] =	vst v6;
	v6 =	vmul.f32 v12, v8;
	v8 =	vmul.f32 v11, v15  }
0x103: {  	v11 =	vbroadcast v5, $0xD;
	[tilespmem:s11+$0x0] =	vst v4;
	v4 =	vbroadcast v5, $0xC  }
0x104: {  	[tilespmem:s11+$0x10] =	vst v7;
	v7 =	vbroadcast v5, $0xE;
	v5 =	vbroadcast v5, $0xF  }
0x105: {  	[tilespmem:s11+$0x20] =	vst v6;
	v4 =	vmul.f32 v16, v4;
	v6 =	vmul.f32 v13, v11  }
.Ltmp10:
0x106: {  	[tilespmem:s11+$0x30] =	vst v8;
	v7 =	vmul.f32 v10, v7;
	v5 =	vmul.f32 v9, v5;
	(pc) =	sbr.rel @p1 .LBB2_11-.Ltmp10, $4  }
0x107: {  	[tilespmem:s11+$0x40] =	vst v4  }
0x108: {  	[tilespmem:s11+$0x50] =	vst v6  }
0x109: {  	s11 =	sadd.s32 $0x100, s11;
	[tilespmem:s12+$0x60] =	vst v7  }
0x10a: {  	s13 =	sshra.s32 s8, $0x2;
	s8 =	sadd.s32 $0x40, s8;
	v4 =	vld [tilespmem:s11+$0xFFFFFFB0];
	[tilespmem:s12+$0x70] =	vst v5;
	s12 =	smov.u32 s11  }
0x10b: {  	v5 =	vld [tilespmem:s13+$0x6830];
	_ =	sdelay $0x1  }
0x10c: {  	v6 =	vld [tilespmem:s11+$0xFFFFFF80]  }
0x10d: {  	v7 =	vld [tilespmem:s11+$0xFFFFFF90]  }
0x10e: {  	v8 =	vld [tilespmem:s11+$0xFFFFFFA0]  }
0x10f: {  	v9 =	vbroadcast v5, $0x0  }
0x110: {  	v12 =	vld [tilespmem:s11+$0xFFFFFFD0];
	v10 =	vbroadcast v5, $0x1;
	v13 =	vbroadcast v5, $0x2  }
0x111: {  	v45 =	vld [tilespmem:s11+$0xFFFFFFE0];
	v44 =	vbroadcast v5, $0x3;
	v6 =	vmul.f32 v9, v6  }
0x112: {  	v49 =	vld [tilespmem:s11+$0x10];
	v46 =	vbroadcast v5, $0x4;
	v7 =	vmul.f32 v7, v10  }
0x113: {  	v11 =	vld [tilespmem:s11+$0xFFFFFFC0];
	v47 =	vbroadcast v5, $0x5;
	v8 =	vmul.f32 v8, v13;
	[tilespmem:s11+$0xFFFFFF80] =	vst v6  }
0x114: {  	v14 =	vld [tilespmem:s11+$0xFFFFFFF0];
	v15 =	vbroadcast v5, $0x6;
	v4 =	vmul.f32 v4, v44;
	[tilespmem:s11+$0xFFFFFF90] =	vst v7  }
0x115: {  	v51 =	vld [tilespmem:s11+$0x20];
	v53 =	vbroadcast v5, $0x9;
	v9 =	vmul.f32 v12, v47;
	[tilespmem:s11+$0xFFFFFFA0] =	vst v8  }
0x116: {  	v48 =	vld [tilespmem:s11+$0x0];
	v50 =	vbroadcast v5, $0x7;
	v10 =	vmul.f32 v45, v15;
	[tilespmem:s11+$0xFFFFFFB0] =	vst v4  }
0x117: {  	v55 =	vld [tilespmem:s11+$0x50];
	v52 =	vbroadcast v5, $0x8;
	v58 =	vmul.f32 v49, v53;
	[tilespmem:s11+$0xFFFFFFD0] =	vst v9  }
0x118: {  	v54 =	vld [tilespmem:s11+$0x40];
	v56 =	vbroadcast v5, $0xA;
	v6 =	vmul.f32 v11, v46;
	[tilespmem:s11+$0xFFFFFFE0] =	vst v10  }
0x119: {  	v57 =	vbroadcast v5, $0xB;
	v4 =	vld [tilespmem:s11+$0x30];
	v8 =	vmul.f32 v14, v50;
	[tilespmem:s11+$0x10] =	vst v58  }
0x11a: {  	v60 =	vld [tilespmem:s11+$0x70];
	v62 =	vbroadcast v5, $0xD;
	v11 =	vmul.f32 v51, v56;
	[tilespmem:s11+$0xFFFFFFC0] =	vst v6  }
0x11b: {  	v59 =	vld [tilespmem:s11+$0x60];
	v61 =	vbroadcast v5, $0xC;
	v6 =	vmul.f32 v48, v52;
	[tilespmem:s11+$0xFFFFFFF0] =	vst v8  }
0x11c: {  	v63 =	vbroadcast v5, $0xE;
	v7 =	vmul.f32 v55, v62;
	[tilespmem:s11+$0x20] =	vst v11  }
0x11d: {  	v5 =	vbroadcast v5, $0xF;
	[tilespmem:s11+$0x0] =	vst v6;
	v6 =	vmul.f32 v54, v61  }
0x11e: {  	[tilespmem:s11+$0x50] =	vst v7;
	v4 =	vmul.f32 v4, v57  }
0x11f: {  	v5 =	vmul.f32 v60, v5;
	[tilespmem:s11+$0x40] =	vst v6  }
0x120: {  	[tilespmem:s11+$0x30] =	vst v4;
	v4 =	vmul.f32 v59, v63  }
0x121: {  	[tilespmem:s12+$0x70] =	vst v5  }
0x122: {  	[tilespmem:s12+$0x60] =	vst v4  }
0x123: {  	[spmem:s2] =	stream.indirect.scatter.add.f32 [tilespmem:s24], [sflag:$0x4], $0x10, s23, s22, $0xb8;
	[tilespmem:$0x1FC30] =	vst v63  }
0x124: {  	_ =	swait.ge [sflag:s18], $0x4000  }
0x125: {  	[sflag:s18] =	ssyncset.done $0x0  }
0x126: {  	[sflag:s18] =	ssyncadd.s32 $0xFFFFC000  }
0x127: {  	[smem:$0x8] =	sst s3  }
.LBB2_13:
0x128: {  	s8 =	sld [smem:$0x0];
	_ =	sdelay $0x2  }
0x129: {  	p1 =	slt.s32 s8, $0x400  }
.Ltmp11:
0x12a: {  	_ = 	snop;
	(pc) =	sbr.rel @p1 .LBB2_24-.Ltmp11, $1  }
0x12b: {  	_ =	sdelay $0x3  }
0x12c: {  	s11 =	simm.s32 $0x0  }
0x12d: {  	v4 =	vld [tilespmem:s11+$0x5820]  }
0x12e: {  	v5 =	vld [tilespmem:s11+$0x4800]  }
0x12f: {  	s12 =	simm.s32 $0x40;
	v6 =	vld [tilespmem:s11+$0x5010]  }
.LBB2_15:
0x130: {  	p1 =	sne.s32 s12, $0xFC0  }
.Ltmp12:
0x131: {  	_ = 	snop;
	(pc) =	sbr.rel @p1 .LBB2_15-.Ltmp12, $4  }
0x132: {  	s13 =	sshra.s32 s12, $0x2;
	[tilespmem:s11+$0x6830] =	vst v4  }
0x133: {  	v4 =	vld [tilespmem:s13+$0x5820];
	[tilespmem:s11+$0x6030] =	vst v5  }
0x134: {  	v5 =	vld [tilespmem:s13+$0x4800];
	[tilespmem:s11+$0x6430] =	vst v6;
	s11 =	smov.u32 s13  }
0x135: {  	s12 =	sadd.s32 $0x40, s12;
	v6 =	vld [tilespmem:s11+$0x5010]  }
0x136: {  	p1 =	seq.s32 s8, $0x400  }
.Ltmp13:
0x137: {  	_ = 	snop;
	(pc) =	sbr.rel @p1 .LBB2_23-.Ltmp13, $4  }
0x138: {  	_ = 	snop  }
0x139: {  	[tilespmem:s11+$0x6830] =	vst v4  }
0x13a: {  	[tilespmem:s11+$0x6030] =	vst v5  }
0x13b: {  	[tilespmem:s11+$0x6430] =	vst v6  }
0x13c: {  	s11 =	sadd.s32 $0xFFFFFC0F, s8  }
0x13d: {  	s15 =	sshrl.u32 s11, $0x4  }
0x13e: {  	p2 =	sne.s32 s15, $0x1  }
.Ltmp14:
0x13f: {  	_ = 	snop;
	(pc) =	sbr.rel @!p2 .LBB2_18-.Ltmp14, $3  }
0x140: {  	_ =	sdelay $0x1  }
0x141: {  	s13 =	simm.s32 $0x4C00;
	s12 =	simm.s32 $0x5410  }
0x142: {  	p1 =	por $0x0, $0x0;
	s11 =	simm.s32 $0x5C20;
	v4 =	vld [tilespmem:s13+$0x0];
	s15 =	sadd.s32 $0xFFFFFFFF, s15  }
0x143: {  	_ =	sdelay $0x3  }
0x144: {  	[tilespmem:s13+$0xFFFFFC00] =	vst v4  }
0x145: {  	v4 =	vld [tilespmem:s12+$0x0];
	_ =	sdelay $0x4  }
0x146: {  	[tilespmem:s12+$0xFFFFFC00] =	vst v4  }
0x147: {  	v4 =	vld [tilespmem:s11+$0x0]  }
0x148: {  	p2 =	sne.s32 s15, $0x1  }
.Ltmp15:
0x149: {  	_ = 	snop;
	(pc) =	sbr.rel @!p2 .LBB2_20-.Ltmp15, $3  }
0x14a: {  	_ =	sdelay $0x1  }
0x14b: {  	s31 =	sadd.s32 $0xFFFFFFFF, s15;
	s13 =	simm.s32 $0x4C10;
	[tilespmem:s11+$0xFFFFFC00] =	vst v4  }
0x14c: {  	p1 =	por $0x1, $0x1;
	s25 =	simm.s32 $0x5410;
	s15 =	simm.s32 $0x5C20;
	v4 =	vld [tilespmem:s13+$0x0]  }
.LBB2_21:
0x14d: {  	p2 =	sne.s32 s31, $0x1;
	_ =	sdelay $0x3  }
0x14e: {  	s25 =	sadd.s32 $0x10, s25;
	[tilespmem:s13+$0xFFFFFC00] =	vst v4  }
0x14f: {  	v4 =	vld [tilespmem:s25+$0x0];
	_ =	sdelay $0x4  }
0x150: {  	s15 =	sadd.s32 $0x10, s15;
	[tilespmem:s25+$0xFFFFFC00] =	vst v4  }
0x151: {  	v4 =	vld [tilespmem:s15+$0x0];
	_ =	sdelay $0x1  }
.Ltmp16:
0x152: {  	(pc) =	sbr.rel @p2 .LBB2_21-.Ltmp16, $3  }
0x153: {  	_ =	sdelay $0x1  }
0x154: {  	s13 =	sadd.s32 $0x10, s13;
	[tilespmem:s15+$0xFFFFFC00] =	vst v4  }
0x155: {  	s31 =	sadd.s32 $0xFFFFFFFF, s31;
	v4 =	vld [tilespmem:s13+$0x0]  }
.LBB2_22:
0x156: {  	_ =	sdelay $0x2  }
0x157: {  	s25 =	sadd.s32 @p1 $0x10, s25  }
0x158: {  	s12 =	smov.u32 @p1 s25;
	[tilespmem:s13+$0xFFFFFC00] =	vst v4  }
0x159: {  	v4 =	vld [tilespmem:s12+$0x0];
	_ =	sdelay $0x3  }
0x15a: {  	s13 =	sadd.s32 @p1 $0x10, s15  }
0x15b: {  	s11 =	smov.u32 @p1 s13;
	[tilespmem:s12+$0xFFFFFC00] =	vst v4  }
0x15c: {  	v4 =	vld [tilespmem:s11+$0x0];
	_ =	sdelay $0x4  }
0x15d: {  	[tilespmem:s11+$0xFFFFFC00] =	vst v4  }
.LBB2_23:
0x15e: {  	s8 =	sadd.s32 $0xFFFFFC00, s8  }
0x15f: {  	[smem:$0x0] =	sst s8  }
0x160: {  	s8 =	sld [smem:$0x10];
	_ =	sdelay $0x2  }
0x161: {  	s8 =	smul.u32 $0x7A1200, s8;
	_ =	sdelay $0x1  }
0x162: {  	s8 =	sshrl.u32 s8, $0x3  }
0x163: {  	[smem:$0x8] =	sst s20;
	s8 =	sadd.s32 s6, s8  }
0x164: {  	[tilespmem:s24], [sflag:$0x3] =	stream.indirect.gather [hbm4b:s8+s22], $0x10, s26, s22, $0xb8;
	[tilespmem:$0x1FC30] =	vst v63  }
.LBB2_24:
0x165: {  	s8 =	sadd.s32 s14, s10  }
0x166: {  	p1 =	sgt.u32 s8, $0x1E8  }
0x167: {  	s8 =	sshll.u32 @!p1 s8, $0xA  }
0x168: {  	s8 =	smin.u32 @!p1 s8, $0x79D20  }
.Ltmp17:
0x169: {  	s8 =	sadd.s32 @!p1 s19, s8;
	(pc) =	sbr.rel @p0 .LBB2_28-.Ltmp17, $4  }
0x16a: {  	s11 =	simm.s32 @!p1 $0x0;
	s10 =	sadd.s32 @!p1 s5, s8;
	s8 =	sshrl.u32 @!p1 s8, $0x3  }
0x16b: {  	[tilespmem:s11], [sflag:$0x1] =	stream.linear.gather @!p1 [hbm4b:s10+s11], $0x2000, $0x38;
	[tilespmem:$0x1FC30] =	vst v63  }
0x16c: {  	s8 =	sadd.s32 @!p1 s7, s8;
	s10 =	simm.s32 @!p1 $0x4000  }
0x16d: {  	[tilespmem:s10], [sflag:$0x1] =	stream.linear.gather @!p1 [hbm4b:s8+s11], $0x400, $0x38;
	[tilespmem:$0x1FC30] =	vst v63  }
0x16e: {  	s8 =	simm.s32 $0x0;
	_ =	swait.ge [sflag:s28], $0x2000  }
0x16f: {  	v6 =	vor.u32 s8, v0;
	[sflag:s28] =	ssyncset.done $0x0  }
0x170: {  	v4 =	vshll.u32 v6, $0x3;
	[sflag:s28] =	ssyncadd.s32 $0xFFFFE000  }
0x171: {  	_ =	swait.ge [sflag:s28], $0x400;
	v5 =	vor.u32 $0x3, v4  }
0x172: {  	v7 =	vor.u32 $0x1, v4;
	[sflag:s28] =	ssyncset.done $0x0  }
0x173: {  	s10 =	simm.s32 $0x4410;
	v8 =	vor.u32 $0x2, v4;
	[sflag:s28] =	ssyncadd.s32 $0xFFFFFC00  }
0x174: {  	v9 =	vld [tilespmem:s10+$0xFFFFFFF0]  }
0x175: {  	v4 =	vld.idx.msk [tilespmem:v4+s29+$0x0], $0xffff  }
0x176: {  	v5 =	vld.idx.msk [tilespmem:v5+s29+$0x0], $0xffff  }
0x177: {  	v7 =	vld.idx.msk [tilespmem:v7+s29+$0x0], $0xffff  }
0x178: {  	v8 =	vld.idx.msk [tilespmem:v8+s29+$0x0], $0xffff;
	_ =	sdelay $0x2  }
0x179: {  	v4 =	vmul.f32 $6.400000000e+01, v4  }
0x17a: {  	s15 =	sshll.u32 s9, $0xA;
	v9 =	vmul.f32 v9, v5;
	v7 =	vmul.f32 $6.400000000e+01, v7  }
0x17b: {  	s9 =	smin.u32 s15, $0x79D20;
	v8 =	vmul.f32 $6.400000000e+01, v8;
	v4 =	vtrunc.f32 v4  }
0x17c: {  	v5 =	vmov s9;
	v10 =	vcvt.f32.s32 v4;
	v7 =	vtrunc.f32 v7  }
0x17d: {  	v6 =	vadd.s32 v5, v6;
	v8 =	vtrunc.f32 v8;
	v7 =	vcvt.f32.s32 v7  }
0x17e: {  	(erf) = vrcp.f32 v9;
	v8 =	vcvt.f32.s32 v8;
	vm0 =	vgt.s32 v10, $0x0  }
0x17f: {  	v4 =	vmov s15;
	v9 =	vnsel vm0, $0x0, v10;
	vm0 =	vgt.s32 v7, $0x0  }
0x180: {  	v9 =	vmin.u32 v9, $0x3F;
	v7 =	vnsel vm0, $0x0, v7;
	vm0 =	vgt.s32 v8, $0x0  }
0x181: {  	v10 =	vshll.u32 v9, $0xC;
	v9 =	vshrl.u32 v9, $0x4;
	v7 =	vmin.u32 v7, $0x3F  }
0x182: {  	s25 =	simm.s32 $0x10;
	v8 =	vnsel vm0, $0x0, v8;
	vm0 =	vge.u32 v6, v4;
	vm1 =	veq.s32 v9, v3  }
0x183: {  	s8 =	sld [smem:$0x0];
	v9 =	vor.u32 s25, v0;
	v8 =	vmin.u32 v8, $0x3F;
	v7 =	vshll.u32 v7, $0x6  }
0x184: {  	v11 =	vshll.u32 v9, $0x3;
	v7 =	vor.u32 v8, v7;
	v8 =	vand.u32 $0xF000, v10  }
0x185: {  	vm0 =	vmand vm0, vm1;
	v7 =	vor.u32 v8, v7  }
0x186: {  	v8 =	vor.u32 $0x1, v11;
	[tilespmem:s8+$0x4800] =	vst.msk vm0, v7  }
0x187: {  	v10 =	vor.u32 $0x2, v11;
	v7 =	vmpcnt.ones.xlane vm0;
	v12 =	vpop (erf);
	[tilespmem:s8+$0x5010] =	vst.msk vm0, v6  }
0x188: {  	v6 =	vor.u32 $0x3, v11;
	[tilespmem:s8+$0x5820] =	vst.msk vm0, v12  }
0x189: {  	(v2sf) =	vpush v7, $0x0;
	v7 =	vld.idx.msk [tilespmem:v11+s29+$0x0], $0xffff  }
0x18a: {  	v13 =	vld [tilespmem:s10+$0x0]  }
0x18b: {  	v8 =	vld.idx.msk [tilespmem:v8+s29+$0x0], $0xffff  }
0x18c: {  	v11 =	vld.idx.msk [tilespmem:v10+s29+$0x0], $0xffff  }
0x18d: {  	v12 =	vld.idx.msk [tilespmem:v6+s29+$0x0], $0xffff;
	_ =	sdelay $0x1  }
0x18e: {  	s31 =	simm.s32 $0x20  }
0x18f: {  	v6 =	vor.u32 s31, v0;
	v14 =	vmul.f32 $6.400000000e+01, v7  }
0x190: {  	v10 =	vshll.u32 v6, $0x3;
	v15 =	vmul.f32 $6.400000000e+01, v8;
	v16 =	vmul.f32 $6.400000000e+01, v11  }
0x191: {  	v7 =	vadd.s32 v5, v9;
	v14 =	vtrunc.f32 v14;
	v12 =	vmul.f32 v13, v12  }
0x192: {  	v9 =	vor.u32 $0x2, v10;
	v13 =	vcvt.f32.s32 v14;
	v14 =	vtrunc.f32 v15  }
0x193: {  	v8 =	vor.u32 $0x1, v10;
	v15 =	vtrunc.f32 v16;
	(erf) = vrcp.f32 v12  }
0x194: {  	v14 =	vcvt.f32.s32 v14;
	v15 =	vcvt.f32.s32 v15;
	vm0 =	vgt.s32 v13, $0x0  }
0x195: {  	v11 =	vor.u32 $0x3, v10;
	v12 =	vnsel vm0, $0x0, v13;
	vm0 =	vge.u32 v7, v4  }
0x196: {  	s11 =	simm.s32 $0x2;
	vm1 =	vgt.s32 v14, $0x0;
	vm2 =	vgt.s32 v15, $0x0;
	v12 =	vmin.u32 v12, $0x3F  }
0x197: {  	s9 =	simm.s32 $0x4430;
	s10 =	simm.s32 $0x30;
	v14 =	vnsel vm1, $0x0, v14;
	v15 =	vnsel vm2, $0x0, v15;
	v13 =	vshll.u32 v12, $0xC;
	s12 =	spop (v2sf)  }
.LBB2_26:
0x198: {  	s11 =	sadd.s32 $0x2, s11;
	v14 =	vmin.u32 v14, $0x3F;
	v15 =	vmin.u32 v15, $0x3F;
	v12 =	vshrl.u32 v12, $0x4  }
0x199: {  	p0 =	slt.u32 s11, $0x3E;
	v14 =	vshll.u32 v14, $0x6;
	vm1 =	veq.s32 v12, v3;
	v12 =	vand.u32 $0xF000, v13  }
0x19a: {  	s8 =	sadd.s32 s8, s12;
	v13 =	vor.u32 v15, v14;
	vm0 =	vmand vm0, vm1  }
0x19b: {  	v14 =	vor.u32 v12, v13;
	v13 =	vmpcnt.ones.xlane vm0  }
0x19c: {  	[tilespmem:s8+$0x4800] =	vst.msk vm0, v14;
	v12 =	vpop (erf)  }
0x19d: {  	[tilespmem:s8+$0x5010] =	vst.msk vm0, v7;
	(v2sf) =	vpush v13, $0x0  }
0x19e: {  	[tilespmem:s8+$0x5820] =	vst.msk vm0, v12  }
0x19f: {  	v7 =	vld.idx.msk [tilespmem:v10+s29+$0x0], $0xffff  }
0x1a0: {  	v10 =	vld [tilespmem:s9+$0xFFFFFFF0]  }
0x1a1: {  	v11 =	vld.idx.msk [tilespmem:v11+s29+$0x0], $0xffff  }
0x1a2: {  	v8 =	vld.idx.msk [tilespmem:v8+s29+$0x0], $0xffff  }
0x1a3: {  	v9 =	vld.idx.msk [tilespmem:v9+s29+$0x0], $0xffff;
	_ =	sdelay $0x1  }
0x1a4: {  	v7 =	vmul.f32 $6.400000000e+01, v7;
	_ =	sdelay $0x1  }
0x1a5: {  	v7 =	vtrunc.f32 v7;
	v10 =	vmul.f32 v10, v11  }
0x1a6: {  	v7 =	vcvt.f32.s32 v7;
	v8 =	vmul.f32 $6.400000000e+01, v8  }
0x1a7: {  	v9 =	vmul.f32 $6.400000000e+01, v9  }
0x1a8: {  	vm0 =	vgt.s32 v7, $0x0;
	v8 =	vtrunc.f32 v8;
	(erf) = vrcp.f32 v10  }
0x1a9: {  	v7 =	vnsel vm0, $0x0, v7;
	v8 =	vcvt.f32.s32 v8;
	v9 =	vtrunc.f32 v9  }
0x1aa: {  	v6 =	vadd.s32 v5, v6;
	v7 =	vmin.u32 v7, $0x3F;
	v9 =	vcvt.f32.s32 v9;
	s12 =	spop (v2sf)  }
0x1ab: {  	vm0 =	vgt.s32 v8, $0x0;
	v10 =	vshll.u32 v7, $0xC;
	v7 =	vshrl.u32 v7, $0x4;
	s8 =	sadd.s32 s8, s12  }
0x1ac: {  	v8 =	vnsel vm0, $0x0, v8;
	vm0 =	vgt.s32 v9, $0x0;
	vm1 =	veq.s32 v7, v3  }
0x1ad: {  	v7 =	vmin.u32 v8, $0x3F;
	v8 =	vnsel vm0, $0x0, v9;
	v9 =	vor.u32 s10, v0  }
0x1ae: {  	v8 =	vmin.u32 v8, $0x3F;
	v7 =	vshll.u32 v7, $0x6;
	v11 =	vshll.u32 v9, $0x3  }
0x1af: {  	vm0 =	vge.u32 v6, v4;
	v7 =	vor.u32 v8, v7;
	v8 =	vand.u32 $0xF000, v10  }
0x1b0: {  	vm0 =	vmand vm0, vm1;
	v7 =	vor.u32 v8, v7;
	v8 =	vor.u32 $0x1, v11  }
0x1b1: {  	v10 =	vmpcnt.ones.xlane vm0;
	v12 =	vor.u32 $0x2, v11;
	[tilespmem:s8+$0x4800] =	vst.msk vm0, v7;
	v7 =	vadd.s32 v5, v9;
	v9 =	vpop (erf)  }
0x1b2: {  	s10 =	sadd.s32 $0x20, s10;
	v13 =	vor.u32 $0x3, v11;
	[tilespmem:s8+$0x5010] =	vst.msk vm0, v6  }
0x1b3: {  	s12 =	sadd.s32 $0xFFFFFFF0, s10;
	[tilespmem:s8+$0x5820] =	vst.msk vm0, v9;
	(v2sf) =	vpush v10, $0x0  }
0x1b4: {  	v6 =	vor.u32 s12, v0;
	v14 =	vld.idx.msk [tilespmem:v11+s29+$0x0], $0xffff  }
0x1b5: {  	v10 =	vshll.u32 v6, $0x3;
	v15 =	vld.idx.msk [tilespmem:v8+s29+$0x0], $0xffff  }
0x1b6: {  	v9 =	vor.u32 $0x2, v10;
	v8 =	vor.u32 $0x1, v10;
	v12 =	vld.idx.msk [tilespmem:v12+s29+$0x0], $0xffff  }
0x1b7: {  	v13 =	vld.idx.msk [tilespmem:v13+s29+$0x0], $0xffff  }
0x1b8: {  	v11 =	vor.u32 $0x3, v10;
	v16 =	vld [tilespmem:s9+$0x0];
	_ =	sdelay $0x1  }
0x1b9: {  	v14 =	vmul.f32 $6.400000000e+01, v14  }
0x1ba: {  	v15 =	vmul.f32 $6.400000000e+01, v15  }
0x1bb: {  	s9 =	sadd.s32 $0x20, s9;
	v14 =	vtrunc.f32 v14  }
0x1bc: {  	v12 =	vmul.f32 $6.400000000e+01, v12;
	v13 =	vmul.f32 v16, v13  }
0x1bd: {  	v14 =	vcvt.f32.s32 v14;
	v15 =	vtrunc.f32 v15  }
.Ltmp18:
0x1be: {  	v12 =	vtrunc.f32 v12;
	(erf) = vrcp.f32 v13;
	(pc) =	sbr.rel @p0 .LBB2_26-.Ltmp18, $4  }
0x1bf: {  	vm0 =	vgt.s32 v14, $0x0;
	v13 =	vcvt.f32.s32 v15;
	v15 =	vcvt.f32.s32 v12  }
0x1c0: {  	v12 =	vnsel vm0, $0x0, v14;
	vm0 =	vge.u32 v7, v4  }
0x1c1: {  	v12 =	vmin.u32 v12, $0x3F;
	vm1 =	vgt.s32 v13, $0x0;
	vm2 =	vgt.s32 v15, $0x0;
	s12 =	spop (v2sf)  }
0x1c2: {  	v14 =	vnsel vm1, $0x0, v13;
	v15 =	vnsel vm2, $0x0, v15;
	v13 =	vshll.u32 v12, $0xC  }
0x1c3: {  	v14 =	vmin.u32 v14, $0x3F  }
0x1c4: {  	v15 =	vmin.u32 v15, $0x3F;
	v12 =	vshrl.u32 v12, $0x4;
	v14 =	vshll.u32 v14, $0x6  }
0x1c5: {  	v41 =	vand.u32 $0xF000, v13;
	vm1 =	veq.s32 v12, v3;
	v42 =	vor.u32 v15, v14  }
0x1c6: {  	s8 =	sadd.s32 s8, s12;
	vm0 =	vmand vm0, vm1;
	v12 =	vor.u32 v41, v42  }
0x1c7: {  	[tilespmem:s8+$0x4800] =	vst.msk vm0, v12  }
0x1c8: {  	v43 =	vpop (erf);
	[tilespmem:s8+$0x5010] =	vst.msk vm0, v7  }
0x1c9: {  	[tilespmem:s8+$0x5820] =	vst.msk vm0, v43  }
0x1ca: {  	v10 =	vld.idx.msk [tilespmem:v10+s29+$0x0], $0xffff  }
0x1cb: {  	v44 =	vmpcnt.ones.xlane vm0;
	v12 =	vld [tilespmem:s9+$0xFFFFFFF0]  }
0x1cc: {  	v45 =	vld.idx.msk [tilespmem:v11+s29+$0x0], $0xffff  }
0x1cd: {  	(v2sf) =	vpush v44, $0x0;
	v8 =	vld.idx.msk [tilespmem:v8+s29+$0x0], $0xffff  }
0x1ce: {  	v9 =	vld.idx.msk [tilespmem:v9+s29+$0x0], $0xffff;
	_ =	sdelay $0x2  }
0x1cf: {  	v10 =	vmul.f32 $6.400000000e+01, v10  }
0x1d0: {  	v7 =	vmul.f32 v12, v45;
	v8 =	vmul.f32 $6.400000000e+01, v8  }
0x1d1: {  	v9 =	vmul.f32 $6.400000000e+01, v9;
	v10 =	vtrunc.f32 v10  }
0x1d2: {  	v8 =	vtrunc.f32 v8;
	(erf) = vrcp.f32 v7  }
0x1d3: {  	v9 =	vtrunc.f32 v9;
	v10 =	vcvt.f32.s32 v10  }
0x1d4: {  	v50 =	vor.u32 s10, v0;
	v8 =	vcvt.f32.s32 v8;
	v9 =	vcvt.f32.s32 v9  }
0x1d5: {  	v6 =	vadd.s32 v5, v6;
	v51 =	vshll.u32 v50, $0x3;
	vm7 =	vgt.s32 v10, $0x0  }
0x1d6: {  	vm8 =	vgt.s32 v8, $0x0;
	vm9 =	vgt.s32 v9, $0x0;
	v46 =	vnsel vm7, $0x0, v10  }
0x1d7: {  	v8 =	vnsel vm8, $0x0, v8;
	v49 =	vnsel vm9, $0x0, v9;
	v7 =	vmin.u32 v46, $0x3F  }
0x1d8: {  	v48 =	vmin.u32 v8, $0x3F;
	v47 =	vshll.u32 v7, $0xC;
	v7 =	vshrl.u32 v7, $0x4  }
0x1d9: {  	v8 =	vmin.u32 v49, $0x3F;
	vm10 =	veq.s32 v7, v3;
	v7 =	vshll.u32 v48, $0x6  }
0x1da: {  	vm11 =	vge.u32 v6, v4;
	s15 =	spop (v2sf);
	v52 =	vand.u32 $0xF000, v47;
	v7 =	vor.u32 v8, v7  }
0x1db: {  	s8 =	sadd.s32 s8, s15;
	vm0 =	vmand vm11, vm10;
	v7 =	vor.u32 v52, v7  }
0x1dc: {  	[tilespmem:s8+$0x4800] =	vst.msk vm0, v7  }
0x1dd: {  	v53 =	vpop (erf);
	[tilespmem:s8+$0x5010] =	vst.msk vm0, v6  }
0x1de: {  	[tilespmem:s8+$0x5820] =	vst.msk vm0, v53  }
0x1df: {  	v6 =	vld.idx.msk [tilespmem:v51+s29+$0x0], $0xffff;
	_ =	sdelay $0x4  }
0x1e0: {  	v6 =	vmul.f32 $6.400000000e+01, v6;
	_ =	sdelay $0x1  }
0x1e1: {  	v6 =	vtrunc.f32 v6  }
0x1e2: {  	v6 =	vcvt.f32.s32 v6;
	_ =	sdelay $0x1  }
0x1e3: {  	v54 =	vor.u32 $0x1, v51;
	vm12 =	vgt.s32 v6, $0x0  }
0x1e4: {  	v55 =	vor.u32 $0x2, v51;
	v6 =	vnsel vm12, $0x0, v6  }
0x1e5: {  	v56 =	vor.u32 $0x3, v51;
	v6 =	vmin.u32 v6, $0x3F  }
0x1e6: {  	v5 =	vadd.s32 v5, v50;
	v57 =	vshrl.u32 v6, $0x4  }
0x1e7: {  	vm13 =	vge.u32 v5, v4;
	v58 =	vmpcnt.ones.xlane vm0;
	vm14 =	veq.s32 v57, v3  }
0x1e8: {  	v4 =	vld.idx.msk [tilespmem:v54+s29+$0x0], $0xffff;
	vm0 =	vmand vm13, vm14  }
0x1e9: {  	(v2sf) =	vpush v58, $0x0;
	v59 =	vld.idx.msk [tilespmem:v55+s29+$0x0], $0xffff;
	v60 =	vmpcnt.ones.xlane vm0  }
0x1ea: {  	v61 =	vld.idx.msk [tilespmem:v56+s29+$0x0], $0xffff  }
0x1eb: {  	v62 =	vld [tilespmem:s9+$0x0];
	(v2sf) =	vpush v60, $0x0;
	_ =	sdelay $0x2  }
0x1ec: {  	v4 =	vmul.f32 $6.400000000e+01, v4  }
0x1ed: {  	v7 =	vmul.f32 $6.400000000e+01, v59  }
0x1ee: {  	v63 =	vmul.f32 v62, v61;
	v4 =	vtrunc.f32 v4  }
0x1ef: {  	v7 =	vtrunc.f32 v7;
	v4 =	vcvt.f32.s32 v4  }
0x1f0: {  	(erf) = vrcp.f32 v63;
	v7 =	vcvt.f32.s32 v7  }
0x1f1: {  	vm15 =	vgt.s32 v4, $0x0  }
0x1f2: {  	vm2 =	vgt.s32 v7, $0x0;
	v4 =	vnsel vm15, $0x0, v4  }
0x1f3: {  	v7 =	vnsel vm2, $0x0, v7;
	v4 =	vmin.u32 v4, $0x3F  }
0x1f4: {  	v7 =	vmin.u32 v7, $0x3F;
	v6 =	vshll.u32 v6, $0xC;
	v4 =	vshll.u32 v4, $0x6  }
0x1f5: {  	v6 =	vand.u32 $0xF000, v6;
	v4 =	vor.u32 v7, v4  }
0x1f6: {  	s25 =	spop (v2sf);
	v4 =	vor.u32 v6, v4  }
0x1f7: {  	s8 =	sadd.s32 s8, s25  }
0x1f8: {  	[tilespmem:s8+$0x4800] =	vst.msk vm0, v4;
	s31 =	spop (v2sf)  }
0x1f9: {  	[tilespmem:s8+$0x5010] =	vst.msk vm0, v5;
	v4 =	vpop (erf);
	s9 =	sadd.s32 s8, s31  }
0x1fa: {  	[tilespmem:s8+$0x5820] =	vst.msk vm0, v4;
	[smem:$0x0] =	sst s9  }
.LBB2_28:
0x1fb: {  	s8 =	sld [smem:$0x8];
	_ =	sdelay $0x2  }
0x1fc: {  	p0 =	sne.s32 s8, $0x1  }
.Ltmp19:
0x1fd: {  	_ = 	snop;
	(pc) =	sbr.rel @p0 .LBB2_32-.Ltmp19, $1  }
0x1fe: {  	_ =	sdelay $0x3  }
0x1ff: {  	_ =	swait.ge [sflag:s21], $0x4000  }
0x200: {  	[sflag:s21] =	ssyncset.done $0x0  }
0x201: {  	s9 =	simm.s32 $0x6CB0;
	[sflag:s21] =	ssyncadd.s32 $0xFFFFC000  }
0x202: {  	s11 =	simm.s32 $0x0;
	s8 =	simm.s32 $0x40;
	s10 =	simm.s32 $0x6CB0;
	v4 =	vld [tilespmem:s9+$0xFFFFFFB0]  }
.LBB2_30:
0x203: {  	p0 =	sne.s32 s8, $0xFC0;
	v5 =	vld [tilespmem:s11+$0x6830]  }
0x204: {  	v6 =	vld [tilespmem:s9+$0xFFFFFF90]  }
0x205: {  	v7 =	vld [tilespmem:s9+$0xFFFFFF80]  }
0x206: {  	v8 =	vld [tilespmem:s9+$0xFFFFFFA0]  }
0x207: {  	v9 =	vld [tilespmem:s9+$0xFFFFFFF0]  }
0x208: {  	v10 =	vbroadcast v5, $0x0;
	v11 =	vbroadcast v5, $0x1;
	v12 =	vld [tilespmem:s9+$0xFFFFFFD0]  }
0x209: {  	v13 =	vbroadcast v5, $0x2;
	v14 =	vbroadcast v5, $0x3;
	v15 =	vld [tilespmem:s9+$0xFFFFFFC0]  }
0x20a: {  	v7 =	vmul.f32 v10, v7;
	v6 =	vmul.f32 v6, v11;
	v10 =	vld [tilespmem:s9+$0xFFFFFFE0]  }
0x20b: {  	v4 =	vmul.f32 v4, v14;
	v8 =	vmul.f32 v8, v13;
	v11 =	vld [tilespmem:s9+$0x30]  }
0x20c: {  	v13 =	vbroadcast v5, $0x5;
	[tilespmem:s9+$0xFFFFFF80] =	vst v7;
	v7 =	vbroadcast v5, $0x4;
	v14 =	vld [tilespmem:s9+$0x10]  }
0x20d: {  	v16 =	vbroadcast v5, $0x7;
	[tilespmem:s9+$0xFFFFFF90] =	vst v6;
	v6 =	vbroadcast v5, $0x6;
	v17 =	vld [tilespmem:s9+$0x0]  }
0x20e: {  	[tilespmem:s9+$0xFFFFFFA0] =	vst v8;
	v7 =	vmul.f32 v15, v7;
	v8 =	vmul.f32 v12, v13;
	v12 =	vld [tilespmem:s9+$0x20]  }
0x20f: {  	[tilespmem:s9+$0xFFFFFFB0] =	vst v4;
	v4 =	vmul.f32 v10, v6;
	v6 =	vmul.f32 v9, v16;
	v9 =	vld [tilespmem:s9+$0x70]  }
0x210: {  	v10 =	vbroadcast v5, $0x9;
	[tilespmem:s9+$0xFFFFFFC0] =	vst v7;
	v7 =	vbroadcast v5, $0x8;
	v13 =	vld [tilespmem:s9+$0x50]  }
0x211: {  	v15 =	vbroadcast v5, $0xB;
	[tilespmem:s9+$0xFFFFFFD0] =	vst v8;
	v8 =	vbroadcast v5, $0xA;
	v16 =	vld [tilespmem:s9+$0x40]  }
0x212: {  	[tilespmem:s9+$0xFFFFFFE0] =	vst v4;
	v4 =	vmul.f32 v17, v7;
	v7 =	vmul.f32 v14, v10;
	v10 =	vld [tilespmem:s9+$0x60]  }
0x213: {  	[tilespmem:s9+$0xFFFFFFF0] =	vst v6;
	v6 =	vmul.f32 v12, v8;
	v8 =	vmul.f32 v11, v15  }
0x214: {  	v11 =	vbroadcast v5, $0xD;
	[tilespmem:s9+$0x0] =	vst v4;
	v4 =	vbroadcast v5, $0xC  }
0x215: {  	[tilespmem:s9+$0x10] =	vst v7;
	v7 =	vbroadcast v5, $0xE;
	v5 =	vbroadcast v5, $0xF  }
0x216: {  	[tilespmem:s9+$0x20] =	vst v6;
	v4 =	vmul.f32 v16, v4;
	v6 =	vmul.f32 v13, v11  }
.Ltmp20:
0x217: {  	[tilespmem:s9+$0x30] =	vst v8;
	v7 =	vmul.f32 v10, v7;
	v5 =	vmul.f32 v9, v5;
	(pc) =	sbr.rel @p0 .LBB2_30-.Ltmp20, $4  }
0x218: {  	[tilespmem:s9+$0x40] =	vst v4  }
0x219: {  	[tilespmem:s9+$0x50] =	vst v6  }
0x21a: {  	s9 =	sadd.s32 $0x100, s9;
	[tilespmem:s10+$0x60] =	vst v7  }
0x21b: {  	s11 =	sshra.s32 s8, $0x2;
	s8 =	sadd.s32 $0x40, s8;
	v4 =	vld [tilespmem:s9+$0xFFFFFFB0];
	[tilespmem:s10+$0x70] =	vst v5;
	s10 =	smov.u32 s9  }
0x21c: {  	v5 =	vld [tilespmem:s11+$0x6830];
	_ =	sdelay $0x1  }
0x21d: {  	v6 =	vld [tilespmem:s9+$0xFFFFFF80]  }
0x21e: {  	v7 =	vld [tilespmem:s9+$0xFFFFFF90]  }
0x21f: {  	v8 =	vld [tilespmem:s9+$0xFFFFFFA0]  }
0x220: {  	v9 =	vbroadcast v5, $0x0  }
0x221: {  	v12 =	vld [tilespmem:s9+$0xFFFFFFD0];
	v10 =	vbroadcast v5, $0x1;
	v13 =	vbroadcast v5, $0x2  }
0x222: {  	v45 =	vld [tilespmem:s9+$0xFFFFFFE0];
	v44 =	vbroadcast v5, $0x3;
	v6 =	vmul.f32 v9, v6  }
0x223: {  	v49 =	vld [tilespmem:s9+$0x10];
	v46 =	vbroadcast v5, $0x4;
	v7 =	vmul.f32 v7, v10  }
0x224: {  	v11 =	vld [tilespmem:s9+$0xFFFFFFC0];
	v47 =	vbroadcast v5, $0x5;
	v8 =	vmul.f32 v8, v13;
	[tilespmem:s9+$0xFFFFFF80] =	vst v6  }
0x225: {  	v14 =	vld [tilespmem:s9+$0xFFFFFFF0];
	v15 =	vbroadcast v5, $0x6;
	v4 =	vmul.f32 v4, v44;
	[tilespmem:s9+$0xFFFFFF90] =	vst v7  }
0x226: {  	v51 =	vld [tilespmem:s9+$0x20];
	v53 =	vbroadcast v5, $0x9;
	v9 =	vmul.f32 v12, v47;
	[tilespmem:s9+$0xFFFFFFA0] =	vst v8  }
0x227: {  	v48 =	vld [tilespmem:s9+$0x0];
	v50 =	vbroadcast v5, $0x7;
	v10 =	vmul.f32 v45, v15;
	[tilespmem:s9+$0xFFFFFFB0] =	vst v4  }
0x228: {  	v55 =	vld [tilespmem:s9+$0x50];
	v52 =	vbroadcast v5, $0x8;
	v58 =	vmul.f32 v49, v53;
	[tilespmem:s9+$0xFFFFFFD0] =	vst v9  }
0x229: {  	v54 =	vld [tilespmem:s9+$0x40];
	v56 =	vbroadcast v5, $0xA;
	v6 =	vmul.f32 v11, v46;
	[tilespmem:s9+$0xFFFFFFE0] =	vst v10  }
0x22a: {  	v57 =	vbroadcast v5, $0xB;
	v4 =	vld [tilespmem:s9+$0x30];
	v8 =	vmul.f32 v14, v50;
	[tilespmem:s9+$0x10] =	vst v58  }
0x22b: {  	v60 =	vld [tilespmem:s9+$0x70];
	v62 =	vbroadcast v5, $0xD;
	v11 =	vmul.f32 v51, v56;
	[tilespmem:s9+$0xFFFFFFC0] =	vst v6  }
0x22c: {  	v59 =	vld [tilespmem:s9+$0x60];
	v61 =	vbroadcast v5, $0xC;
	v6 =	vmul.f32 v48, v52;
	[tilespmem:s9+$0xFFFFFFF0] =	vst v8  }
0x22d: {  	v63 =	vbroadcast v5, $0xE;
	v7 =	vmul.f32 v55, v62;
	[tilespmem:s9+$0x20] =	vst v11  }
0x22e: {  	v5 =	vbroadcast v5, $0xF;
	[tilespmem:s9+$0x0] =	vst v6;
	v6 =	vmul.f32 v54, v61  }
0x22f: {  	[tilespmem:s9+$0x50] =	vst v7;
	v4 =	vmul.f32 v4, v57  }
0x230: {  	v5 =	vmul.f32 v60, v5;
	[tilespmem:s9+$0x40] =	vst v6  }
0x231: {  	[tilespmem:s9+$0x30] =	vst v4;
	v4 =	vmul.f32 v59, v63  }
0x232: {  	[tilespmem:s10+$0x70] =	vst v5  }
0x233: {  	[tilespmem:s10+$0x60] =	vst v4  }
0x234: {  	[spmem:s2] =	stream.indirect.scatter.add.f32 [tilespmem:s24], [sflag:$0x4], $0x10, s23, s22, $0xb8;
	[tilespmem:$0x1FC30] =	vst v63  }
0x235: {  	_ =	swait.ge [sflag:s18], $0x4000  }
0x236: {  	[sflag:s18] =	ssyncset.done $0x0  }
0x237: {  	[sflag:s18] =	ssyncadd.s32 $0xFFFFC000  }
0x238: {  	[smem:$0x8] =	sst s3  }
.LBB2_32:
0x239: {  	s8 =	sld [smem:$0x0];
	_ =	sdelay $0x2  }
0x23a: {  	p0 =	slt.s32 s8, $0x400  }
.Ltmp21:
0x23b: {  	_ = 	snop;
	(pc) =	sbr.rel @p0 .LBB2_57-.Ltmp21, $1  }
0x23c: {  	_ =	sdelay $0x3  }
0x23d: {  	s9 =	simm.s32 $0x0  }
0x23e: {  	v4 =	vld [tilespmem:s9+$0x5820]  }
0x23f: {  	v5 =	vld [tilespmem:s9+$0x4800]  }
0x240: {  	s10 =	simm.s32 $0x40;
	v6 =	vld [tilespmem:s9+$0x5010]  }
.LBB2_34:
0x241: {  	p0 =	sne.s32 s10, $0xFC0  }
.Ltmp22:
0x242: {  	_ = 	snop;
	(pc) =	sbr.rel @p0 .LBB2_34-.Ltmp22, $4  }
0x243: {  	s11 =	sshra.s32 s10, $0x2;
	[tilespmem:s9+$0x6830] =	vst v4  }
0x244: {  	v4 =	vld [tilespmem:s11+$0x5820];
	[tilespmem:s9+$0x6030] =	vst v5  }
0x245: {  	v5 =	vld [tilespmem:s11+$0x4800];
	[tilespmem:s9+$0x6430] =	vst v6;
	s9 =	smov.u32 s11  }
0x246: {  	s10 =	sadd.s32 $0x40, s10;
	v6 =	vld [tilespmem:s9+$0x5010]  }
0x247: {  	p0 =	seq.s32 s8, $0x400  }
.Ltmp23:
0x248: {  	_ = 	snop;
	(pc) =	sbr.rel @p0 .LBB2_42-.Ltmp23, $4  }
0x249: {  	_ = 	snop  }
0x24a: {  	[tilespmem:s9+$0x6830] =	vst v4  }
0x24b: {  	[tilespmem:s9+$0x6030] =	vst v5  }
0x24c: {  	[tilespmem:s9+$0x6430] =	vst v6  }
0x24d: {  	s9 =	sadd.s32 $0xFFFFFC0F, s8  }
0x24e: {  	s12 =	sshrl.u32 s9, $0x4  }
0x24f: {  	p1 =	seq.s32 s12, $0x1  }
.Ltmp24:
0x250: {  	_ = 	snop;
	(pc) =	sbr.rel @p1 .LBB2_37-.Ltmp24, $3  }
0x251: {  	_ =	sdelay $0x1  }
0x252: {  	s11 =	simm.s32 $0x4C00;
	s10 =	simm.s32 $0x5410  }
0x253: {  	p0 =	por $0x0, $0x0;
	s9 =	simm.s32 $0x5C20;
	v4 =	vld [tilespmem:s11+$0x0];
	s12 =	sadd.s32 $0xFFFFFFFF, s12  }
0x254: {  	_ =	sdelay $0x3  }
0x255: {  	[tilespmem:s11+$0xFFFFFC00] =	vst v4  }
0x256: {  	v4 =	vld [tilespmem:s10+$0x0];
	_ =	sdelay $0x4  }
0x257: {  	[tilespmem:s10+$0xFFFFFC00] =	vst v4  }
0x258: {  	v4 =	vld [tilespmem:s9+$0x0]  }
0x259: {  	p1 =	seq.s32 s12, $0x1  }
.Ltmp25:
0x25a: {  	_ = 	snop;
	(pc) =	sbr.rel @p1 .LBB2_39-.Ltmp25, $3  }
0x25b: {  	_ =	sdelay $0x1  }
0x25c: {  	s15 =	sadd.s32 $0xFFFFFFFF, s12;
	s11 =	simm.s32 $0x4C10;
	[tilespmem:s9+$0xFFFFFC00] =	vst v4  }
0x25d: {  	p0 =	por $0x1, $0x1;
	s13 =	simm.s32 $0x5410;
	s12 =	simm.s32 $0x5C20;
	v4 =	vld [tilespmem:s11+$0x0]  }
.LBB2_40:
0x25e: {  	p1 =	seq.s32 s15, $0x1;
	_ =	sdelay $0x3  }
0x25f: {  	s13 =	sadd.s32 $0x10, s13;
	[tilespmem:s11+$0xFFFFFC00] =	vst v4  }
0x260: {  	v4 =	vld [tilespmem:s13+$0x0];
	_ =	sdelay $0x4  }
0x261: {  	s12 =	sadd.s32 $0x10, s12;
	[tilespmem:s13+$0xFFFFFC00] =	vst v4  }
0x262: {  	v4 =	vld [tilespmem:s12+$0x0];
	_ =	sdelay $0x1  }
.Ltmp26:
0x263: {  	(pc) =	sbr.rel @!p1 .LBB2_40-.Ltmp26, $3  }
0x264: {  	_ =	sdelay $0x1  }
0x265: {  	s11 =	sadd.s32 $0x10, s11;
	[tilespmem:s12+$0xFFFFFC00] =	vst v4  }
0x266: {  	s15 =	sadd.s32 $0xFFFFFFFF, s15;
	v4 =	vld [tilespmem:s11+$0x0]  }
.LBB2_41:
0x267: {  	_ =	sdelay $0x2  }
0x268: {  	s13 =	sadd.s32 @p0 $0x10, s13  }
0x269: {  	s10 =	smov.u32 @p0 s13;
	[tilespmem:s11+$0xFFFFFC00] =	vst v4  }
0x26a: {  	v4 =	vld [tilespmem:s10+$0x0];
	_ =	sdelay $0x3  }
0x26b: {  	s11 =	sadd.s32 @p0 $0x10, s12  }
0x26c: {  	s9 =	smov.u32 @p0 s11;
	[tilespmem:s10+$0xFFFFFC00] =	vst v4  }
0x26d: {  	v4 =	vld [tilespmem:s9+$0x0];
	_ =	sdelay $0x4  }
0x26e: {  	[tilespmem:s9+$0xFFFFFC00] =	vst v4  }
.LBB2_42:
0x26f: {  	s8 =	sadd.s32 $0xFFFFFC00, s8  }
0x270: {  	[smem:$0x0] =	sst s8  }
0x271: {  	s8 =	sld [smem:$0x10];
	_ =	sdelay $0x1  }
0x272: {  	s4 =	sadd.s32 $0x1, s4  }
0x273: {  	p0 =	sne.s32 s4, $0x10;
	s8 =	smul.u32 $0x7A1200, s8  }
.Ltmp27:
0x274: {  	_ = 	snop;
	(pc) =	sbr.rel @p0 .LBB2_5-.Ltmp27, $4  }
.Ltmp28:
0x275: {  	_ = 	snop;
	(pc) =	sbr.rel @!p0 .LBB2_43-.Ltmp28, $4  }
0x276: {  	s8 =	sshrl.u32 s8, $0x3  }
0x277: {  	[smem:$0x8] =	sst s20;
	s8 =	sadd.s32 s6, s8  }
0x278: {  	[tilespmem:s24], [sflag:$0x3] =	stream.indirect.gather [hbm4b:s8+s22], $0x10, s26, s22, $0xb8;
	[tilespmem:$0x1FC30] =	vst v63  }
0x279: {  	_ = 	snop  }
.LBB2_18:
.Ltmp29:
0x27a: {  	(pc) =	sbr.rel .LBB2_22-.Ltmp29, $2  }
0x27b: {  	_ =	sdelay $0x2  }
0x27c: {  	s25 =	simm.s32 $0x5410;
	s15 =	simm.s32 $0x5C20  }
.LBB2_37:
.Ltmp30:
0x27d: {  	(pc) =	sbr.rel .LBB2_41-.Ltmp30, $2  }
0x27e: {  	_ =	sdelay $0x2  }
0x27f: {  	s13 =	simm.s32 $0x5410;
	s12 =	simm.s32 $0x5C20  }
.LBB2_20:
.Ltmp31:
0x280: {  	(pc) =	sbr.rel .LBB2_22-.Ltmp31, $2  }
0x281: {  	_ =	sdelay $0x2  }
0x282: {  	s25 =	simm.s32 $0x5410;
	s15 =	simm.s32 $0x5C20  }
.LBB2_39:
.Ltmp32:
0x283: {  	(pc) =	sbr.rel .LBB2_41-.Ltmp32, $2  }
0x284: {  	_ =	sdelay $0x2  }
0x285: {  	s13 =	simm.s32 $0x5410;
	s12 =	simm.s32 $0x5C20  }
.LBB2_43:
0x286: {  	_ =	swait.ge [sflag:s21], $0x4000  }
0x287: {  	[sflag:s21] =	ssyncset.done $0x0  }
0x288: {  	s4 =	simm.s32 $0x6CB0;
	[sflag:s21] =	ssyncadd.s32 $0xFFFFC000  }
0x289: {  	s10 =	simm.s32 $0x0;
	s8 =	simm.s32 $0x40;
	s9 =	simm.s32 $0x6CB0;
	v3 =	vld [tilespmem:s4+$0xFFFFFFB0]  }
.LBB2_44:
0x28a: {  	p0 =	sne.s32 s8, $0xFC0;
	v4 =	vld [tilespmem:s10+$0x6830]  }
0x28b: {  	v5 =	vld [tilespmem:s4+$0xFFFFFF90]  }
0x28c: {  	v6 =	vld [tilespmem:s4+$0xFFFFFF80]  }
0x28d: {  	v7 =	vld [tilespmem:s4+$0xFFFFFFA0]  }
0x28e: {  	v8 =	vld [tilespmem:s4+$0xFFFFFFF0]  }
0x28f: {  	v9 =	vbroadcast v4, $0x0;
	v10 =	vbroadcast v4, $0x1;
	v11 =	vld [tilespmem:s4+$0xFFFFFFD0]  }
0x290: {  	v12 =	vbroadcast v4, $0x2;
	v13 =	vbroadcast v4, $0x3;
	v14 =	vld [tilespmem:s4+$0xFFFFFFC0]  }
0x291: {  	v6 =	vmul.f32 v9, v6;
	v5 =	vmul.f32 v5, v10;
	v9 =	vld [tilespmem:s4+$0xFFFFFFE0]  }
0x292: {  	v3 =	vmul.f32 v3, v13;
	v7 =	vmul.f32 v7, v12;
	v10 =	vld [tilespmem:s4+$0x30]  }
0x293: {  	v12 =	vbroadcast v4, $0x5;
	[tilespmem:s4+$0xFFFFFF80] =	vst v6;
	v6 =	vbroadcast v4, $0x4;
	v13 =	vld [tilespmem:s4+$0x10]  }
0x294: {  	v15 =	vbroadcast v4, $0x7;
	[tilespmem:s4+$0xFFFFFF90] =	vst v5;
	v5 =	vbroadcast v4, $0x6;
	v16 =	vld [tilespmem:s4+$0x0]  }
0x295: {  	[tilespmem:s4+$0xFFFFFFA0] =	vst v7;
	v6 =	vmul.f32 v14, v6;
	v7 =	vmul.f32 v11, v12;
	v11 =	vld [tilespmem:s4+$0x20]  }
0x296: {  	[tilespmem:s4+$0xFFFFFFB0] =	vst v3;
	v3 =	vmul.f32 v9, v5;
	v5 =	vmul.f32 v8, v15;
	v8 =	vld [tilespmem:s4+$0x70]  }
0x297: {  	v9 =	vbroadcast v4, $0x9;
	[tilespmem:s4+$0xFFFFFFC0] =	vst v6;
	v6 =	vbroadcast v4, $0x8;
	v12 =	vld [tilespmem:s4+$0x50]  }
0x298: {  	v14 =	vbroadcast v4, $0xB;
	[tilespmem:s4+$0xFFFFFFD0] =	vst v7;
	v7 =	vbroadcast v4, $0xA;
	v15 =	vld [tilespmem:s4+$0x40]  }
0x299: {  	[tilespmem:s4+$0xFFFFFFE0] =	vst v3;
	v3 =	vmul.f32 v16, v6;
	v6 =	vmul.f32 v13, v9;
	v9 =	vld [tilespmem:s4+$0x60]  }
0x29a: {  	[tilespmem:s4+$0xFFFFFFF0] =	vst v5;
	v5 =	vmul.f32 v11, v7;
	v7 =	vmul.f32 v10, v14  }
0x29b: {  	v10 =	vbroadcast v4, $0xD;
	[tilespmem:s4+$0x0] =	vst v3;
	v3 =	vbroadcast v4, $0xC  }
0x29c: {  	[tilespmem:s4+$0x10] =	vst v6;
	v6 =	vbroadcast v4, $0xE;
	v4 =	vbroadcast v4, $0xF  }
0x29d: {  	[tilespmem:s4+$0x20] =	vst v5;
	v3 =	vmul.f32 v15, v3;
	v5 =	vmul.f32 v12, v10  }
.Ltmp33:
0x29e: {  	[tilespmem:s4+$0x30] =	vst v7;
	v6 =	vmul.f32 v9, v6;
	v4 =	vmul.f32 v8, v4;
	(pc) =	sbr.rel @p0 .LBB2_44-.Ltmp33, $4  }
0x29f: {  	[tilespmem:s4+$0x40] =	vst v3  }
0x2a0: {  	[tilespmem:s4+$0x50] =	vst v5  }
0x2a1: {  	s4 =	sadd.s32 $0x100, s4;
	[tilespmem:s9+$0x60] =	vst v6  }
0x2a2: {  	s10 =	sshra.s32 s8, $0x2;
	s8 =	sadd.s32 $0x40, s8;
	v3 =	vld [tilespmem:s4+$0xFFFFFFB0];
	[tilespmem:s9+$0x70] =	vst v4;
	s9 =	smov.u32 s4  }
0x2a3: {  	v4 =	vld [tilespmem:s10+$0x6830];
	_ =	sdelay $0x1  }
0x2a4: {  	v5 =	vld [tilespmem:s4+$0xFFFFFF80]  }
0x2a5: {  	v6 =	vld [tilespmem:s4+$0xFFFFFF90]  }
0x2a6: {  	v7 =	vld [tilespmem:s4+$0xFFFFFFA0]  }
0x2a7: {  	v8 =	vbroadcast v4, $0x0  }
0x2a8: {  	v11 =	vld [tilespmem:s4+$0xFFFFFFD0];
	v9 =	vbroadcast v4, $0x1;
	v12 =	vbroadcast v4, $0x2  }
0x2a9: {  	v45 =	vld [tilespmem:s4+$0xFFFFFFE0];
	v44 =	vbroadcast v4, $0x3;
	v5 =	vmul.f32 v8, v5  }
0x2aa: {  	v49 =	vld [tilespmem:s4+$0x10];
	v46 =	vbroadcast v4, $0x4;
	v6 =	vmul.f32 v6, v9  }
0x2ab: {  	v10 =	vld [tilespmem:s4+$0xFFFFFFC0];
	v47 =	vbroadcast v4, $0x5;
	v7 =	vmul.f32 v7, v12;
	[tilespmem:s4+$0xFFFFFF80] =	vst v5  }
0x2ac: {  	v13 =	vld [tilespmem:s4+$0xFFFFFFF0];
	v14 =	vbroadcast v4, $0x6;
	v3 =	vmul.f32 v3, v44;
	[tilespmem:s4+$0xFFFFFF90] =	vst v6  }
0x2ad: {  	v51 =	vld [tilespmem:s4+$0x20];
	v53 =	vbroadcast v4, $0x9;
	v8 =	vmul.f32 v11, v47;
	[tilespmem:s4+$0xFFFFFFA0] =	vst v7  }
0x2ae: {  	v48 =	vld [tilespmem:s4+$0x0];
	v50 =	vbroadcast v4, $0x7;
	v9 =	vmul.f32 v45, v14;
	[tilespmem:s4+$0xFFFFFFB0] =	vst v3  }
0x2af: {  	v55 =	vld [tilespmem:s4+$0x50];
	v52 =	vbroadcast v4, $0x8;
	v58 =	vmul.f32 v49, v53;
	[tilespmem:s4+$0xFFFFFFD0] =	vst v8  }
0x2b0: {  	v54 =	vld [tilespmem:s4+$0x40];
	v56 =	vbroadcast v4, $0xA;
	v5 =	vmul.f32 v10, v46;
	[tilespmem:s4+$0xFFFFFFE0] =	vst v9  }
0x2b1: {  	v57 =	vbroadcast v4, $0xB;
	v3 =	vld [tilespmem:s4+$0x30];
	v7 =	vmul.f32 v13, v50;
	[tilespmem:s4+$0x10] =	vst v58  }
0x2b2: {  	v60 =	vld [tilespmem:s4+$0x70];
	v62 =	vbroadcast v4, $0xD;
	v10 =	vmul.f32 v51, v56;
	[tilespmem:s4+$0xFFFFFFC0] =	vst v5  }
0x2b3: {  	v59 =	vld [tilespmem:s4+$0x60];
	v61 =	vbroadcast v4, $0xC;
	v5 =	vmul.f32 v48, v52;
	[tilespmem:s4+$0xFFFFFFF0] =	vst v7  }
0x2b4: {  	v63 =	vbroadcast v4, $0xE;
	v6 =	vmul.f32 v55, v62;
	[tilespmem:s4+$0x20] =	vst v10  }
0x2b5: {  	v4 =	vbroadcast v4, $0xF;
	[tilespmem:s4+$0x0] =	vst v5;
	v5 =	vmul.f32 v54, v61  }
0x2b6: {  	[tilespmem:s4+$0x50] =	vst v6;
	v3 =	vmul.f32 v3, v57  }
0x2b7: {  	v4 =	vmul.f32 v60, v4;
	[tilespmem:s4+$0x40] =	vst v5  }
0x2b8: {  	[tilespmem:s4+$0x30] =	vst v3;
	v3 =	vmul.f32 v59, v63  }
0x2b9: {  	[tilespmem:s9+$0x70] =	vst v4  }
0x2ba: {  	[tilespmem:s9+$0x60] =	vst v3  }
0x2bb: {  	[spmem:s2] =	stream.indirect.scatter.add.f32 [tilespmem:s24], [sflag:$0x4], $0x10, s23, s22, $0xb8;
	[tilespmem:$0x1FC30] =	vst v63  }
0x2bc: {  	_ =	swait.ge [sflag:s18], $0x4000  }
0x2bd: {  	[sflag:s18] =	ssyncset.done $0x0  }
0x2be: {  	[sflag:s18] =	ssyncadd.s32 $0xFFFFC000  }
0x2bf: {  	[smem:$0x8] =	sst s3  }
0x2c0: {  	s8 =	sld [smem:$0x0]  }
.LBB2_46:
0x2c1: {  	_ =	sdelay $0x1  }
0x2c2: {  	p0 =	slt.s32 s8, $0x1  }
.Ltmp34:
0x2c3: {  	_ = 	snop;
	(pc) =	sbr.rel @p0 .LBB2_50-.Ltmp34, $1  }
0x2c4: {  	_ =	sdelay $0x3  }
0x2c5: {  	s4 =	simm.s32 $0x4800  }
0x2c6: {  	v4 =	vld [tilespmem:s4+$0x0];
	_ =	sdelay $0x1  }
0x2c7: {  	s9 =	simm.s32 $0x0  }
0x2c8: {  	v3 =	vmov s8;
	v5 =	vor.u32 s9, v0  }
0x2c9: {  	vm0 =	vlt.s32 v5, v3;
	v5 =	vor.u32 s9, v2  }
0x2ca: {  	s8 =	simm.s32 $0x6030;
	v4 =	vsel vm0, v4, v5  }
0x2cb: {  	s9 =	simm.s32 $0x5010;
	[tilespmem:s8+$0x0] =	vst v4  }
0x2cc: {  	v4 =	vld [tilespmem:s9+$0x0];
	_ =	sdelay $0x4  }
0x2cd: {  	s11 =	simm.s32 $0x6430;
	v4 =	vnsel vm0, $0x0, v4  }
0x2ce: {  	s12 =	simm.s32 $0x5820;
	[tilespmem:s11+$0x0] =	vst v4  }
0x2cf: {  	v4 =	vld [tilespmem:s12+$0x0];
	_ =	sdelay $0x2  }
0x2d0: {  	s13 =	simm.s32 $0x6830;
	s10 =	simm.s32 $0x10  }
0x2d1: {  	s19 =	simm.s32 $0x6840;
	s11 =	simm.s32 $0x6440;
	s12 =	simm.s32 $0x5830  }
.LBB2_48:
0x2d2: {  	[tilespmem:s13+$0x0] =	vst v4;
	s4 =	sadd.s32 $0x10, s4;
	s8 =	sadd.s32 $0x10, s8;
	s9 =	sadd.s32 $0x10, s9  }
0x2d3: {  	p0 =	sne.s32 s10, $0x3F0;
	s15 =	smov.u32 s10;
	s10 =	sadd.s32 $0x10, s10;
	v4 =	vld [tilespmem:s4+$0x0]  }
0x2d4: {  	s13 =	smov.u32 s19;
	_ =	sdelay $0x1  }
0x2d5: {  	v5 =	vor.u32 s15, v0  }
0x2d6: {  	vm0 =	vlt.s32 v5, v3;
	v5 =	vor.u32 s15, v2  }
0x2d7: {  	v4 =	vsel vm0, v4, v5  }
0x2d8: {  	[tilespmem:s8+$0x0] =	vst v4  }
0x2d9: {  	v4 =	vld [tilespmem:s9+$0x0];
	_ =	sdelay $0x4  }
0x2da: {  	v4 =	vnsel vm0, $0x0, v4  }
0x2db: {  	[tilespmem:s11+$0x0] =	vst v4  }
.Ltmp35:
0x2dc: {  	v4 =	vld [tilespmem:s12+$0x0];
	(pc) =	sbr.rel @p0 .LBB2_48-.Ltmp35, $2  }
0x2dd: {  	_ =	sdelay $0x2  }
0x2de: {  	s19 =	sadd.s32 $0x10, s19;
	s11 =	sadd.s32 $0x10, s11;
	s12 =	sadd.s32 $0x10, s12  }
0x2df: {  	s4 =	sld [smem:$0x10];
	_ =	sdelay $0x2  }
0x2e0: {  	s4 =	smul.u32 $0x7A1200, s4;
	_ =	sdelay $0x1  }
0x2e1: {  	[smem:$0x8] =	sst s20;
	s4 =	sshrl.u32 s4, $0x3  }
0x2e2: {  	[tilespmem:s13+$0x0] =	vst v4;
	[smem:$0x0] =	sst s3;
	s4 =	sadd.s32 s6, s4  }
0x2e3: {  	[tilespmem:s24], [sflag:$0x3] =	stream.indirect.gather [hbm4b:s4+s22], $0x10, s26, s22, $0xb8;
	[tilespmem:$0x1FC30] =	vst v63  }
.LBB2_50:
0x2e4: {  	s4 =	sld [smem:$0x8];
	_ =	sdelay $0x2  }
0x2e5: {  	p0 =	sne.s32 s4, $0x1  }
.Ltmp36:
0x2e6: {  	_ = 	snop;
	(pc) =	sbr.rel @p0 .LBB2_54-.Ltmp36, $1  }
0x2e7: {  	_ =	sdelay $0x3  }
0x2e8: {  	_ =	swait.ge [sflag:s21], $0x4000  }
0x2e9: {  	[sflag:s21] =	ssyncset.done $0x0  }
0x2ea: {  	s4 =	simm.s32 $0x6CB0;
	[sflag:s21] =	ssyncadd.s32 $0xFFFFC000  }
0x2eb: {  	s10 =	simm.s32 $0x0;
	s8 =	simm.s32 $0x40;
	s9 =	simm.s32 $0x6CB0;
	v3 =	vld [tilespmem:s4+$0xFFFFFFB0]  }
.LBB2_52:
0x2ec: {  	p0 =	sne.s32 s8, $0xFC0;
	v4 =	vld [tilespmem:s10+$0x6830]  }
0x2ed: {  	v5 =	vld [tilespmem:s4+$0xFFFFFF90]  }
0x2ee: {  	v6 =	vld [tilespmem:s4+$0xFFFFFF80]  }
0x2ef: {  	v7 =	vld [tilespmem:s4+$0xFFFFFFA0]  }
0x2f0: {  	v8 =	vld [tilespmem:s4+$0xFFFFFFF0]  }
0x2f1: {  	v9 =	vbroadcast v4, $0x0;
	v10 =	vbroadcast v4, $0x1;
	v11 =	vld [tilespmem:s4+$0xFFFFFFD0]  }
0x2f2: {  	v12 =	vbroadcast v4, $0x2;
	v13 =	vbroadcast v4, $0x3;
	v14 =	vld [tilespmem:s4+$0xFFFFFFC0]  }
0x2f3: {  	v6 =	vmul.f32 v9, v6;
	v5 =	vmul.f32 v5, v10;
	v9 =	vld [tilespmem:s4+$0xFFFFFFE0]  }
0x2f4: {  	v3 =	vmul.f32 v3, v13;
	v7 =	vmul.f32 v7, v12;
	v10 =	vld [tilespmem:s4+$0x30]  }
0x2f5: {  	v12 =	vbroadcast v4, $0x5;
	[tilespmem:s4+$0xFFFFFF80] =	vst v6;
	v6 =	vbroadcast v4, $0x4;
	v13 =	vld [tilespmem:s4+$0x10]  }
0x2f6: {  	v15 =	vbroadcast v4, $0x7;
	[tilespmem:s4+$0xFFFFFF90] =	vst v5;
	v5 =	vbroadcast v4, $0x6;
	v16 =	vld [tilespmem:s4+$0x0]  }
0x2f7: {  	[tilespmem:s4+$0xFFFFFFA0] =	vst v7;
	v6 =	vmul.f32 v14, v6;
	v7 =	vmul.f32 v11, v12;
	v11 =	vld [tilespmem:s4+$0x20]  }
0x2f8: {  	[tilespmem:s4+$0xFFFFFFB0] =	vst v3;
	v3 =	vmul.f32 v9, v5;
	v5 =	vmul.f32 v8, v15;
	v8 =	vld [tilespmem:s4+$0x70]  }
0x2f9: {  	v9 =	vbroadcast v4, $0x9;
	[tilespmem:s4+$0xFFFFFFC0] =	vst v6;
	v6 =	vbroadcast v4, $0x8;
	v12 =	vld [tilespmem:s4+$0x50]  }
0x2fa: {  	v14 =	vbroadcast v4, $0xB;
	[tilespmem:s4+$0xFFFFFFD0] =	vst v7;
	v7 =	vbroadcast v4, $0xA;
	v15 =	vld [tilespmem:s4+$0x40]  }
0x2fb: {  	[tilespmem:s4+$0xFFFFFFE0] =	vst v3;
	v3 =	vmul.f32 v16, v6;
	v6 =	vmul.f32 v13, v9;
	v9 =	vld [tilespmem:s4+$0x60]  }
0x2fc: {  	[tilespmem:s4+$0xFFFFFFF0] =	vst v5;
	v5 =	vmul.f32 v11, v7;
	v7 =	vmul.f32 v10, v14  }
0x2fd: {  	v10 =	vbroadcast v4, $0xD;
	[tilespmem:s4+$0x0] =	vst v3;
	v3 =	vbroadcast v4, $0xC  }
0x2fe: {  	[tilespmem:s4+$0x10] =	vst v6;
	v6 =	vbroadcast v4, $0xE;
	v4 =	vbroadcast v4, $0xF  }
0x2ff: {  	[tilespmem:s4+$0x20] =	vst v5;
	v3 =	vmul.f32 v15, v3;
	v5 =	vmul.f32 v12, v10  }
.Ltmp37:
0x300: {  	[tilespmem:s4+$0x30] =	vst v7;
	v6 =	vmul.f32 v9, v6;
	v4 =	vmul.f32 v8, v4;
	(pc) =	sbr.rel @p0 .LBB2_52-.Ltmp37, $4  }
0x301: {  	[tilespmem:s4+$0x40] =	vst v3  }
0x302: {  	[tilespmem:s4+$0x50] =	vst v5  }
0x303: {  	s4 =	sadd.s32 $0x100, s4;
	[tilespmem:s9+$0x60] =	vst v6  }
0x304: {  	s10 =	sshra.s32 s8, $0x2;
	s8 =	sadd.s32 $0x40, s8;
	v3 =	vld [tilespmem:s4+$0xFFFFFFB0];
	[tilespmem:s9+$0x70] =	vst v4;
	s9 =	smov.u32 s4  }
0x305: {  	v4 =	vld [tilespmem:s10+$0x6830];
	_ =	sdelay $0x1  }
0x306: {  	v5 =	vld [tilespmem:s4+$0xFFFFFF80]  }
0x307: {  	v6 =	vld [tilespmem:s4+$0xFFFFFF90]  }
0x308: {  	v7 =	vld [tilespmem:s4+$0xFFFFFFA0]  }
0x309: {  	v8 =	vbroadcast v4, $0x0  }
0x30a: {  	v11 =	vld [tilespmem:s4+$0xFFFFFFD0];
	v9 =	vbroadcast v4, $0x1;
	v12 =	vbroadcast v4, $0x2  }
0x30b: {  	v45 =	vld [tilespmem:s4+$0xFFFFFFE0];
	v44 =	vbroadcast v4, $0x3;
	v5 =	vmul.f32 v8, v5  }
0x30c: {  	v49 =	vld [tilespmem:s4+$0x10];
	v46 =	vbroadcast v4, $0x4;
	v6 =	vmul.f32 v6, v9  }
0x30d: {  	v10 =	vld [tilespmem:s4+$0xFFFFFFC0];
	v47 =	vbroadcast v4, $0x5;
	v7 =	vmul.f32 v7, v12;
	[tilespmem:s4+$0xFFFFFF80] =	vst v5  }
0x30e: {  	v13 =	vld [tilespmem:s4+$0xFFFFFFF0];
	v14 =	vbroadcast v4, $0x6;
	v3 =	vmul.f32 v3, v44;
	[tilespmem:s4+$0xFFFFFF90] =	vst v6  }
0x30f: {  	v51 =	vld [tilespmem:s4+$0x20];
	v53 =	vbroadcast v4, $0x9;
	v8 =	vmul.f32 v11, v47;
	[tilespmem:s4+$0xFFFFFFA0] =	vst v7  }
0x310: {  	v48 =	vld [tilespmem:s4+$0x0];
	v50 =	vbroadcast v4, $0x7;
	v9 =	vmul.f32 v45, v14;
	[tilespmem:s4+$0xFFFFFFB0] =	vst v3  }
0x311: {  	v55 =	vld [tilespmem:s4+$0x50];
	v52 =	vbroadcast v4, $0x8;
	v58 =	vmul.f32 v49, v53;
	[tilespmem:s4+$0xFFFFFFD0] =	vst v8  }
0x312: {  	v54 =	vld [tilespmem:s4+$0x40];
	v56 =	vbroadcast v4, $0xA;
	v5 =	vmul.f32 v10, v46;
	[tilespmem:s4+$0xFFFFFFE0] =	vst v9  }
0x313: {  	v57 =	vbroadcast v4, $0xB;
	v3 =	vld [tilespmem:s4+$0x30];
	v7 =	vmul.f32 v13, v50;
	[tilespmem:s4+$0x10] =	vst v58  }
0x314: {  	v60 =	vld [tilespmem:s4+$0x70];
	v62 =	vbroadcast v4, $0xD;
	v10 =	vmul.f32 v51, v56;
	[tilespmem:s4+$0xFFFFFFC0] =	vst v5  }
0x315: {  	v59 =	vld [tilespmem:s4+$0x60];
	v61 =	vbroadcast v4, $0xC;
	v5 =	vmul.f32 v48, v52;
	[tilespmem:s4+$0xFFFFFFF0] =	vst v7  }
0x316: {  	v63 =	vbroadcast v4, $0xE;
	v6 =	vmul.f32 v55, v62;
	[tilespmem:s4+$0x20] =	vst v10  }
0x317: {  	v4 =	vbroadcast v4, $0xF;
	[tilespmem:s4+$0x0] =	vst v5;
	v5 =	vmul.f32 v54, v61  }
0x318: {  	[tilespmem:s4+$0x50] =	vst v6;
	v3 =	vmul.f32 v3, v57  }
0x319: {  	v4 =	vmul.f32 v60, v4;
	[tilespmem:s4+$0x40] =	vst v5  }
0x31a: {  	[tilespmem:s4+$0x30] =	vst v3;
	v3 =	vmul.f32 v59, v63  }
0x31b: {  	[tilespmem:s9+$0x70] =	vst v4  }
0x31c: {  	[tilespmem:s9+$0x60] =	vst v3  }
0x31d: {  	[spmem:s2] =	stream.indirect.scatter.add.f32 [tilespmem:s24], [sflag:$0x4], $0x10, s23, s22, $0xb8;
	[tilespmem:$0x1FC30] =	vst v63  }
.Ltmp38:
0x31e: {  	_ = 	snop;
	(pc) =	sbr.rel .LBB2_54-.Ltmp38, $4  }
0x31f: {  	_ =	swait.ge [sflag:s18], $0x4000  }
0x320: {  	[sflag:s18] =	ssyncset.done $0x0  }
0x321: {  	[sflag:s18] =	ssyncadd.s32 $0xFFFFC000  }
0x322: {  	[smem:$0x8] =	sst s3  }
.LBB2_56:
0x323: {  	_ =	sfence.sel $0x180000  }
0x324: {  	[bflag:$0x0] =	sbarrier.arrive $0xFFFF  }
0x325: {  	_ =	strace $0x90000047  }
0x326: {  	[bflag:$0x2] =	sbarrier.arrive $0xFFFF  }
0x327: {  	p0 =	sne.s32 s1, $0x0;
	s0 =	rddreg [dreg:$0x3]  }
0x328: {  	s0 =	sadd.s32 @!p0 $0x100000, s0  }
0x329: {  	[sflag:s0] =	ssyncadd.tile.s32 @!p0 $0x1;
	_ =	shalt  }
.Lfunc_end2:
_tile_overlayer_lowered:
.L_overlay_start_2:
0x32a: {  	(tag) =	ssettag $0x2  }
0x32b: {  	s0 =	rddreg [dreg:$0x0];
	s2 =	stileid.u32  }
0x32c: {  	s1 =	rddreg [dreg:$0x1];
	p0 =	sne.s32 s2, $0x0  }
0x32d: {  	s3 =	rddreg [dreg:$0x2];
	[bflag:$0x3] =	sbarrier.arrive $0xFFFF;
	s2 =	simm.s32 @!p0 $0x1C04  }
0x32e: {  	[timem:s3], [sflag:s2] =	dma.local @!p0 [hbm:s0], s1  }
0x32f: {  	s0 =	simm.s32 @!p0 $0x4  }
0x330: {  	_ =	swait.ge @!p0 [sflag:s0], s1  }
0x331: {  	s1 =	ssub.s32 @!p0 $0x0, s1;
	[sflag:s0] =	ssyncset.done @!p0 $0x0  }
0x332: {  	[sflag:s0] =	ssyncadd.s32 @!p0 s1  }
0x333: {  	[bflag:$0x3] =	sbarrier.arrive $0xFFFF  }
0x334: {  	_ =	shalt  }

// kernel: sparse-core-data-format-call.cloned.1.call-start
scs
called_computation_lowered:
.L_overlay_start_0:
0x0: {  	s2 =	sld [smem:$0x3FD9]  }
0x1: {  	s3 =	sld [smem:$0x3FFE];
	_ =	sdelay $0x1  }
0x2: {  	s1 =	srdreg.scid  }
0x3: {  	s0 =	sand.u32 $0x1, s1  }
0x4: {  	s18 =	sshll.u32 s0, $0xA;
	s2 =	sadd.s32 s3, s2  }
0x5: {  	s2 =	sadd.s32 s2, s18  }
0x6: {  	[smem:$0x3FC5] =	sst s2  }
0x7: {  	_ = 	snop  }
0x8: {  	s2 =	sld [smem:$0x3FD0];
	(tm) =	ssettm $0x1  }
0x9: {  	s19 =	sld [smem:$0x3FFB];
	_ =	sdelay $0x3  }
0xa: {  	_ =	strace s19  }
0xb: {  	s3 =	sld [smem:$0x3FFC];
	_ =	sdelay $0x3  }
0xc: {  	_ =	strace s3  }
0xd: {  	s3 =	sld [smem:$0x3FFD];
	_ =	sdelay $0x3  }
0xe: {  	_ =	strace s3  }
0xf: {  	_ =	strace $0x8FFFFFFF  }
0x10: {  	s20 =	sld [smem:$0x3FDB];
	_ =	sdelay $0x1  }
0x11: {  	s4 =	simm.s32 $_scs_section_size  }
0x12: {  	s5 =	simm.s32 $_size__tile_overlayer_lowered;
	s6 =	simm.s32 $_tile_overlayer_lowered  }
0x13: {  	s23 =	simm.s32 $0x1BFF;
	s22 =	sshll.u32 s6, $0x1;
	s3 =	sadd.s32 s4, s20  }
0x14: {  	s7 =	simm.s32 $0x0;
	s21 =	sshll.u32 s5, $0x1;
	s5 =	sadd.s32 s22, s3  }
0x15: {  	[timem:s7], [sflag:s23] =	dma.local [hbm:s5], s21  }
0x16: {  	_ =	swait.ge [sflag:s23], s21  }
0x17: {  	s4 =	ssub.s32 $0x0, s21;
	[sflag:s23] =	ssyncset.done $0x0  }
0x18: {  	[sflag:s23] =	ssyncadd.s32 s4;
	_ =	sdelay $0x1  }
0x19: {  	s24 =	simm.s32 $0x1B8B  }
0x1a: {  	_ =	swait.ge [sflag:s24], $0x1  }
0x1b: {  	[sflag:s24] =	ssyncset.done $0x0  }
0x1c: {  	s26 =	simm.s32 $0x1B8E;
	s25 =	sld [smem:$0x3FFE];
	[sflag:s24] =	ssyncadd.s32 $0xFFFFFFFF  }
0x1d: {  	s27 =	simm.s32 $execute0_lowered;
	[smem:$0x3FD2] =	sst s26  }
0x1e: {  	s5 =	sshll.u32 s27, $0x1;
	_ =	strace $0x80000049;
	[dreg:$0x1] =	wrdreg $0xFFFFFFFF  }
0x1f: {  	s28 =	simm.s32 $_size_execute0_lowered;
	s3 =	sadd.s32 s3, s5;
	[dreg:$0x0] =	wrdreg $0x0  }
0x20: {  	s5 =	sshll.u32 s28, $0x1;
	[dreg:$0x2] =	wrdreg s3  }
0x21: {  	[dreg:$0x3] =	wrdreg s5  }
0x22: {  	[dreg:$0x4] =	wrdreg $0xC0  }
0x23: {  	_ =	task [dreg:s7], $0x5FFFF  }
0x24: {  	[dreg:$0x1] =	wrdreg $0xFFFFFFFF  }
0x25: {  	[dreg:$0x0] =	wrdreg $0x60  }
0x26: {  	[dreg:$0x2] =	wrdreg s25  }
0x27: {  	[dreg:$0x3] =	wrdreg s2  }
0x28: {  	[dreg:$0x4] =	wrdreg $0x9  }
0x29: {  	_ =	task.clear_ibuf [dreg:s7], $0x5FFFF;
	_ =	strace $0x90000049  }
0x2a: {  	s29 =	simm.s32 $0x9;
	_ =	strace $0x8000004B  }
0x2b: {  	_ =	swait.ge [sflag:s29], $0x1  }
0x2c: {  	[sflag:s29] =	ssyncadd.s32 $0xFFFFFFFF  }
0x2d: {  	_ =	strace $0x9000004B  }
0x2e: {  	_ =	sfence  }
0x2f: {  	s30 =	sld [smem:$0x0];
	_ =	sdelay $0x2  }
0x30: {  	s31 =	sshll.u32 s1, $0xD;
	s1 =	sshrl.u32 s1, $0x2  }
0x31: {  	s3 =	sand.u32 $0x4000, s31;
	s1 =	sadd.s32 s1, s30  }
0x32: {  	s0 =	sor.u32 s3, s0;
	s1 =	sshll.u32 s1, $0x11  }
0x33: {  	s0 =	sor.u32 s1, s0  }
0x34: {  	s0 =	sadd.s32 $0x8F2B, s0  }
0x35: {  	[sflag:s0] =	ssyncadd.remote.s32 $0x1  }
0x36: {  	_ =	sfence.sel $0xFFFF  }
0x37: {  	[dreg:$0x0] =	wrdreg $0xFFFFFFFF;
	(pc) =	sbr.abs _section_cstart, $3  }
0x38: {  	[dreg:$0x1] =	wrdreg $0xFFFFFFFF  }
0x39: {  	_ =	task.clear_ibuf [dreg:s7], $0x2FFFF;
	_ =	strace $0x9FFFFFFF  }
0x3a: {  	(tm) =	ssettm $0x7FFFFFFF  }
0x3b: {  	_ =	shalt  }
tec
execute0_lowered:
.L_overlay_start_1:
0x0: {  	(tag) =	ssettag $0x1  }
0x1: {  	s0 =	srdreg.scid  }
0x2: {  	s1 =	sshll.u32 s0, $0x4  }
0x3: {  	s4 =	rddreg [dreg:$0x0];
	s0 =	stileid.u32;
	s1 =	sand.u32 $0x10, s1  }
0x4: {  	s2 =	rddreg [dreg:$0x1];
	s7 =	simm.s32 $0x1;
	s1 =	sor.u32 s0, s1  }
0x5: {  	s8 =	simm.s32 $0x2;
	s11 =	simm.s32 $0x0;
	s3 =	sshll.u32 s1, $0x7  }
0x6: {  	s10 =	simm.s32 $0x0;
	s4 =	sadd.s32 $0xA00, s4;
	s6 =	ssub.s32 $0x100000, s3  }
.Ltmp0:
0x7: {  	s1 =	rddreg [dreg:$0x2];
	s5 =	sand.u32 $0xF80, s6;
	(pc) =	sbr.rel .LBB1_1-.Ltmp0, $4  }
0x8: {  	_ =	strace $0x8000004A;
	s9 =	smov.u32 s3;
	p0 =	sne.s32 s5, $0x0  }
0x9: {  	s6 =	sshrl.u32 s6, $0xC;
	s5 =	simm.s32 $0x1;
	s7 =	simm.s32 @!p0 $0x0  }
0xa: {  	[sflag:s5] =	ssyncpa.u1 $0x0;
	p0 =	por $0x0, $0x0;
	s6 =	sadd.s32 s7, s6  }
0xb: {  	[sflag:s8] =	ssyncpa.u1 $0x0;
	s8 =	simm.s32 $0x800000;
	s7 =	sadd.s32 $0x1, s6  }
.LBB1_4:
0xc: {  	[tilespmem:s12+$0xFFFFFFFC ss:$0x81] =	vst.msk $0xffff, v2;
	s14 =	sshll.u32 s11, $0x3  }
0xd: {  	[tilespmem:s12+$0xFFFFFFFD ss:$0x81] =	vst.msk $0xffff, v3;
	s15 =	sand.u32 $0x78, s11;
	s14 =	sand.u32 $0xFFC00, s14  }
0xe: {  	[tilespmem:s12+$0xFFFFFFFE ss:$0x81] =	vst.msk $0xffff, v1;
	s29 =	sand.u32 $0x1E0000, s11;
	s30 =	sand.u32 $0x7, s11;
	s14 =	sor.u32 s15, s14  }
0xf: {  	[tilespmem:s12+$0xFFFFFFFF ss:$0x81] =	vst.msk $0xffff, v4;
	s11 =	sshll.u32 s30, $0x12;
	s15 =	sadd.s32 s2, s29;
	s14 =	sshrl.u32 s14, $0x3  }
0x10: {  	[tilespmem:s12+$0xFFFFFFF9 ss:$0x81] =	vst.msk $0xffff, v0;
	s11 =	sor.u32 $0x400, s11;
	s31 =	sadd.s32 s14, s15  }
0x11: {  	[hbm4b:s31+s11] =	stream.strided.scatter [tilespmem:s13], [sflag:$0x2], $0x800, s8, s11, $0x20;
	[tilespmem:$0x2020] =	vst v63  }
.LBB1_5:
0x12: {  	s13 =	sadd.s32 $0x1000, s9  }
0x13: {  	p2 =	sgt.s32 s13, $0xFFFFF  }
0x14: {  	s13 =	smov.u32 @p2 s3;
	p2 =	sne.s32 s10, s7  }
.Ltmp1:
0x15: {  	p1 =	slt.u32 s10, $0x2;
	(pc) =	sbr.rel @!p2 .LBB1_6-.Ltmp1, $4  }
0x16: {  	s12 =	simm.s32 @!p1 $0x2  }
0x17: {  	s14 =	sadd.s32 $0x1, s10;
	_ =	swait.ge @!p1 [sflag:s12], $0x800  }
0x18: {  	s11 =	smov.u32 s9;
	p0 =	por !p0, !p0;
	[sflag:s12] =	ssyncset.done @!p1 $0x0  }
0x19: {  	s10 =	smov.u32 s14;
	s9 =	smov.u32 s13;
	[sflag:s12] =	ssyncadd.s32 @!p1 $0xFFFFF800  }
.LBB1_1:
0x1a: {  	p1 =	sge.u32 s10, s6  }
0x1b: {  	s31 =	sadd.s32 $0xFFFFFFFF, s10;
	s12 =	sxor.u32 @!p1 $0xFFFFFFFF, s10;
	s13 =	sshll.u32 @!p1 s9, $0x4  }
0x1c: {  	s14 =	simm.s32 @!p1 $0x10;
	s12 =	sshll.u32 @!p1 s12, $0xB;
	s13 =	sand.u32 @!p1 $0xFFFFF0, s13  }
0x1d: {  	s15 =	simm.s32 @!p1 $0x80;
	s12 =	sand.u32 @!p1 $0x800, s12;
	s13 =	sadd.s32 @!p1 s4, s13  }
0x1e: {  	[tilespmem:s12], [sflag:$0x1] =	stream.strided.gather @!p1 [hbm4b:s13+s14], $0x800, s15, s14, $0x38;
	[tilespmem:$0x2020] =	vst v63  }
0x1f: {  	p1 =	sge.u32 s31, s6  }
.Ltmp2:
0x20: {  	_ = 	snop;
	(pc) =	sbr.rel @p1 .LBB1_5-.Ltmp2, $1  }
0x21: {  	_ =	sdelay $0x3  }
0x22: {  	s12 =	simm.s32 $0x1  }
0x23: {  	_ =	swait.ge [sflag:s5], $0x800;
	s12 =	simm.s32 @!p0 $0x0  }
0x24: {  	[sflag:s5] =	ssyncset.done $0x0;
	s13 =	sshll.u32 s12, $0xB  }
0x25: {  	[sflag:s5] =	ssyncadd.s32 $0xFFFFF800;
	s15 =	sor.u32 $0x40, s13  }
0x26: {  	v0 =	vld [tilespmem:s15+$0x30]  }
0x27: {  	s12 =	smul.u32 $0x2040, s12;
	v4 =	vld [tilespmem:s15+$0xFFFFFFD0]  }
0x28: {  	v5 =	vld [tilespmem:s15+$0xFFFFFFE0]  }
0x29: {  	s31 =	sand.u32 $0x1, s10;
	s12 =	sshrl.u32 s12, $0x2;
	v2 =	vld [tilespmem:s15+$0xFFFFFFF0]  }
0x2a: {  	s13 =	smul.u32 $0x2040, s31;
	v3 =	vld [tilespmem:s15+$0x0];
	s12 =	sor.u32 $0x1007, s12  }
0x2b: {  	v1 =	vld [tilespmem:s15+$0x10];
	[tilespmem:s12+$0x0 ss:$0x81] =	vst.msk $0xffff, v0  }
0x2c: {  	s13 =	sshrl.u32 s13, $0x2;
	[tilespmem:s12+$0xFFFFFFFA ss:$0x81] =	vst.msk $0xffff, v4;
	v4 =	vld [tilespmem:s15+$0x20]  }
0x2d: {  	s14 =	simm.s32 $0x0;
	s13 =	sor.u32 $0x1000, s13;
	v0 =	vld [tilespmem:s15+$0xFFFFFFC0];
	[tilespmem:s12+$0xFFFFFFFB ss:$0x81] =	vst.msk $0xffff, v5;
	s15 =	sadd.s32 $0x80, s15  }
.LBB1_3:
0x2e: {  	v5 =	vld [tilespmem:s15+$0x30];
	s14 =	sadd.s32 $0x8, s14;
	[tilespmem:s12+$0xFFFFFFFC ss:$0x81] =	vst.msk $0xffff, v2  }
0x2f: {  	v6 =	vld [tilespmem:s15+$0xFFFFFFD0];
	p1 =	slt.u32 s14, $0x78;
	[tilespmem:s12+$0xFFFFFFFD ss:$0x81] =	vst.msk $0xffff, v3  }
0x30: {  	v7 =	vld [tilespmem:s15+$0xFFFFFFE0];
	[tilespmem:s12+$0xFFFFFFFE ss:$0x81] =	vst.msk $0xffff, v1  }
.Ltmp3:
0x31: {  	v2 =	vld [tilespmem:s15+$0xFFFFFFF0];
	[tilespmem:s12+$0xFFFFFFFF ss:$0x81] =	vst.msk $0xffff, v4;
	(pc) =	sbr.rel @p1 .LBB1_3-.Ltmp3, $4  }
0x32: {  	v3 =	vld [tilespmem:s15+$0x0];
	[tilespmem:s12+$0xFFFFFFF9 ss:$0x81] =	vst.msk $0xffff, v0;
	s12 =	sadd.s32 $0x8, s12  }
0x33: {  	v1 =	vld [tilespmem:s15+$0x10];
	[tilespmem:s12+$0x0 ss:$0x81] =	vst.msk $0xffff, v5  }
0x34: {  	[tilespmem:s12+$0xFFFFFFFA ss:$0x81] =	vst.msk $0xffff, v6;
	v4 =	vld [tilespmem:s15+$0x20]  }
0x35: {  	v0 =	vld [tilespmem:s15+$0xFFFFFFC0];
	[tilespmem:s12+$0xFFFFFFFB ss:$0x81] =	vst.msk $0xffff, v7;
	s15 =	sadd.s32 $0x80, s15  }
.Ltmp4:
0x36: {  	_ = 	snop;
	(pc) =	sbr.rel .LBB1_4-.Ltmp4, $1  }
0x37: {  	_ =	sdelay $0x3  }
.LBB1_6:
0x38: {  	_ =	sfence.sel $0x180000  }
0x39: {  	s2 =	simm.s32 $0x1;
	[bflag:$0x0] =	sbarrier.arrive $0xFFFF  }
0x3a: {  	s31 =	simm.s32 $0x2;
	[sflag:s2] =	ssyncpa.u1 $0x1  }
0x3b: {  	[sflag:s31] =	ssyncpa.u1 $0x1  }
0x3c: {  	p0 =	sne.s32 s0, $0x0;
	_ =	strace $0x9000004A  }
0x3d: {  	s0 =	sadd.s32 @!p0 $0x100000, s1;
	[bflag:$0x2] =	sbarrier.arrive $0xFFFF  }
0x3e: {  	[sflag:s0] =	ssyncadd.tile.s32 @!p0 $0x1;
	_ =	shalt  }
.Lfunc_end1:
_tile_overlayer_lowered:
.L_overlay_start_2:
0x3f: {  	(tag) =	ssettag $0x2  }
0x40: {  	s0 =	rddreg [dreg:$0x0];
	s2 =	stileid.u32  }
0x41: {  	s1 =	rddreg [dreg:$0x1];
	p0 =	sne.s32 s2, $0x0  }
0x42: {  	s3 =	rddreg [dreg:$0x2];
	[bflag:$0x3] =	sbarrier.arrive $0xFFFF;
	s2 =	simm.s32 @!p0 $0x1C01  }
0x43: {  	[timem:s3], [sflag:s2] =	dma.local @!p0 [hbm:s0], s1  }
0x44: {  	s0 =	simm.s32 @!p0 $0x1  }
0x45: {  	_ =	swait.ge @!p0 [sflag:s0], s1  }
0x46: {  	s1 =	ssub.s32 @!p0 $0x0, s1;
	[sflag:s0] =	ssyncset.done @!p0 $0x0  }
0x47: {  	[sflag:s0] =	ssyncadd.s32 @!p0 s1  }
0x48: {  	[bflag:$0x3] =	sbarrier.arrive $0xFFFF  }
0x49: {  	_ =	shalt  }

</sc_bundles>
